<compile_context>
chip_gen: v7x
topology: tpu7x:2x2x1
jax: 0.10.2.dev20260603
libtpu: 0.0.44.dev20260713+nightly
codegen_flags: <defaults>
</compile_context>

<pallas_src>
import functools

import jax
import jax.numpy as jnp
from jax import lax
from jax.experimental import pallas as pl
from jax.experimental.pallas import tpu as pltpu
from jax.experimental.pallas import tpu_sc as plsc

N = 10000
E = 320000
D_IN = 128
D_HID = 128
D_OUT = 64

NC, NS = 2, 16
NP = 10240
SLICE = NP // NS
K = 80

TW = E // K
WF = TW // NS
WE = TW // (NC * NS)
CH = 250
NCH = WF // CH
NB = 5
DEG_FIRE = 25

_mesh = plsc.VectorSubcoreMesh(core_axis_name="c", subcore_axis_name="s")
_sc_params = pltpu.CompilerParams(use_tc_tiling_on_sc=False)



@functools.partial(
    pl.kernel,
    out_type=jax.ShapeDtypeStruct((NC, NP), jnp.float32),
    mesh=_mesh,
    scratch_types=[
        pltpu.VMEM((WE, K), jnp.int32),
        pltpu.VMEM((K,), jnp.float32),
        pltpu.VMEM((SLICE,), jnp.float32),
        pltpu.VMEM_SHARED((NP,), jnp.float32),
        pltpu.SemaphoreType.DMA,
    ],
    compiler_params=_sc_params,
)
def _deg_kernel(e_hbm, out_hbm, dst_v, ones_v, z_v, acc, sem):
    c = lax.axis_index("c")
    s = lax.axis_index("s")
    wid = c * NS + s

    @pl.loop(0, K, step=16)
    def _(i):
        ones_v[pl.ds(i, 16)] = jnp.ones((16,), jnp.float32)

    @pl.loop(0, SLICE, step=16)
    def _(i):
        z_v[pl.ds(i, 16)] = jnp.zeros((16,), jnp.float32)

    pltpu.sync_copy(e_hbm.at[1, pl.ds(wid * WE, WE)], dst_v)
    pltpu.sync_copy(z_v, acc.at[pl.ds(s * SLICE, SLICE)])
    plsc.subcore_barrier()

    @pl.loop(0, WE, step=DEG_FIRE)
    def _(w0):
        @pl.loop(0, DEG_FIRE)
        def _(i):
            pltpu.async_copy(ones_v, acc.at[dst_v.at[w0 + i]], sem, add=True)

        @pl.loop(0, DEG_FIRE)
        def _(i):
            pltpu.make_async_copy(ones_v, acc.at[dst_v.at[w0 + i]], sem).wait()

    plsc.subcore_barrier()
    pltpu.sync_copy(acc.at[pl.ds(s * SLICE, SLICE)],
                    out_hbm.at[c, pl.ds(s * SLICE, SLICE)])


def _make_prop(d2):

    @functools.partial(
        pl.kernel,
        out_type=jax.ShapeDtypeStruct((NC, NP, d2), jnp.float32),
        mesh=_mesh,
        scratch_types=[
            pltpu.VMEM((CH, K), jnp.int32),
            pltpu.VMEM((CH, K), jnp.int32),
            pltpu.VMEM((NB, K, d2), jnp.float32),
            pltpu.VMEM_SHARED((NP, d2), jnp.float32),
        ] + [pltpu.SemaphoreType.DMA] * NB,
        compiler_params=_sc_params,
    )
    def _prop(u_hbm, e_hbm, out_hbm, src_v, dst_v, rows_v, acc, *sems):
        c = lax.axis_index("c")
        s = lax.axis_index("s")
        pltpu.sync_copy(u_hbm.at[c, pl.ds(s * SLICE, SLICE)],
                        acc.at[pl.ds(s * SLICE, SLICE)])
        plsc.subcore_barrier()

        ub = u_hbm.at[c]

        def gather(w, b):
            pltpu.async_copy(ub.at[src_v.at[w]], rows_v.at[b], sems[b])

        def wait_scatter(w, b):
            pltpu.make_async_copy(ub.at[src_v.at[w]], rows_v.at[b],
                                  sems[b]).wait()
            pltpu.sync_copy(rows_v.at[b], acc.at[dst_v.at[w]], add=True)

        @pl.loop(0, NCH)
        def _(ch):
            pltpu.sync_copy(e_hbm.at[0, pl.ds(s * WF + ch * CH, CH)], src_v)
            pltpu.sync_copy(e_hbm.at[1, pl.ds(s * WF + ch * CH, CH)], dst_v)

            for b in range(NB):
                gather(b, b)

            @pl.loop(0, CH // NB - 1)
            def _(j):
                for b in range(NB):
                    w = j * NB + b
                    wait_scatter(w, b)
                    gather(w + NB, b)

            for b in range(NB):
                wait_scatter(CH - NB + b, b)

        plsc.subcore_barrier()
        pltpu.sync_copy(acc.at[pl.ds(s * SLICE, SLICE)],
                        out_hbm.at[c, pl.ds(s * SLICE, SLICE)])

    return _prop


_prop128 = _make_prop(D_HID // NC)


@functools.partial(
    pl.kernel,
    out_type=jax.ShapeDtypeStruct((NC, NP, D_OUT), jnp.float32),
    mesh=_mesh,
    scratch_types=[
        pltpu.VMEM((WE, K), jnp.int32),
        pltpu.VMEM((WE, K), jnp.int32),
        pltpu.VMEM((NB, K, D_OUT), jnp.float32),
        pltpu.VMEM_SHARED((NP, D_OUT), jnp.float32),
    ] + [pltpu.SemaphoreType.DMA] * NB,
    compiler_params=_sc_params,
)
def _prop64(u_hbm, e_hbm, out_hbm, src_v, dst_v, rows_v, acc, *sems):
    c = lax.axis_index("c")
    s = lax.axis_index("s")
    wid = c * NS + s
    pltpu.sync_copy(e_hbm.at[0, pl.ds(wid * WE, WE)], src_v)
    pltpu.sync_copy(e_hbm.at[1, pl.ds(wid * WE, WE)], dst_v)
    pltpu.sync_copy(u_hbm.at[pl.ds(s * SLICE, SLICE)],
                    acc.at[pl.ds(s * SLICE, SLICE)])
    plsc.subcore_barrier()

    def gather(w, b):
        pltpu.async_copy(u_hbm.at[src_v.at[w]], rows_v.at[b], sems[b])

    def wait_scatter(w, b):
        pltpu.make_async_copy(u_hbm.at[src_v.at[w]], rows_v.at[b],
                              sems[b]).wait()
        pltpu.sync_copy(rows_v.at[b], acc.at[dst_v.at[w]], add=True)

    for b in range(NB):
        gather(b, b)

    @pl.loop(0, WE // NB - 1)
    def _(j):
        for b in range(NB):
            w = j * NB + b
            wait_scatter(w, b)
            gather(w + NB, b)

    for b in range(NB):
        wait_scatter(WE - NB + b, b)

    plsc.subcore_barrier()
    pltpu.sync_copy(acc.at[pl.ds(s * SLICE, SLICE)],
                    out_hbm.at[c, pl.ds(s * SLICE, SLICE)])



_BLK = 2048
_GRID = NP // _BLK
_tc_params = pltpu.CompilerParams(dimension_semantics=("parallel",))
_H2 = D_HID // NC
_O2 = D_OUT // NC


def _dinv(degp_ref):
    i = pl.program_id(0)
    deg = degp_ref[0, pl.ds(i * _BLK, _BLK)] + degp_ref[1, pl.ds(i * _BLK, _BLK)] + 1.0
    return lax.rsqrt(deg)[:, None]


def _layer1_body(degp_ref, x_ref, w1_ref, u_ref):
    t1 = lax.dot_general(x_ref[...], w1_ref[...], (((1,), (1,)), ((), ())),
                         preferred_element_type=jnp.float32)
    scaled = t1 * _dinv(degp_ref)
    u_ref[0] = scaled[:, :_H2]
    u_ref[1] = scaled[:, _H2:]


def _layer2_body(degp_ref, parts_ref, b1_ref, w2_ref, u2_ref):
    dinv = _dinv(degp_ref)
    agg = jnp.concatenate([parts_ref[0], parts_ref[1]], axis=-1)
    h = jnp.maximum(agg * dinv + b1_ref[...], 0.0)
    t2 = lax.dot_general(h, w2_ref[...], (((1,), (1,)), ((), ())),
                         preferred_element_type=jnp.float32)
    u2_ref[...] = t2 * dinv


def _final_body(degp_ref, parts_ref, u2_ref, b2_ref, o_ref):
    agg = parts_ref[0] + parts_ref[1] - u2_ref[...]
    o_ref[...] = agg * _dinv(degp_ref) + b2_ref[...]


def _full(shape):
    return pl.BlockSpec(shape, lambda i: tuple(0 for _ in shape))


def _rows(d):
    return pl.BlockSpec((_BLK, d), lambda i: (i, 0))


_degs = pl.BlockSpec((NC, NP), lambda i: (0, 0))


def _parts(d2):
    return pl.BlockSpec((NC, _BLK, d2), lambda i: (0, i, 0))


def kernel(x, edge_index, W1, b1, W2, b2):
    e4 = edge_index.reshape(2, TW, K)
    xp = jnp.pad(x, ((0, NP - N), (0, 0)))
    b1r = b1.reshape(1, D_HID)
    b2r = b2.reshape(1, D_OUT)

    degp = _deg_kernel(e4)

    u1 = pl.pallas_call(
        _layer1_body,
        grid=(_GRID,),
        in_specs=[_degs, _rows(D_IN), _full((D_HID, D_IN))],
        out_specs=_parts(_H2),
        out_shape=jax.ShapeDtypeStruct((NC, NP, _H2), jnp.float32),
        compiler_params=_tc_params,
    )(degp, xp, W1)

    parts1 = _prop128(u1, e4)

    u2 = pl.pallas_call(
        _layer2_body,
        grid=(_GRID,),
        in_specs=[_degs, _parts(_H2), _full((1, D_HID)),
                  _full((D_OUT, D_HID))],
        out_specs=_rows(D_OUT),
        out_shape=jax.ShapeDtypeStruct((NP, D_OUT), jnp.float32),
        compiler_params=_tc_params,
    )(degp, parts1, b1r, W2)

    parts2 = _prop64(u2, e4)

    outp = pl.pallas_call(
        _final_body,
        grid=(_GRID,),
        in_specs=[_degs,
                  pl.BlockSpec((NC, _BLK, D_OUT), lambda i: (0, i, 0)),
                  _rows(D_OUT), _full((1, D_OUT))],
        out_specs=_rows(D_OUT),
        out_shape=jax.ShapeDtypeStruct((NP, D_OUT), jnp.float32),
        compiler_params=_tc_params,
    )(degp, parts2, u2, b2r)

    return outp[:N]

# --- scband reference (transcript-rebuilt; emitter-appended) ---
"""Pipeline reference for scband-sgcencoder-66915590472501 (READ-ONLY COPY).

The authoritative reference and input builder live on the scoring server;
editing this copy changes nothing except your own understanding.
"""

import jax, jax.numpy as jnp
import numpy as np

N_NODES = 10000
N_EDGES = 320000
D_IN = 128
D_HID = 128  # 2 * output_dim
D_OUT = 64


def setup_inputs(seed: int = 0) -> dict:
    key = jax.random.key(seed)
    k1, k2, k3, k4, k5, k6 = jax.random.split(key, 6)
    x = jax.random.normal(k1, (N_NODES, D_IN), dtype=jnp.float32)
    edge_index = jax.random.randint(k2, (2, N_EDGES), 0, N_NODES).astype(jnp.int32)
    # SGConv linear layers (PyG: Linear(in, out) => weight [out, in], bias [out])
    W1 = jax.random.normal(k3, (D_HID, D_IN), dtype=jnp.float32) * (1.0 / np.sqrt(D_IN))
    b1 = jnp.zeros((D_HID,), dtype=jnp.float32)
    W2 = jax.random.normal(k4, (D_OUT, D_HID), dtype=jnp.float32) * (1.0 / np.sqrt(D_HID))
    b2 = jnp.zeros((D_OUT,), dtype=jnp.float32)
    return {"x": x, "edge_index": edge_index, "W1": W1, "b1": b1, "W2": W2, "b2": b2}


def _sgconv(x, src, dst, W, b, n_nodes):
    # GCN normalization with self-loops (K=1 hop, PyG SGConv default)
    loop = jnp.arange(n_nodes, dtype=src.dtype)
    src_sl = jnp.concatenate([src, loop])
    dst_sl = jnp.concatenate([dst, loop])
    ew = jnp.ones(src_sl.shape[0], dtype=x.dtype)
    deg = jnp.zeros((n_nodes,), dtype=x.dtype).at[dst_sl].add(ew)
    deg_inv_sqrt = jnp.where(deg > 0, 1.0 / jnp.sqrt(deg), 0.0)
    norm = deg_inv_sqrt[src_sl] * deg_inv_sqrt[dst_sl]
    msgs = norm[:, None] * x[src_sl]
    agg = jnp.zeros((n_nodes, x.shape[1]), dtype=x.dtype).at[dst_sl].add(msgs)
    return agg @ W.T + b


def reference(x, edge_index, W1, b1, W2, b2):
    src = edge_index[0]
    dst = edge_index[1]
    h = jax.nn.relu(_sgconv(x, src, dst, W1, b1, N_NODES))
    out = _sgconv(h, src, dst, W2, b2, N_NODES)
    return out

if __name__ == "__main__":
    import jax
    _d = setup_inputs()
    print(jax.jit(kernel)(*tuple(_d.values())))

</pallas_src>

<mosaic_0001>
#map = affine_map<(d0, d1) -> (0, 0, 0)>
#map1 = affine_map<(d0, d1) -> (0, 0)>
module attributes {stable_mosaic.version = 14 : i64} {
  func.func @_deg_kernel(%arg0: i32, %arg1: i32, %arg2: memref<2x4000x80xi32, #tpu.memory_space<hbm>>, %arg3: memref<2x10240xf32, #tpu.memory_space<hbm>>, %arg4: memref<125x80xi32, #tpu.memory_space<vmem>>, %arg5: memref<80xf32, #tpu.memory_space<vmem>>, %arg6: memref<640xf32, #tpu.memory_space<vmem>>, %arg7: memref<10240xf32, #tpu.memory_space<vmem_shared>>, %arg8: memref<!tpu.dma_semaphore, #tpu.memory_space<semaphore_mem>>) attributes {dimension_semantics = [#tpu.dimension_semantics<core_parallel>, #tpu.dimension_semantics<subcore_parallel>], iteration_bounds = array<i64: 2, 16>, scalar_prefetch = 0 : i64, scratch_operands = 5 : i64, tpu.core_type = #tpu.core_type<sc_vector_subcore>, window_params = [{transform_indices = #map}, {transform_indices = #map1}]} {
    %mul3A = arith.constant 16 : i32
    %mul3A_0 = arith.muli %arg0, %mul3A : i32
    %add3A = arith.addi %mul3A_0, %arg1 : i32
    %scan3A = arith.constant 0 : i32
    %scan3A_1 = arith.constant 5 : i32
    %scan3A_2 = arith.addi %scan3A, %scan3A_1 : i32
    %scan3A_3 = arith.constant 1 : i32
    scf.for %scan3A_24 = %scan3A to %scan3A_2 step %scan3A_3  : i32 {
      %mul3A_25 = arith.constant 16 : i32
      %mul3A_26 = arith.muli %scan3A_24, %mul3A_25 : i32
      %add3A_27 = arith.constant 0 : i32
      %add3A_28 = arith.addi %add3A_27, %mul3A_26 : i32
      %broadcast_in_dim3A = arith.constant 1.000000e+00 : f32
      %broadcast_in_dim3A_29 = vector.broadcast %broadcast_in_dim3A : f32 to vector<16xf32>
      %swap3A = arith.index_cast %add3A_28 : i32 to index
      %swap3A_30 = tpu.vector_load %arg5[%swap3A] {strides = array<i32>} : memref<80xf32, #tpu.memory_space<vmem>>, vector<16xf32>,
      %swap3A_31 = vector.shape_cast %swap3A_30 : vector<16xf32> to vector<16xf32>
      %swap3A_32 = vector.shape_cast %broadcast_in_dim3A_29 : vector<16xf32> to vector<16xf32>
      tpu.vector_store %arg5[%swap3A], %swap3A_32 {strides = array<i32>} : memref<80xf32, #tpu.memory_space<vmem>>, vector<16xf32>,
    }
    %scan3A_4 = arith.constant 5 : i32
    %scan3A_5 = arith.constant 0 : i32
    %scan3A_6 = arith.constant 40 : i32
    %scan3A_7 = arith.addi %scan3A_5, %scan3A_6 : i32
    %scan3A_8 = arith.constant 1 : i32
    scf.for %scan3A_24 = %scan3A_5 to %scan3A_7 step %scan3A_8  : i32 {
      %mul3A_25 = arith.constant 16 : i32
      %mul3A_26 = arith.muli %scan3A_24, %mul3A_25 : i32
      %add3A_27 = arith.constant 0 : i32
      %add3A_28 = arith.addi %add3A_27, %mul3A_26 : i32
      %broadcast_in_dim3A = arith.constant 0.000000e+00 : f32
      %broadcast_in_dim3A_29 = vector.broadcast %broadcast_in_dim3A : f32 to vector<16xf32>
      %swap3A = arith.index_cast %add3A_28 : i32 to index
      %swap3A_30 = tpu.vector_load %arg6[%swap3A] {strides = array<i32>} : memref<640xf32, #tpu.memory_space<vmem>>, vector<16xf32>,
      %swap3A_31 = vector.shape_cast %swap3A_30 : vector<16xf32> to vector<16xf32>
      %swap3A_32 = vector.shape_cast %broadcast_in_dim3A_29 : vector<16xf32> to vector<16xf32>
      tpu.vector_store %arg6[%swap3A], %swap3A_32 {strides = array<i32>} : memref<640xf32, #tpu.memory_space<vmem>>, vector<16xf32>,
    }
    %scan3A_9 = arith.constant 40 : i32
    %mul3A_10 = arith.constant 125 : i32
    %mul3A_11 = arith.muli %add3A, %mul3A_10 : i32
    %run_scoped3A = arith.constant 1 : i32
    "tpu.region"() ({
      %run_scoped3A_24 = tpu.sem_alloc : memref<!tpu.dma_semaphore, #tpu.memory_space<semaphore_mem>>
      %dma_start3A = arith.constant 0 : i32
      %dma_start3A_25 = tpu.memref_slice %arg2[%run_scoped3A, %mul3A_11, %dma_start3A] : memref<2x4000x80xi32, #tpu.memory_space<hbm>> -> memref<1x125x80xi32, #tpu.memory_space<hbm>>
      %dma_start3A_26 = tpu.memref_squeeze %dma_start3A_25 : memref<1x125x80xi32, #tpu.memory_space<hbm>> -> memref<125x80xi32, #tpu.memory_space<hbm>>
      %dma_start3A_27 = arith.constant 0 : i32
      %dma_start3A_28 = tpu.memref_slice %arg2[%run_scoped3A, %mul3A_11, %dma_start3A_27] : memref<2x4000x80xi32, #tpu.memory_space<hbm>> -> memref<1x125x80xi32, #tpu.memory_space<hbm>>
      %dma_start3A_29 = tpu.memref_squeeze %dma_start3A_28 : memref<1x125x80xi32, #tpu.memory_space<hbm>> -> memref<125x80xi32, #tpu.memory_space<hbm>>
      tpu.enqueue_dma source(%dma_start3A_29 : memref<125x80xi32, #tpu.memory_space<hbm>>) target(%arg4 : memref<125x80xi32, #tpu.memory_space<vmem>>) target_semaphore(%run_scoped3A_24 : memref<!tpu.dma_semaphore, #tpu.memory_space<semaphore_mem>>)
      %dma_wait3A = arith.constant 0 : i32
      %dma_wait3A_30 = tpu.memref_slice %arg2[%run_scoped3A, %mul3A_11, %dma_wait3A] : memref<2x4000x80xi32, #tpu.memory_space<hbm>> -> memref<1x125x80xi32, #tpu.memory_space<hbm>>
      %dma_wait3A_31 = tpu.memref_squeeze %dma_wait3A_30 : memref<1x125x80xi32, #tpu.memory_space<hbm>> -> memref<125x80xi32, #tpu.memory_space<hbm>>
      %dma_wait3A_32 = arith.constant 0 : i32
      %dma_wait3A_33 = tpu.memref_slice %arg2[%run_scoped3A, %mul3A_11, %dma_wait3A_32] : memref<2x4000x80xi32, #tpu.memory_space<hbm>> -> memref<1x125x80xi32, #tpu.memory_space<hbm>>
      %dma_wait3A_34 = tpu.memref_squeeze %dma_wait3A_33 : memref<1x125x80xi32, #tpu.memory_space<hbm>> -> memref<125x80xi32, #tpu.memory_space<hbm>>
      tpu.wait_dma2 semaphore(%run_scoped3A_24 : memref<!tpu.dma_semaphore, #tpu.memory_space<semaphore_mem>>) src(%dma_wait3A_34 : memref<125x80xi32, #tpu.memory_space<hbm>>) dst(%arg4 : memref<125x80xi32, #tpu.memory_space<vmem>>)
      tpu.yield
    }) : () -> ()
    %mul3A_12 = arith.constant 640 : i32
    %mul3A_13 = arith.muli %arg1, %mul3A_12 : i32
    "tpu.region"() ({
      %run_scoped3A_24 = tpu.sem_alloc : memref<!tpu.dma_semaphore, #tpu.memory_space<semaphore_mem>>
      %dma_start3A = tpu.memref_slice %arg7[%mul3A_13] : memref<10240xf32, #tpu.memory_space<vmem_shared>> -> memref<640xf32, #tpu.memory_space<vmem_shared>>
      %dma_start3A_25 = tpu.memref_slice %arg7[%mul3A_13] : memref<10240xf32, #tpu.memory_space<vmem_shared>> -> memref<640xf32, #tpu.memory_space<vmem_shared>>
      tpu.enqueue_dma source(%arg6 : memref<640xf32, #tpu.memory_space<vmem>>) target(%dma_start3A_25 : memref<640xf32, #tpu.memory_space<vmem_shared>>) target_semaphore(%run_scoped3A_24 : memref<!tpu.dma_semaphore, #tpu.memory_space<semaphore_mem>>)
      %dma_wait3A = tpu.memref_slice %arg7[%mul3A_13] : memref<10240xf32, #tpu.memory_space<vmem_shared>> -> memref<640xf32, #tpu.memory_space<vmem_shared>>
      %dma_wait3A_26 = tpu.memref_slice %arg7[%mul3A_13] : memref<10240xf32, #tpu.memory_space<vmem_shared>> -> memref<640xf32, #tpu.memory_space<vmem_shared>>
      tpu.wait_dma2 semaphore(%run_scoped3A_24 : memref<!tpu.dma_semaphore, #tpu.memory_space<semaphore_mem>>) src(%arg6 : memref<640xf32, #tpu.memory_space<vmem>>) dst(%dma_wait3A_26 : memref<640xf32, #tpu.memory_space<vmem_shared>>)
      tpu.yield
    }) : () -> ()
    %barrier3A = arith.constant 0 : index
    tpu.barrier barrier_id(%barrier3A)
    %scan3A_14 = arith.constant 0 : i32
    %scan3A_15 = arith.constant 5 : i32
    %scan3A_16 = arith.addi %scan3A_14, %scan3A_15 : i32
    %scan3A_17 = arith.constant 1 : i32
    scf.for %scan3A_24 = %scan3A_14 to %scan3A_16 step %scan3A_17  : i32 {
      %mul3A_25 = arith.constant 25 : i32
      %mul3A_26 = arith.muli %scan3A_24, %mul3A_25 : i32
      %add3A_27 = arith.constant 0 : i32
      %add3A_28 = arith.addi %add3A_27, %mul3A_26 : i32
      %scan3A_29 = arith.constant 0 : i32
      %scan3A_30 = arith.constant 25 : i32
      %scan3A_31 = arith.addi %scan3A_29, %scan3A_30 : i32
      %scan3A_32 = arith.constant 1 : i32
      scf.for %scan3A_39 = %scan3A_29 to %scan3A_31 step %scan3A_32  : i32 {
        %mul3A_40 = arith.constant 1 : i32
        %mul3A_41 = arith.muli %scan3A_39, %mul3A_40 : i32
        %add3A_42 = arith.constant 0 : i32
        %add3A_43 = arith.addi %add3A_42, %mul3A_41 : i32
        %add3A_44 = arith.addi %add3A_28, %add3A_43 : i32
        %dma_start3A = arith.constant 0 : i32
        %dma_start3A_45 = tpu.memref_slice %arg4[%add3A_44, %dma_start3A] : memref<125x80xi32, #tpu.memory_space<vmem>> -> memref<1x80xi32, #tpu.memory_space<vmem>>
        %dma_start3A_46 = tpu.memref_squeeze %dma_start3A_45 : memref<1x80xi32, #tpu.memory_space<vmem>> -> memref<80xi32, #tpu.memory_space<vmem>>
        %dma_start3A_47 = arith.constant 0 : i32
        %dma_start3A_48 = tpu.memref_slice %arg7[%dma_start3A_47] : memref<10240xf32, #tpu.memory_space<vmem_shared>> -> memref<10240xf32, #tpu.memory_space<vmem_shared>>
        tpu.enqueue_indirect_dma source(%arg5 : memref<80xf32, #tpu.memory_space<vmem>>) target(%dma_start3A_48 : memref<10240xf32, #tpu.memory_space<vmem_shared>>) offsets(%dma_start3A_46 : memref<80xi32, #tpu.memory_space<vmem>>) semaphore(%arg8 : memref<!tpu.dma_semaphore, #tpu.memory_space<semaphore_mem>>) {add = true}
      }
      %scan3A_33 = arith.constant 25 : i32
      %scan3A_34 = arith.constant 0 : i32
      %scan3A_35 = arith.constant 25 : i32
      %scan3A_36 = arith.addi %scan3A_34, %scan3A_35 : i32
      %scan3A_37 = arith.constant 1 : i32
      scf.for %scan3A_39 = %scan3A_34 to %scan3A_36 step %scan3A_37  : i32 {
        %mul3A_40 = arith.constant 1 : i32
        %mul3A_41 = arith.muli %scan3A_39, %mul3A_40 : i32
        %add3A_42 = arith.constant 0 : i32
        %add3A_43 = arith.addi %add3A_42, %mul3A_41 : i32
        %add3A_44 = arith.addi %add3A_28, %add3A_43 : i32
        %dma_wait3A = arith.constant 0 : i32
        %dma_wait3A_45 = tpu.memref_slice %arg4[%add3A_44, %dma_wait3A] : memref<125x80xi32, #tpu.memory_space<vmem>> -> memref<1x80xi32, #tpu.memory_space<vmem>>
        %dma_wait3A_46 = tpu.memref_squeeze %dma_wait3A_45 : memref<1x80xi32, #tpu.memory_space<vmem>> -> memref<80xi32, #tpu.memory_space<vmem>>
        %dma_wait3A_47 = arith.constant 0 : i32
        %dma_wait3A_48 = tpu.memref_slice %arg7[%dma_wait3A_47] : memref<10240xf32, #tpu.memory_space<vmem_shared>> -> memref<10240xf32, #tpu.memory_space<vmem_shared>>
        tpu.wait_indirect_dma semaphore(%arg8 : memref<!tpu.dma_semaphore, #tpu.memory_space<semaphore_mem>>) src(%arg5 : memref<80xf32, #tpu.memory_space<vmem>>) dst(%dma_wait3A_48 : memref<10240xf32, #tpu.memory_space<vmem_shared>>)
      }
      %scan3A_38 = arith.constant 25 : i32
    }
    %scan3A_18 = arith.constant 5 : i32
    %barrier3A_19 = arith.constant 0 : index
    tpu.barrier barrier_id(%barrier3A_19)
    %mul3A_20 = arith.constant 640 : i32
    %mul3A_21 = arith.muli %arg1, %mul3A_20 : i32
    %mul3A_22 = arith.constant 640 : i32
    %mul3A_23 = arith.muli %arg1, %mul3A_22 : i32
    "tpu.region"() ({
      %run_scoped3A_24 = tpu.sem_alloc : memref<!tpu.dma_semaphore, #tpu.memory_space<semaphore_mem>>
      %dma_start3A = tpu.memref_slice %arg3[%arg0, %mul3A_23] : memref<2x10240xf32, #tpu.memory_space<hbm>> -> memref<1x640xf32, #tpu.memory_space<hbm>>
      %dma_start3A_25 = tpu.memref_squeeze %dma_start3A : memref<1x640xf32, #tpu.memory_space<hbm>> -> memref<640xf32, #tpu.memory_space<hbm>>
      %dma_start3A_26 = tpu.memref_slice %arg7[%mul3A_21] : memref<10240xf32, #tpu.memory_space<vmem_shared>> -> memref<640xf32, #tpu.memory_space<vmem_shared>>
      tpu.enqueue_dma source(%dma_start3A_26 : memref<640xf32, #tpu.memory_space<vmem_shared>>) target(%dma_start3A_25 : memref<640xf32, #tpu.memory_space<hbm>>) target_semaphore(%run_scoped3A_24 : memref<!tpu.dma_semaphore, #tpu.memory_space<semaphore_mem>>)
      %dma_wait3A = tpu.memref_slice %arg3[%arg0, %mul3A_23] : memref<2x10240xf32, #tpu.memory_space<hbm>> -> memref<1x640xf32, #tpu.memory_space<hbm>>
      %dma_wait3A_27 = tpu.memref_squeeze %dma_wait3A : memref<1x640xf32, #tpu.memory_space<hbm>> -> memref<640xf32, #tpu.memory_space<hbm>>
      %dma_wait3A_28 = tpu.memref_slice %arg7[%mul3A_21] : memref<10240xf32, #tpu.memory_space<vmem_shared>> -> memref<640xf32, #tpu.memory_space<vmem_shared>>
      tpu.wait_dma2 semaphore(%run_scoped3A_24 : memref<!tpu.dma_semaphore, #tpu.memory_space<semaphore_mem>>) src(%dma_wait3A_28 : memref<640xf32, #tpu.memory_space<vmem_shared>>) dst(%dma_wait3A_27 : memref<640xf32, #tpu.memory_space<hbm>>)
      tpu.yield
    }) : () -> ()
    return
  }
}

#map = affine_map<(d0, d1) -> (0, 0)>
#map1 = affine_map<(d0, d1) -> (0, 0, 0)>
module attributes {stable_mosaic.version = 14 : i64} {
  func.func @_prop64(%arg0: i32, %arg1: i32, %arg2: memref<10240x64xf32, #tpu.memory_space<hbm>>, %arg3: memref<2x4000x80xi32, #tpu.memory_space<hbm>>, %arg4: memref<2x10240x64xf32, #tpu.memory_space<hbm>>, %arg5: memref<125x80xi32, #tpu.memory_space<vmem>>, %arg6: memref<125x80xi32, #tpu.memory_space<vmem>>, %arg7: memref<5x80x64xf32, #tpu.memory_space<vmem>>, %arg8: memref<10240x64xf32, #tpu.memory_space<vmem_shared>>, %arg9: memref<!tpu.dma_semaphore, #tpu.memory_space<semaphore_mem>>, %arg10: memref<!tpu.dma_semaphore, #tpu.memory_space<semaphore_mem>>, %arg11: memref<!tpu.dma_semaphore, #tpu.memory_space<semaphore_mem>>, %arg12: memref<!tpu.dma_semaphore, #tpu.memory_space<semaphore_mem>>, %arg13: memref<!tpu.dma_semaphore, #tpu.memory_space<semaphore_mem>>) attributes {dimension_semantics = [#tpu.dimension_semantics<core_parallel>, #tpu.dimension_semantics<subcore_parallel>], iteration_bounds = array<i64: 2, 16>, scalar_prefetch = 0 : i64, scratch_operands = 9 : i64, tpu.core_type = #tpu.core_type<sc_vector_subcore>, window_params = [{transform_indices = #map}, {transform_indices = #map1}, {transform_indices = #map1}]} {
    %mul3A = arith.constant 16 : i32
    %mul3A_0 = arith.muli %arg0, %mul3A : i32
    %add3A = arith.addi %mul3A_0, %arg1 : i32
    %mul3A_1 = arith.constant 125 : i32
    %mul3A_2 = arith.muli %add3A, %mul3A_1 : i32
    %run_scoped3A = arith.constant 0 : i32
    "tpu.region"() ({
      %run_scoped3A_147 = tpu.sem_alloc : memref<!tpu.dma_semaphore, #tpu.memory_space<semaphore_mem>>
      %dma_start3A_148 = arith.constant 0 : i32
      %dma_start3A_149 = tpu.memref_slice %arg3[%run_scoped3A, %mul3A_2, %dma_start3A_148] : memref<2x4000x80xi32, #tpu.memory_space<hbm>> -> memref<1x125x80xi32, #tpu.memory_space<hbm>>
      %dma_start3A_150 = tpu.memref_squeeze %dma_start3A_149 : memref<1x125x80xi32, #tpu.memory_space<hbm>> -> memref<125x80xi32, #tpu.memory_space<hbm>>
      %dma_start3A_151 = arith.constant 0 : i32
      %dma_start3A_152 = tpu.memref_slice %arg3[%run_scoped3A, %mul3A_2, %dma_start3A_151] : memref<2x4000x80xi32, #tpu.memory_space<hbm>> -> memref<1x125x80xi32, #tpu.memory_space<hbm>>
      %dma_start3A_153 = tpu.memref_squeeze %dma_start3A_152 : memref<1x125x80xi32, #tpu.memory_space<hbm>> -> memref<125x80xi32, #tpu.memory_space<hbm>>
      tpu.enqueue_dma source(%dma_start3A_153 : memref<125x80xi32, #tpu.memory_space<hbm>>) target(%arg5 : memref<125x80xi32, #tpu.memory_space<vmem>>) target_semaphore(%run_scoped3A_147 : memref<!tpu.dma_semaphore, #tpu.memory_space<semaphore_mem>>)
      %dma_wait3A_154 = arith.constant 0 : i32
      %dma_wait3A_155 = tpu.memref_slice %arg3[%run_scoped3A, %mul3A_2, %dma_wait3A_154] : memref<2x4000x80xi32, #tpu.memory_space<hbm>> -> memref<1x125x80xi32, #tpu.memory_space<hbm>>
      %dma_wait3A_156 = tpu.memref_squeeze %dma_wait3A_155 : memref<1x125x80xi32, #tpu.memory_space<hbm>> -> memref<125x80xi32, #tpu.memory_space<hbm>>
      %dma_wait3A_157 = arith.constant 0 : i32
      %dma_wait3A_158 = tpu.memref_slice %arg3[%run_scoped3A, %mul3A_2, %dma_wait3A_157] : memref<2x4000x80xi32, #tpu.memory_space<hbm>> -> memref<1x125x80xi32, #tpu.memory_space<hbm>>
      %dma_wait3A_159 = tpu.memref_squeeze %dma_wait3A_158 : memref<1x125x80xi32, #tpu.memory_space<hbm>> -> memref<125x80xi32, #tpu.memory_space<hbm>>
      tpu.wait_dma2 semaphore(%run_scoped3A_147 : memref<!tpu.dma_semaphore, #tpu.memory_space<semaphore_mem>>) src(%dma_wait3A_159 : memref<125x80xi32, #tpu.memory_space<hbm>>) dst(%arg5 : memref<125x80xi32, #tpu.memory_space<vmem>>)
      tpu.yield
    }) : () -> ()
    %mul3A_3 = arith.constant 125 : i32
    %mul3A_4 = arith.muli %add3A, %mul3A_3 : i32
    %run_scoped3A_5 = arith.constant 1 : i32
    "tpu.region"() ({
      %run_scoped3A_147 = tpu.sem_alloc : memref<!tpu.dma_semaphore, #tpu.memory_space<semaphore_mem>>
      %dma_start3A_148 = arith.constant 0 : i32
      %dma_start3A_149 = tpu.memref_slice %arg3[%run_scoped3A_5, %mul3A_4, %dma_start3A_148] : memref<2x4000x80xi32, #tpu.memory_space<hbm>> -> memref<1x125x80xi32, #tpu.memory_space<hbm>>
      %dma_start3A_150 = tpu.memref_squeeze %dma_start3A_149 : memref<1x125x80xi32, #tpu.memory_space<hbm>> -> memref<125x80xi32, #tpu.memory_space<hbm>>
      %dma_start3A_151 = arith.constant 0 : i32
      %dma_start3A_152 = tpu.memref_slice %arg3[%run_scoped3A_5, %mul3A_4, %dma_start3A_151] : memref<2x4000x80xi32, #tpu.memory_space<hbm>> -> memref<1x125x80xi32, #tpu.memory_space<hbm>>
      %dma_start3A_153 = tpu.memref_squeeze %dma_start3A_152 : memref<1x125x80xi32, #tpu.memory_space<hbm>> -> memref<125x80xi32, #tpu.memory_space<hbm>>
      tpu.enqueue_dma source(%dma_start3A_153 : memref<125x80xi32, #tpu.memory_space<hbm>>) target(%arg6 : memref<125x80xi32, #tpu.memory_space<vmem>>) target_semaphore(%run_scoped3A_147 : memref<!tpu.dma_semaphore, #tpu.memory_space<semaphore_mem>>)
      %dma_wait3A_154 = arith.constant 0 : i32
      %dma_wait3A_155 = tpu.memref_slice %arg3[%run_scoped3A_5, %mul3A_4, %dma_wait3A_154] : memref<2x4000x80xi32, #tpu.memory_space<hbm>> -> memref<1x125x80xi32, #tpu.memory_space<hbm>>
      %dma_wait3A_156 = tpu.memref_squeeze %dma_wait3A_155 : memref<1x125x80xi32, #tpu.memory_space<hbm>> -> memref<125x80xi32, #tpu.memory_space<hbm>>
      %dma_wait3A_157 = arith.constant 0 : i32
      %dma_wait3A_158 = tpu.memref_slice %arg3[%run_scoped3A_5, %mul3A_4, %dma_wait3A_157] : memref<2x4000x80xi32, #tpu.memory_space<hbm>> -> memref<1x125x80xi32, #tpu.memory_space<hbm>>
      %dma_wait3A_159 = tpu.memref_squeeze %dma_wait3A_158 : memref<1x125x80xi32, #tpu.memory_space<hbm>> -> memref<125x80xi32, #tpu.memory_space<hbm>>
      tpu.wait_dma2 semaphore(%run_scoped3A_147 : memref<!tpu.dma_semaphore, #tpu.memory_space<semaphore_mem>>) src(%dma_wait3A_159 : memref<125x80xi32, #tpu.memory_space<hbm>>) dst(%arg6 : memref<125x80xi32, #tpu.memory_space<vmem>>)
      tpu.yield
    }) : () -> ()
    %mul3A_6 = arith.constant 640 : i32
    %mul3A_7 = arith.muli %arg1, %mul3A_6 : i32
    %mul3A_8 = arith.constant 640 : i32
    %mul3A_9 = arith.muli %arg1, %mul3A_8 : i32
    "tpu.region"() ({
      %run_scoped3A_147 = tpu.sem_alloc : memref<!tpu.dma_semaphore, #tpu.memory_space<semaphore_mem>>
      %dma_start3A_148 = arith.constant 0 : i32
      %dma_start3A_149 = tpu.memref_slice %arg8[%mul3A_9, %dma_start3A_148] : memref<10240x64xf32, #tpu.memory_space<vmem_shared>> -> memref<640x64xf32, #tpu.memory_space<vmem_shared>>
      %dma_start3A_150 = arith.constant 0 : i32
      %dma_start3A_151 = tpu.memref_slice %arg2[%mul3A_7, %dma_start3A_150] : memref<10240x64xf32, #tpu.memory_space<hbm>> -> memref<640x64xf32, #tpu.memory_space<hbm>>
      tpu.enqueue_dma source(%dma_start3A_151 : memref<640x64xf32, #tpu.memory_space<hbm>>) target(%dma_start3A_149 : memref<640x64xf32, #tpu.memory_space<vmem_shared>>) target_semaphore(%run_scoped3A_147 : memref<!tpu.dma_semaphore, #tpu.memory_space<semaphore_mem>>)
      %dma_wait3A_152 = arith.constant 0 : i32
      %dma_wait3A_153 = tpu.memref_slice %arg8[%mul3A_9, %dma_wait3A_152] : memref<10240x64xf32, #tpu.memory_space<vmem_shared>> -> memref<640x64xf32, #tpu.memory_space<vmem_shared>>
      %dma_wait3A_154 = arith.constant 0 : i32
      %dma_wait3A_155 = tpu.memref_slice %arg2[%mul3A_7, %dma_wait3A_154] : memref<10240x64xf32, #tpu.memory_space<hbm>> -> memref<640x64xf32, #tpu.memory_space<hbm>>
      tpu.wait_dma2 semaphore(%run_scoped3A_147 : memref<!tpu.dma_semaphore, #tpu.memory_space<semaphore_mem>>) src(%dma_wait3A_155 : memref<640x64xf32, #tpu.memory_space<hbm>>) dst(%dma_wait3A_153 : memref<640x64xf32, #tpu.memory_space<vmem_shared>>)
      tpu.yield
    }) : () -> ()
    %barrier3A = arith.constant 0 : index
    tpu.barrier barrier_id(%barrier3A)
    %dma_start3A = arith.constant 0 : i32
    %dma_start3A_10 = arith.constant 0 : i32
    %dma_start3A_11 = arith.constant 0 : i32
    %dma_start3A_12 = arith.constant 0 : i32
    %dma_start3A_13 = tpu.memref_slice %arg7[%dma_start3A_10, %dma_start3A_11, %dma_start3A_12] : memref<5x80x64xf32, #tpu.memory_space<vmem>> -> memref<1x80x64xf32, #tpu.memory_space<vmem>>
    %dma_start3A_14 = tpu.memref_squeeze %dma_start3A_13 : memref<1x80x64xf32, #tpu.memory_space<vmem>> -> memref<80x64xf32, #tpu.memory_space<vmem>>
    %dma_start3A_15 = arith.constant 0 : i32
    %dma_start3A_16 = tpu.memref_slice %arg5[%dma_start3A, %dma_start3A_15] : memref<125x80xi32, #tpu.memory_space<vmem>> -> memref<1x80xi32, #tpu.memory_space<vmem>>
    %dma_start3A_17 = tpu.memref_squeeze %dma_start3A_16 : memref<1x80xi32, #tpu.memory_space<vmem>> -> memref<80xi32, #tpu.memory_space<vmem>>
    %dma_start3A_18 = arith.constant 0 : i32
    %dma_start3A_19 = arith.constant 0 : i32
    %dma_start3A_20 = tpu.memref_slice %arg2[%dma_start3A_18, %dma_start3A_19] : memref<10240x64xf32, #tpu.memory_space<hbm>> -> memref<10240x64xf32, #tpu.memory_space<hbm>>
    tpu.enqueue_indirect_dma source(%dma_start3A_20 : memref<10240x64xf32, #tpu.memory_space<hbm>>) target(%dma_start3A_14 : memref<80x64xf32, #tpu.memory_space<vmem>>) offsets(%dma_start3A_17 : memref<80xi32, #tpu.memory_space<vmem>>) semaphore(%arg9 : memref<!tpu.dma_semaphore, #tpu.memory_space<semaphore_mem>>)
    %dma_start3A_21 = arith.constant 1 : i32
    %dma_start3A_22 = arith.constant 1 : i32
    %dma_start3A_23 = arith.constant 0 : i32
    %dma_start3A_24 = arith.constant 0 : i32
    %dma_start3A_25 = tpu.memref_slice %arg7[%dma_start3A_22, %dma_start3A_23, %dma_start3A_24] : memref<5x80x64xf32, #tpu.memory_space<vmem>> -> memref<1x80x64xf32, #tpu.memory_space<vmem>>
    %dma_start3A_26 = tpu.memref_squeeze %dma_start3A_25 : memref<1x80x64xf32, #tpu.memory_space<vmem>> -> memref<80x64xf32, #tpu.memory_space<vmem>>
    %dma_start3A_27 = arith.constant 0 : i32
    %dma_start3A_28 = tpu.memref_slice %arg5[%dma_start3A_21, %dma_start3A_27] : memref<125x80xi32, #tpu.memory_space<vmem>> -> memref<1x80xi32, #tpu.memory_space<vmem>>
    %dma_start3A_29 = tpu.memref_squeeze %dma_start3A_28 : memref<1x80xi32, #tpu.memory_space<vmem>> -> memref<80xi32, #tpu.memory_space<vmem>>
    %dma_start3A_30 = arith.constant 0 : i32
    %dma_start3A_31 = arith.constant 0 : i32
    %dma_start3A_32 = tpu.memref_slice %arg2[%dma_start3A_30, %dma_start3A_31] : memref<10240x64xf32, #tpu.memory_space<hbm>> -> memref<10240x64xf32, #tpu.memory_space<hbm>>
    tpu.enqueue_indirect_dma source(%dma_start3A_32 : memref<10240x64xf32, #tpu.memory_space<hbm>>) target(%dma_start3A_26 : memref<80x64xf32, #tpu.memory_space<vmem>>) offsets(%dma_start3A_29 : memref<80xi32, #tpu.memory_space<vmem>>) semaphore(%arg10 : memref<!tpu.dma_semaphore, #tpu.memory_space<semaphore_mem>>)
    %dma_start3A_33 = arith.constant 2 : i32
    %dma_start3A_34 = arith.constant 2 : i32
    %dma_start3A_35 = arith.constant 0 : i32
    %dma_start3A_36 = arith.constant 0 : i32
    %dma_start3A_37 = tpu.memref_slice %arg7[%dma_start3A_34, %dma_start3A_35, %dma_start3A_36] : memref<5x80x64xf32, #tpu.memory_space<vmem>> -> memref<1x80x64xf32, #tpu.memory_space<vmem>>
    %dma_start3A_38 = tpu.memref_squeeze %dma_start3A_37 : memref<1x80x64xf32, #tpu.memory_space<vmem>> -> memref<80x64xf32, #tpu.memory_space<vmem>>
    %dma_start3A_39 = arith.constant 0 : i32
    %dma_start3A_40 = tpu.memref_slice %arg5[%dma_start3A_33, %dma_start3A_39] : memref<125x80xi32, #tpu.memory_space<vmem>> -> memref<1x80xi32, #tpu.memory_space<vmem>>
    %dma_start3A_41 = tpu.memref_squeeze %dma_start3A_40 : memref<1x80xi32, #tpu.memory_space<vmem>> -> memref<80xi32, #tpu.memory_space<vmem>>
    %dma_start3A_42 = arith.constant 0 : i32
    %dma_start3A_43 = arith.constant 0 : i32
    %dma_start3A_44 = tpu.memref_slice %arg2[%dma_start3A_42, %dma_start3A_43] : memref<10240x64xf32, #tpu.memory_space<hbm>> -> memref<10240x64xf32, #tpu.memory_space<hbm>>
    tpu.enqueue_indirect_dma source(%dma_start3A_44 : memref<10240x64xf32, #tpu.memory_space<hbm>>) target(%dma_start3A_38 : memref<80x64xf32, #tpu.memory_space<vmem>>) offsets(%dma_start3A_41 : memref<80xi32, #tpu.memory_space<vmem>>) semaphore(%arg11 : memref<!tpu.dma_semaphore, #tpu.memory_space<semaphore_mem>>)
    %dma_start3A_45 = arith.constant 3 : i32
    %dma_start3A_46 = arith.constant 3 : i32
    %dma_start3A_47 = arith.constant 0 : i32
    %dma_start3A_48 = arith.constant 0 : i32
    %dma_start3A_49 = tpu.memref_slice %arg7[%dma_start3A_46, %dma_start3A_47, %dma_start3A_48] : memref<5x80x64xf32, #tpu.memory_space<vmem>> -> memref<1x80x64xf32, #tpu.memory_space<vmem>>
    %dma_start3A_50 = tpu.memref_squeeze %dma_start3A_49 : memref<1x80x64xf32, #tpu.memory_space<vmem>> -> memref<80x64xf32, #tpu.memory_space<vmem>>
    %dma_start3A_51 = arith.constant 0 : i32
    %dma_start3A_52 = tpu.memref_slice %arg5[%dma_start3A_45, %dma_start3A_51] : memref<125x80xi32, #tpu.memory_space<vmem>> -> memref<1x80xi32, #tpu.memory_space<vmem>>
    %dma_start3A_53 = tpu.memref_squeeze %dma_start3A_52 : memref<1x80xi32, #tpu.memory_space<vmem>> -> memref<80xi32, #tpu.memory_space<vmem>>
    %dma_start3A_54 = arith.constant 0 : i32
    %dma_start3A_55 = arith.constant 0 : i32
    %dma_start3A_56 = tpu.memref_slice %arg2[%dma_start3A_54, %dma_start3A_55] : memref<10240x64xf32, #tpu.memory_space<hbm>> -> memref<10240x64xf32, #tpu.memory_space<hbm>>
    tpu.enqueue_indirect_dma source(%dma_start3A_56 : memref<10240x64xf32, #tpu.memory_space<hbm>>) target(%dma_start3A_50 : memref<80x64xf32, #tpu.memory_space<vmem>>) offsets(%dma_start3A_53 : memref<80xi32, #tpu.memory_space<vmem>>) semaphore(%arg12 : memref<!tpu.dma_semaphore, #tpu.memory_space<semaphore_mem>>)
    %dma_start3A_57 = arith.constant 4 : i32
    %dma_start3A_58 = arith.constant 4 : i32
    %dma_start3A_59 = arith.constant 0 : i32
    %dma_start3A_60 = arith.constant 0 : i32
    %dma_start3A_61 = tpu.memref_slice %arg7[%dma_start3A_58, %dma_start3A_59, %dma_start3A_60] : memref<5x80x64xf32, #tpu.memory_space<vmem>> -> memref<1x80x64xf32, #tpu.memory_space<vmem>>
    %dma_start3A_62 = tpu.memref_squeeze %dma_start3A_61 : memref<1x80x64xf32, #tpu.memory_space<vmem>> -> memref<80x64xf32, #tpu.memory_space<vmem>>
    %dma_start3A_63 = arith.constant 0 : i32
    %dma_start3A_64 = tpu.memref_slice %arg5[%dma_start3A_57, %dma_start3A_63] : memref<125x80xi32, #tpu.memory_space<vmem>> -> memref<1x80xi32, #tpu.memory_space<vmem>>
    %dma_start3A_65 = tpu.memref_squeeze %dma_start3A_64 : memref<1x80xi32, #tpu.memory_space<vmem>> -> memref<80xi32, #tpu.memory_space<vmem>>
    %dma_start3A_66 = arith.constant 0 : i32
    %dma_start3A_67 = arith.constant 0 : i32
    %dma_start3A_68 = tpu.memref_slice %arg2[%dma_start3A_66, %dma_start3A_67] : memref<10240x64xf32, #tpu.memory_space<hbm>> -> memref<10240x64xf32, #tpu.memory_space<hbm>>
    tpu.enqueue_indirect_dma source(%dma_start3A_68 : memref<10240x64xf32, #tpu.memory_space<hbm>>) target(%dma_start3A_62 : memref<80x64xf32, #tpu.memory_space<vmem>>) offsets(%dma_start3A_65 : memref<80xi32, #tpu.memory_space<vmem>>) semaphore(%arg13 : memref<!tpu.dma_semaphore, #tpu.memory_space<semaphore_mem>>)
    %scan3A = arith.constant 0 : i32
    %scan3A_69 = arith.constant 24 : i32
    %scan3A_70 = arith.addi %scan3A, %scan3A_69 : i32
    %scan3A_71 = arith.constant 1 : i32
    scf.for %scan3A_147 = %scan3A to %scan3A_70 step %scan3A_71  : i32 {
      %mul3A_148 = arith.constant 1 : i32
      %mul3A_149 = arith.muli %scan3A_147, %mul3A_148 : i32
      %add3A_150 = arith.constant 0 : i32
      %add3A_151 = arith.addi %add3A_150, %mul3A_149 : i32
      %mul3A_152 = arith.constant 5 : i32
      %mul3A_153 = arith.muli %add3A_151, %mul3A_152 : i32
      %add3A_154 = arith.constant 0 : i32
      %add3A_155 = arith.addi %mul3A_153, %add3A_154 : i32
      %dma_wait3A_156 = arith.constant 0 : i32
      %dma_wait3A_157 = arith.constant 0 : i32
      %dma_wait3A_158 = arith.constant 0 : i32
      %dma_wait3A_159 = tpu.memref_slice %arg7[%dma_wait3A_156, %dma_wait3A_157, %dma_wait3A_158] : memref<5x80x64xf32, #tpu.memory_space<vmem>> -> memref<1x80x64xf32, #tpu.memory_space<vmem>>
      %dma_wait3A_160 = tpu.memref_squeeze %dma_wait3A_159 : memref<1x80x64xf32, #tpu.memory_space<vmem>> -> memref<80x64xf32, #tpu.memory_space<vmem>>
      %dma_wait3A_161 = arith.constant 0 : i32
      %dma_wait3A_162 = tpu.memref_slice %arg5[%add3A_155, %dma_wait3A_161] : memref<125x80xi32, #tpu.memory_space<vmem>> -> memref<1x80xi32, #tpu.memory_space<vmem>>
      %dma_wait3A_163 = tpu.memref_squeeze %dma_wait3A_162 : memref<1x80xi32, #tpu.memory_space<vmem>> -> memref<80xi32, #tpu.memory_space<vmem>>
      %dma_wait3A_164 = arith.constant 0 : i32
      %dma_wait3A_165 = arith.constant 0 : i32
      %dma_wait3A_166 = tpu.memref_slice %arg2[%dma_wait3A_164, %dma_wait3A_165] : memref<10240x64xf32, #tpu.memory_space<hbm>> -> memref<10240x64xf32, #tpu.memory_space<hbm>>
      tpu.wait_indirect_dma semaphore(%arg9 : memref<!tpu.dma_semaphore, #tpu.memory_space<semaphore_mem>>) src(%dma_wait3A_166 : memref<10240x64xf32, #tpu.memory_space<hbm>>) dst(%dma_wait3A_160 : memref<80x64xf32, #tpu.memory_space<vmem>>)
      %run_scoped3A_167 = arith.constant 0 : i32
      "tpu.region"() ({
        %run_scoped3A_297 = tpu.sem_alloc : memref<!tpu.dma_semaphore, #tpu.memory_space<semaphore_mem>>
        %dma_start3A_298 = arith.constant 0 : i32
        %dma_start3A_299 = arith.constant 0 : i32
        %dma_start3A_300 = tpu.memref_slice %arg7[%run_scoped3A_167, %dma_start3A_298, %dma_start3A_299] : memref<5x80x64xf32, #tpu.memory_space<vmem>> -> memref<1x80x64xf32, #tpu.memory_space<vmem>>
        %dma_start3A_301 = tpu.memref_squeeze %dma_start3A_300 : memref<1x80x64xf32, #tpu.memory_space<vmem>> -> memref<80x64xf32, #tpu.memory_space<vmem>>
        %dma_start3A_302 = arith.constant 0 : i32
        %dma_start3A_303 = tpu.memref_slice %arg6[%add3A_155, %dma_start3A_302] : memref<125x80xi32, #tpu.memory_space<vmem>> -> memref<1x80xi32, #tpu.memory_space<vmem>>
        %dma_start3A_304 = tpu.memref_squeeze %dma_start3A_303 : memref<1x80xi32, #tpu.memory_space<vmem>> -> memref<80xi32, #tpu.memory_space<vmem>>
        %dma_start3A_305 = arith.constant 0 : i32
        %dma_start3A_306 = arith.constant 0 : i32
        %dma_start3A_307 = tpu.memref_slice %arg8[%dma_start3A_305, %dma_start3A_306] : memref<10240x64xf32, #tpu.memory_space<vmem_shared>> -> memref<10240x64xf32, #tpu.memory_space<vmem_shared>>
        tpu.enqueue_indirect_dma source(%dma_start3A_301 : memref<80x64xf32, #tpu.memory_space<vmem>>) target(%dma_start3A_307 : memref<10240x64xf32, #tpu.memory_space<vmem_shared>>) offsets(%dma_start3A_304 : memref<80xi32, #tpu.memory_space<vmem>>) semaphore(%run_scoped3A_297 : memref<!tpu.dma_semaphore, #tpu.memory_space<semaphore_mem>>) {add = true}
        %dma_wait3A_308 = arith.constant 0 : i32
        %dma_wait3A_309 = arith.constant 0 : i32
        %dma_wait3A_310 = tpu.memref_slice %arg7[%run_scoped3A_167, %dma_wait3A_308, %dma_wait3A_309] : memref<5x80x64xf32, #tpu.memory_space<vmem>> -> memref<1x80x64xf32, #tpu.memory_space<vmem>>
        %dma_wait3A_311 = tpu.memref_squeeze %dma_wait3A_310 : memref<1x80x64xf32, #tpu.memory_space<vmem>> -> memref<80x64xf32, #tpu.memory_space<vmem>>
        %dma_wait3A_312 = arith.constant 0 : i32
        %dma_wait3A_313 = tpu.memref_slice %arg6[%add3A_155, %dma_wait3A_312] : memref<125x80xi32, #tpu.memory_space<vmem>> -> memref<1x80xi32, #tpu.memory_space<vmem>>
        %dma_wait3A_314 = tpu.memref_squeeze %dma_wait3A_313 : memref<1x80xi32, #tpu.memory_space<vmem>> -> memref<80xi32, #tpu.memory_space<vmem>>
        %dma_wait3A_315 = arith.constant 0 : i32
        %dma_wait3A_316 = arith.constant 0 : i32
        %dma_wait3A_317 = tpu.memref_slice %arg8[%dma_wait3A_315, %dma_wait3A_316] : memref<10240x64xf32, #tpu.memory_space<vmem_shared>> -> memref<10240x64xf32, #tpu.memory_space<vmem_shared>>
        tpu.wait_indirect_dma semaphore(%run_scoped3A_297 : memref<!tpu.dma_semaphore, #tpu.memory_space<semaphore_mem>>) src(%dma_wait3A_311 : memref<80x64xf32, #tpu.memory_space<vmem>>) dst(%dma_wait3A_317 : memref<10240x64xf32, #tpu.memory_space<vmem_shared>>)
        tpu.yield
      }) : () -> ()
      %add3A_168 = arith.constant 5 : i32
      %add3A_169 = arith.addi %add3A_155, %add3A_168 : i32
      %dma_start3A_170 = arith.constant 0 : i32
      %dma_start3A_171 = arith.constant 0 : i32
      %dma_start3A_172 = arith.constant 0 : i32
      %dma_start3A_173 = tpu.memref_slice %arg7[%dma_start3A_170, %dma_start3A_171, %dma_start3A_172] : memref<5x80x64xf32, #tpu.memory_space<vmem>> -> memref<1x80x64xf32, #tpu.memory_space<vmem>>
      %dma_start3A_174 = tpu.memref_squeeze %dma_start3A_173 : memref<1x80x64xf32, #tpu.memory_space<vmem>> -> memref<80x64xf32, #tpu.memory_space<vmem>>
      %dma_start3A_175 = arith.constant 0 : i32
      %dma_start3A_176 = tpu.memref_slice %arg5[%add3A_169, %dma_start3A_175] : memref<125x80xi32, #tpu.memory_space<vmem>> -> memref<1x80xi32, #tpu.memory_space<vmem>>
      %dma_start3A_177 = tpu.memref_squeeze %dma_start3A_176 : memref<1x80xi32, #tpu.memory_space<vmem>> -> memref<80xi32, #tpu.memory_space<vmem>>
      %dma_start3A_178 = arith.constant 0 : i32
      %dma_start3A_179 = arith.constant 0 : i32
      %dma_start3A_180 = tpu.memref_slice %arg2[%dma_start3A_178, %dma_start3A_179] : memref<10240x64xf32, #tpu.memory_space<hbm>> -> memref<10240x64xf32, #tpu.memory_space<hbm>>
      tpu.enqueue_indirect_dma source(%dma_start3A_180 : memref<10240x64xf32, #tpu.memory_space<hbm>>) target(%dma_start3A_174 : memref<80x64xf32, #tpu.memory_space<vmem>>) offsets(%dma_start3A_177 : memref<80xi32, #tpu.memory_space<vmem>>) semaphore(%arg9 : memref<!tpu.dma_semaphore, #tpu.memory_space<semaphore_mem>>)
      %mul3A_181 = arith.constant 5 : i32
      %mul3A_182 = arith.muli %add3A_151, %mul3A_181 : i32
      %add3A_183 = arith.constant 1 : i32
      %add3A_184 = arith.addi %mul3A_182, %add3A_183 : i32
      %dma_wait3A_185 = arith.constant 1 : i32
      %dma_wait3A_186 = arith.constant 0 : i32
      %dma_wait3A_187 = arith.constant 0 : i32
      %dma_wait3A_188 = tpu.memref_slice %arg7[%dma_wait3A_185, %dma_wait3A_186, %dma_wait3A_187] : memref<5x80x64xf32, #tpu.memory_space<vmem>> -> memref<1x80x64xf32, #tpu.memory_space<vmem>>
      %dma_wait3A_189 = tpu.memref_squeeze %dma_wait3A_188 : memref<1x80x64xf32, #tpu.memory_space<vmem>> -> memref<80x64xf32, #tpu.memory_space<vmem>>
      %dma_wait3A_190 = arith.constant 0 : i32
      %dma_wait3A_191 = tpu.memref_slice %arg5[%add3A_184, %dma_wait3A_190] : memref<125x80xi32, #tpu.memory_space<vmem>> -> memref<1x80xi32, #tpu.memory_space<vmem>>
      %dma_wait3A_192 = tpu.memref_squeeze %dma_wait3A_191 : memref<1x80xi32, #tpu.memory_space<vmem>> -> memref<80xi32, #tpu.memory_space<vmem>>
      %dma_wait3A_193 = arith.constant 0 : i32
      %dma_wait3A_194 = arith.constant 0 : i32
      %dma_wait3A_195 = tpu.memref_slice %arg2[%dma_wait3A_193, %dma_wait3A_194] : memref<10240x64xf32, #tpu.memory_space<hbm>> -> memref<10240x64xf32, #tpu.memory_space<hbm>>
      tpu.wait_indirect_dma semaphore(%arg10 : memref<!tpu.dma_semaphore, #tpu.memory_space<semaphore_mem>>) src(%dma_wait3A_195 : memref<10240x64xf32, #tpu.memory_space<hbm>>) dst(%dma_wait3A_189 : memref<80x64xf32, #tpu.memory_space<vmem>>)
      %run_scoped3A_196 = arith.constant 1 : i32
      "tpu.region"() ({
        %run_scoped3A_297 = tpu.sem_alloc : memref<!tpu.dma_semaphore, #tpu.memory_space<semaphore_mem>>
        %dma_start3A_298 = arith.constant 0 : i32
        %dma_start3A_299 = arith.constant 0 : i32
        %dma_start3A_300 = tpu.memref_slice %arg7[%run_scoped3A_196, %dma_start3A_298, %dma_start3A_299] : memref<5x80x64xf32, #tpu.memory_space<vmem>> -> memref<1x80x64xf32, #tpu.memory_space<vmem>>
        %dma_start3A_301 = tpu.memref_squeeze %dma_start3A_300 : memref<1x80x64xf32, #tpu.memory_space<vmem>> -> memref<80x64xf32, #tpu.memory_space<vmem>>
        %dma_start3A_302 = arith.constant 0 : i32
        %dma_start3A_303 = tpu.memref_slice %arg6[%add3A_184, %dma_start3A_302] : memref<125x80xi32, #tpu.memory_space<vmem>> -> memref<1x80xi32, #tpu.memory_space<vmem>>
        %dma_start3A_304 = tpu.memref_squeeze %dma_start3A_303 : memref<1x80xi32, #tpu.memory_space<vmem>> -> memref<80xi32, #tpu.memory_space<vmem>>
        %dma_start3A_305 = arith.constant 0 : i32
        %dma_start3A_306 = arith.constant 0 : i32
        %dma_start3A_307 = tpu.memref_slice %arg8[%dma_start3A_305, %dma_start3A_306] : memref<10240x64xf32, #tpu.memory_space<vmem_shared>> -> memref<10240x64xf32, #tpu.memory_space<vmem_shared>>
        tpu.enqueue_indirect_dma source(%dma_start3A_301 : memref<80x64xf32, #tpu.memory_space<vmem>>) target(%dma_start3A_307 : memref<10240x64xf32, #tpu.memory_space<vmem_shared>>) offsets(%dma_start3A_304 : memref<80xi32, #tpu.memory_space<vmem>>) semaphore(%run_scoped3A_297 : memref<!tpu.dma_semaphore, #tpu.memory_space<semaphore_mem>>) {add = true}
        %dma_wait3A_308 = arith.constant 0 : i32
        %dma_wait3A_309 = arith.constant 0 : i32
        %dma_wait3A_310 = tpu.memref_slice %arg7[%run_scoped3A_196, %dma_wait3A_308, %dma_wait3A_309] : memref<5x80x64xf32, #tpu.memory_space<vmem>> -> memref<1x80x64xf32, #tpu.memory_space<vmem>>
        %dma_wait3A_311 = tpu.memref_squeeze %dma_wait3A_310 : memref<1x80x64xf32, #tpu.memory_space<vmem>> -> memref<80x64xf32, #tpu.memory_space<vmem>>
        %dma_wait3A_312 = arith.constant 0 : i32
        %dma_wait3A_313 = tpu.memref_slice %arg6[%add3A_184, %dma_wait3A_312] : memref<125x80xi32, #tpu.memory_space<vmem>> -> memref<1x80xi32, #tpu.memory_space<vmem>>
        %dma_wait3A_314 = tpu.memref_squeeze %dma_wait3A_313 : memref<1x80xi32, #tpu.memory_space<vmem>> -> memref<80xi32, #tpu.memory_space<vmem>>
        %dma_wait3A_315 = arith.constant 0 : i32
        %dma_wait3A_316 = arith.constant 0 : i32
        %dma_wait3A_317 = tpu.memref_slice %arg8[%dma_wait3A_315, %dma_wait3A_316] : memref<10240x64xf32, #tpu.memory_space<vmem_shared>> -> memref<10240x64xf32, #tpu.memory_space<vmem_shared>>
        tpu.wait_indirect_dma semaphore(%run_scoped3A_297 : memref<!tpu.dma_semaphore, #tpu.memory_space<semaphore_mem>>) src(%dma_wait3A_311 : memref<80x64xf32, #tpu.memory_space<vmem>>) dst(%dma_wait3A_317 : memref<10240x64xf32, #tpu.memory_space<vmem_shared>>)
        tpu.yield
      }) : () -> ()
      %add3A_197 = arith.constant 5 : i32
      %add3A_198 = arith.addi %add3A_184, %add3A_197 : i32
      %dma_start3A_199 = arith.constant 1 : i32
      %dma_start3A_200 = arith.constant 0 : i32
      %dma_start3A_201 = arith.constant 0 : i32
      %dma_start3A_202 = tpu.memref_slice %arg7[%dma_start3A_199, %dma_start3A_200, %dma_start3A_201] : memref<5x80x64xf32, #tpu.memory_space<vmem>> -> memref<1x80x64xf32, #tpu.memory_space<vmem>>
      %dma_start3A_203 = tpu.memref_squeeze %dma_start3A_202 : memref<1x80x64xf32, #tpu.memory_space<vmem>> -> memref<80x64xf32, #tpu.memory_space<vmem>>
      %dma_start3A_204 = arith.constant 0 : i32
      %dma_start3A_205 = tpu.memref_slice %arg5[%add3A_198, %dma_start3A_204] : memref<125x80xi32, #tpu.memory_space<vmem>> -> memref<1x80xi32, #tpu.memory_space<vmem>>
      %dma_start3A_206 = tpu.memref_squeeze %dma_start3A_205 : memref<1x80xi32, #tpu.memory_space<vmem>> -> memref<80xi32, #tpu.memory_space<vmem>>
      %dma_start3A_207 = arith.constant 0 : i32
      %dma_start3A_208 = arith.constant 0 : i32
      %dma_start3A_209 = tpu.memref_slice %arg2[%dma_start3A_207, %dma_start3A_208] : memref<10240x64xf32, #tpu.memory_space<hbm>> -> memref<10240x64xf32, #tpu.memory_space<hbm>>
      tpu.enqueue_indirect_dma source(%dma_start3A_209 : memref<10240x64xf32, #tpu.memory_space<hbm>>) target(%dma_start3A_203 : memref<80x64xf32, #tpu.memory_space<vmem>>) offsets(%dma_start3A_206 : memref<80xi32, #tpu.memory_space<vmem>>) semaphore(%arg10 : memref<!tpu.dma_semaphore, #tpu.memory_space<semaphore_mem>>)
      %mul3A_210 = arith.constant 5 : i32
      %mul3A_211 = arith.muli %add3A_151, %mul3A_210 : i32
      %add3A_212 = arith.constant 2 : i32
      %add3A_213 = arith.addi %mul3A_211, %add3A_212 : i32
      %dma_wait3A_214 = arith.constant 2 : i32
      %dma_wait3A_215 = arith.constant 0 : i32
      %dma_wait3A_216 = arith.constant 0 : i32
      %dma_wait3A_217 = tpu.memref_slice %arg7[%dma_wait3A_214, %dma_wait3A_215, %dma_wait3A_216] : memref<5x80x64xf32, #tpu.memory_space<vmem>> -> memref<1x80x64xf32, #tpu.memory_space<vmem>>
      %dma_wait3A_218 = tpu.memref_squeeze %dma_wait3A_217 : memref<1x80x64xf32, #tpu.memory_space<vmem>> -> memref<80x64xf32, #tpu.memory_space<vmem>>
      %dma_wait3A_219 = arith.constant 0 : i32
      %dma_wait3A_220 = tpu.memref_slice %arg5[%add3A_213, %dma_wait3A_219] : memref<125x80xi32, #tpu.memory_space<vmem>> -> memref<1x80xi32, #tpu.memory_space<vmem>>
      %dma_wait3A_221 = tpu.memref_squeeze %dma_wait3A_220 : memref<1x80xi32, #tpu.memory_space<vmem>> -> memref<80xi32, #tpu.memory_space<vmem>>
      %dma_wait3A_222 = arith.constant 0 : i32
      %dma_wait3A_223 = arith.constant 0 : i32
      %dma_wait3A_224 = tpu.memref_slice %arg2[%dma_wait3A_222, %dma_wait3A_223] : memref<10240x64xf32, #tpu.memory_space<hbm>> -> memref<10240x64xf32, #tpu.memory_space<hbm>>
      tpu.wait_indirect_dma semaphore(%arg11 : memref<!tpu.dma_semaphore, #tpu.memory_space<semaphore_mem>>) src(%dma_wait3A_224 : memref<10240x64xf32, #tpu.memory_space<hbm>>) dst(%dma_wait3A_218 : memref<80x64xf32, #tpu.memory_space<vmem>>)
      %run_scoped3A_225 = arith.constant 2 : i32
      "tpu.region"() ({
        %run_scoped3A_297 = tpu.sem_alloc : memref<!tpu.dma_semaphore, #tpu.memory_space<semaphore_mem>>
        %dma_start3A_298 = arith.constant 0 : i32
        %dma_start3A_299 = arith.constant 0 : i32
        %dma_start3A_300 = tpu.memref_slice %arg7[%run_scoped3A_225, %dma_start3A_298, %dma_start3A_299] : memref<5x80x64xf32, #tpu.memory_space<vmem>> -> memref<1x80x64xf32, #tpu.memory_space<vmem>>
        %dma_start3A_301 = tpu.memref_squeeze %dma_start3A_300 : memref<1x80x64xf32, #tpu.memory_space<vmem>> -> memref<80x64xf32, #tpu.memory_space<vmem>>
        %dma_start3A_302 = arith.constant 0 : i32
        %dma_start3A_303 = tpu.memref_slice %arg6[%add3A_213, %dma_start3A_302] : memref<125x80xi32, #tpu.memory_space<vmem>> -> memref<1x80xi32, #tpu.memory_space<vmem>>
        %dma_start3A_304 = tpu.memref_squeeze %dma_start3A_303 : memref<1x80xi32, #tpu.memory_space<vmem>> -> memref<80xi32, #tpu.memory_space<vmem>>
        %dma_start3A_305 = arith.constant 0 : i32
        %dma_start3A_306 = arith.constant 0 : i32
        %dma_start3A_307 = tpu.memref_slice %arg8[%dma_start3A_305, %dma_start3A_306] : memref<10240x64xf32, #tpu.memory_space<vmem_shared>> -> memref<10240x64xf32, #tpu.memory_space<vmem_shared>>
        tpu.enqueue_indirect_dma source(%dma_start3A_301 : memref<80x64xf32, #tpu.memory_space<vmem>>) target(%dma_start3A_307 : memref<10240x64xf32, #tpu.memory_space<vmem_shared>>) offsets(%dma_start3A_304 : memref<80xi32, #tpu.memory_space<vmem>>) semaphore(%run_scoped3A_297 : memref<!tpu.dma_semaphore, #tpu.memory_space<semaphore_mem>>) {add = true}
        %dma_wait3A_308 = arith.constant 0 : i32
        %dma_wait3A_309 = arith.constant 0 : i32
        %dma_wait3A_310 = tpu.memref_slice %arg7[%run_scoped3A_225, %dma_wait3A_308, %dma_wait3A_309] : memref<5x80x64xf32, #tpu.memory_space<vmem>> -> memref<1x80x64xf32, #tpu.memory_space<vmem>>
        %dma_wait3A_311 = tpu.memref_squeeze %dma_wait3A_310 : memref<1x80x64xf32, #tpu.memory_space<vmem>> -> memref<80x64xf32, #tpu.memory_space<vmem>>
        %dma_wait3A_312 = arith.constant 0 : i32
        %dma_wait3A_313 = tpu.memref_slice %arg6[%add3A_213, %dma_wait3A_312] : memref<125x80xi32, #tpu.memory_space<vmem>> -> memref<1x80xi32, #tpu.memory_space<vmem>>
        %dma_wait3A_314 = tpu.memref_squeeze %dma_wait3A_313 : memref<1x80xi32, #tpu.memory_space<vmem>> -> memref<80xi32, #tpu.memory_space<vmem>>
        %dma_wait3A_315 = arith.constant 0 : i32
        %dma_wait3A_316 = arith.constant 0 : i32
        %dma_wait3A_317 = tpu.memref_slice %arg8[%dma_wait3A_315, %dma_wait3A_316] : memref<10240x64xf32, #tpu.memory_space<vmem_shared>> -> memref<10240x64xf32, #tpu.memory_space<vmem_shared>>
        tpu.wait_indirect_dma semaphore(%run_scoped3A_297 : memref<!tpu.dma_semaphore, #tpu.memory_space<semaphore_mem>>) src(%dma_wait3A_311 : memref<80x64xf32, #tpu.memory_space<vmem>>) dst(%dma_wait3A_317 : memref<10240x64xf32, #tpu.memory_space<vmem_shared>>)
        tpu.yield
      }) : () -> ()
      %add3A_226 = arith.constant 5 : i32
      %add3A_227 = arith.addi %add3A_213, %add3A_226 : i32
      %dma_start3A_228 = arith.constant 2 : i32
      %dma_start3A_229 = arith.constant 0 : i32
      %dma_start3A_230 = arith.constant 0 : i32
      %dma_start3A_231 = tpu.memref_slice %arg7[%dma_start3A_228, %dma_start3A_229, %dma_start3A_230] : memref<5x80x64xf32, #tpu.memory_space<vmem>> -> memref<1x80x64xf32, #tpu.memory_space<vmem>>
      %dma_start3A_232 = tpu.memref_squeeze %dma_start3A_231 : memref<1x80x64xf32, #tpu.memory_space<vmem>> -> memref<80x64xf32, #tpu.memory_space<vmem>>
      %dma_start3A_233 = arith.constant 0 : i32
      %dma_start3A_234 = tpu.memref_slice %arg5[%add3A_227, %dma_start3A_233] : memref<125x80xi32, #tpu.memory_space<vmem>> -> memref<1x80xi32, #tpu.memory_space<vmem>>
      %dma_start3A_235 = tpu.memref_squeeze %dma_start3A_234 : memref<1x80xi32, #tpu.memory_space<vmem>> -> memref<80xi32, #tpu.memory_space<vmem>>
      %dma_start3A_236 = arith.constant 0 : i32
      %dma_start3A_237 = arith.constant 0 : i32
      %dma_start3A_238 = tpu.memref_slice %arg2[%dma_start3A_236, %dma_start3A_237] : memref<10240x64xf32, #tpu.memory_space<hbm>> -> memref<10240x64xf32, #tpu.memory_space<hbm>>
      tpu.enqueue_indirect_dma source(%dma_start3A_238 : memref<10240x64xf32, #tpu.memory_space<hbm>>) target(%dma_start3A_232 : memref<80x64xf32, #tpu.memory_space<vmem>>) offsets(%dma_start3A_235 : memref<80xi32, #tpu.memory_space<vmem>>) semaphore(%arg11 : memref<!tpu.dma_semaphore, #tpu.memory_space<semaphore_mem>>)
      %mul3A_239 = arith.constant 5 : i32
      %mul3A_240 = arith.muli %add3A_151, %mul3A_239 : i32
      %add3A_241 = arith.constant 3 : i32
      %add3A_242 = arith.addi %mul3A_240, %add3A_241 : i32
      %dma_wait3A_243 = arith.constant 3 : i32
      %dma_wait3A_244 = arith.constant 0 : i32
      %dma_wait3A_245 = arith.constant 0 : i32
      %dma_wait3A_246 = tpu.memref_slice %arg7[%dma_wait3A_243, %dma_wait3A_244, %dma_wait3A_245] : memref<5x80x64xf32, #tpu.memory_space<vmem>> -> memref<1x80x64xf32, #tpu.memory_space<vmem>>
      %dma_wait3A_247 = tpu.memref_squeeze %dma_wait3A_246 : memref<1x80x64xf32, #tpu.memory_space<vmem>> -> memref<80x64xf32, #tpu.memory_space<vmem>>
      %dma_wait3A_248 = arith.constant 0 : i32
      %dma_wait3A_249 = tpu.memref_slice %arg5[%add3A_242, %dma_wait3A_248] : memref<125x80xi32, #tpu.memory_space<vmem>> -> memref<1x80xi32, #tpu.memory_space<vmem>>
      %dma_wait3A_250 = tpu.memref_squeeze %dma_wait3A_249 : memref<1x80xi32, #tpu.memory_space<vmem>> -> memref<80xi32, #tpu.memory_space<vmem>>
      %dma_wait3A_251 = arith.constant 0 : i32
      %dma_wait3A_252 = arith.constant 0 : i32
      %dma_wait3A_253 = tpu.memref_slice %arg2[%dma_wait3A_251, %dma_wait3A_252] : memref<10240x64xf32, #tpu.memory_space<hbm>> -> memref<10240x64xf32, #tpu.memory_space<hbm>>
      tpu.wait_indirect_dma semaphore(%arg12 : memref<!tpu.dma_semaphore, #tpu.memory_space<semaphore_mem>>) src(%dma_wait3A_253 : memref<10240x64xf32, #tpu.memory_space<hbm>>) dst(%dma_wait3A_247 : memref<80x64xf32, #tpu.memory_space<vmem>>)
      %run_scoped3A_254 = arith.constant 3 : i32
      "tpu.region"() ({
        %run_scoped3A_297 = tpu.sem_alloc : memref<!tpu.dma_semaphore, #tpu.memory_space<semaphore_mem>>
        %dma_start3A_298 = arith.constant 0 : i32
        %dma_start3A_299 = arith.constant 0 : i32
        %dma_start3A_300 = tpu.memref_slice %arg7[%run_scoped3A_254, %dma_start3A_298, %dma_start3A_299] : memref<5x80x64xf32, #tpu.memory_space<vmem>> -> memref<1x80x64xf32, #tpu.memory_space<vmem>>
        %dma_start3A_301 = tpu.memref_squeeze %dma_start3A_300 : memref<1x80x64xf32, #tpu.memory_space<vmem>> -> memref<80x64xf32, #tpu.memory_space<vmem>>
        %dma_start3A_302 = arith.constant 0 : i32
        %dma_start3A_303 = tpu.memref_slice %arg6[%add3A_242, %dma_start3A_302] : memref<125x80xi32, #tpu.memory_space<vmem>> -> memref<1x80xi32, #tpu.memory_space<vmem>>
        %dma_start3A_304 = tpu.memref_squeeze %dma_start3A_303 : memref<1x80xi32, #tpu.memory_space<vmem>> -> memref<80xi32, #tpu.memory_space<vmem>>
        %dma_start3A_305 = arith.constant 0 : i32
        %dma_start3A_306 = arith.constant 0 : i32
        %dma_start3A_307 = tpu.memref_slice %arg8[%dma_start3A_305, %dma_start3A_306] : memref<10240x64xf32, #tpu.memory_space<vmem_shared>> -> memref<10240x64xf32, #tpu.memory_space<vmem_shared>>
        tpu.enqueue_indirect_dma source(%dma_start3A_301 : memref<80x64xf32, #tpu.memory_space<vmem>>) target(%dma_start3A_307 : memref<10240x64xf32, #tpu.memory_space<vmem_shared>>) offsets(%dma_start3A_304 : memref<80xi32, #tpu.memory_space<vmem>>) semaphore(%run_scoped3A_297 : memref<!tpu.dma_semaphore, #tpu.memory_space<semaphore_mem>>) {add = true}
        %dma_wait3A_308 = arith.constant 0 : i32
        %dma_wait3A_309 = arith.constant 0 : i32
        %dma_wait3A_310 = tpu.memref_slice %arg7[%run_scoped3A_254, %dma_wait3A_308, %dma_wait3A_309] : memref<5x80x64xf32, #tpu.memory_space<vmem>> -> memref<1x80x64xf32, #tpu.memory_space<vmem>>
        %dma_wait3A_311 = tpu.memref_squeeze %dma_wait3A_310 : memref<1x80x64xf32, #tpu.memory_space<vmem>> -> memref<80x64xf32, #tpu.memory_space<vmem>>
        %dma_wait3A_312 = arith.constant 0 : i32
        %dma_wait3A_313 = tpu.memref_slice %arg6[%add3A_242, %dma_wait3A_312] : memref<125x80xi32, #tpu.memory_space<vmem>> -> memref<1x80xi32, #tpu.memory_space<vmem>>
        %dma_wait3A_314 = tpu.memref_squeeze %dma_wait3A_313 : memref<1x80xi32, #tpu.memory_space<vmem>> -> memref<80xi32, #tpu.memory_space<vmem>>
        %dma_wait3A_315 = arith.constant 0 : i32
        %dma_wait3A_316 = arith.constant 0 : i32
        %dma_wait3A_317 = tpu.memref_slice %arg8[%dma_wait3A_315, %dma_wait3A_316] : memref<10240x64xf32, #tpu.memory_space<vmem_shared>> -> memref<10240x64xf32, #tpu.memory_space<vmem_shared>>
        tpu.wait_indirect_dma semaphore(%run_scoped3A_297 : memref<!tpu.dma_semaphore, #tpu.memory_space<semaphore_mem>>) src(%dma_wait3A_311 : memref<80x64xf32, #tpu.memory_space<vmem>>) dst(%dma_wait3A_317 : memref<10240x64xf32, #tpu.memory_space<vmem_shared>>)
        tpu.yield
      }) : () -> ()
      %add3A_255 = arith.constant 5 : i32
      %add3A_256 = arith.addi %add3A_242, %add3A_255 : i32
      %dma_start3A_257 = arith.constant 3 : i32
      %dma_start3A_258 = arith.constant 0 : i32
      %dma_start3A_259 = arith.constant 0 : i32
      %dma_start3A_260 = tpu.memref_slice %arg7[%dma_start3A_257, %dma_start3A_258, %dma_start3A_259] : memref<5x80x64xf32, #tpu.memory_space<vmem>> -> memref<1x80x64xf32, #tpu.memory_space<vmem>>
      %dma_start3A_261 = tpu.memref_squeeze %dma_start3A_260 : memref<1x80x64xf32, #tpu.memory_space<vmem>> -> memref<80x64xf32, #tpu.memory_space<vmem>>
      %dma_start3A_262 = arith.constant 0 : i32
      %dma_start3A_263 = tpu.memref_slice %arg5[%add3A_256, %dma_start3A_262] : memref<125x80xi32, #tpu.memory_space<vmem>> -> memref<1x80xi32, #tpu.memory_space<vmem>>
      %dma_start3A_264 = tpu.memref_squeeze %dma_start3A_263 : memref<1x80xi32, #tpu.memory_space<vmem>> -> memref<80xi32, #tpu.memory_space<vmem>>
      %dma_start3A_265 = arith.constant 0 : i32
      %dma_start3A_266 = arith.constant 0 : i32
      %dma_start3A_267 = tpu.memref_slice %arg2[%dma_start3A_265, %dma_start3A_266] : memref<10240x64xf32, #tpu.memory_space<hbm>> -> memref<10240x64xf32, #tpu.memory_space<hbm>>
      tpu.enqueue_indirect_dma source(%dma_start3A_267 : memref<10240x64xf32, #tpu.memory_space<hbm>>) target(%dma_start3A_261 : memref<80x64xf32, #tpu.memory_space<vmem>>) offsets(%dma_start3A_264 : memref<80xi32, #tpu.memory_space<vmem>>) semaphore(%arg12 : memref<!tpu.dma_semaphore, #tpu.memory_space<semaphore_mem>>)
      %mul3A_268 = arith.constant 5 : i32
      %mul3A_269 = arith.muli %add3A_151, %mul3A_268 : i32
      %add3A_270 = arith.constant 4 : i32
      %add3A_271 = arith.addi %mul3A_269, %add3A_270 : i32
      %dma_wait3A_272 = arith.constant 4 : i32
      %dma_wait3A_273 = arith.constant 0 : i32
      %dma_wait3A_274 = arith.constant 0 : i32
      %dma_wait3A_275 = tpu.memref_slice %arg7[%dma_wait3A_272, %dma_wait3A_273, %dma_wait3A_274] : memref<5x80x64xf32, #tpu.memory_space<vmem>> -> memref<1x80x64xf32, #tpu.memory_space<vmem>>
      %dma_wait3A_276 = tpu.memref_squeeze %dma_wait3A_275 : memref<1x80x64xf32, #tpu.memory_space<vmem>> -> memref<80x64xf32, #tpu.memory_space<vmem>>
      %dma_wait3A_277 = arith.constant 0 : i32
      %dma_wait3A_278 = tpu.memref_slice %arg5[%add3A_271, %dma_wait3A_277] : memref<125x80xi32, #tpu.memory_space<vmem>> -> memref<1x80xi32, #tpu.memory_space<vmem>>
      %dma_wait3A_279 = tpu.memref_squeeze %dma_wait3A_278 : memref<1x80xi32, #tpu.memory_space<vmem>> -> memref<80xi32, #tpu.memory_space<vmem>>
      %dma_wait3A_280 = arith.constant 0 : i32
      %dma_wait3A_281 = arith.constant 0 : i32
      %dma_wait3A_282 = tpu.memref_slice %arg2[%dma_wait3A_280, %dma_wait3A_281] : memref<10240x64xf32, #tpu.memory_space<hbm>> -> memref<10240x64xf32, #tpu.memory_space<hbm>>
      tpu.wait_indirect_dma semaphore(%arg13 : memref<!tpu.dma_semaphore, #tpu.memory_space<semaphore_mem>>) src(%dma_wait3A_282 : memref<10240x64xf32, #tpu.memory_space<hbm>>) dst(%dma_wait3A_276 : memref<80x64xf32, #tpu.memory_space<vmem>>)
      %run_scoped3A_283 = arith.constant 4 : i32
      "tpu.region"() ({
        %run_scoped3A_297 = tpu.sem_alloc : memref<!tpu.dma_semaphore, #tpu.memory_space<semaphore_mem>>
        %dma_start3A_298 = arith.constant 0 : i32
        %dma_start3A_299 = arith.constant 0 : i32
        %dma_start3A_300 = tpu.memref_slice %arg7[%run_scoped3A_283, %dma_start3A_298, %dma_start3A_299] : memref<5x80x64xf32, #tpu.memory_space<vmem>> -> memref<1x80x64xf32, #tpu.memory_space<vmem>>
        %dma_start3A_301 = tpu.memref_squeeze %dma_start3A_300 : memref<1x80x64xf32, #tpu.memory_space<vmem>> -> memref<80x64xf32, #tpu.memory_space<vmem>>
        %dma_start3A_302 = arith.constant 0 : i32
        %dma_start3A_303 = tpu.memref_slice %arg6[%add3A_271, %dma_start3A_302] : memref<125x80xi32, #tpu.memory_space<vmem>> -> memref<1x80xi32, #tpu.memory_space<vmem>>
        %dma_start3A_304 = tpu.memref_squeeze %dma_start3A_303 : memref<1x80xi32, #tpu.memory_space<vmem>> -> memref<80xi32, #tpu.memory_space<vmem>>
        %dma_start3A_305 = arith.constant 0 : i32
        %dma_start3A_306 = arith.constant 0 : i32
        %dma_start3A_307 = tpu.memref_slice %arg8[%dma_start3A_305, %dma_start3A_306] : memref<10240x64xf32, #tpu.memory_space<vmem_shared>> -> memref<10240x64xf32, #tpu.memory_space<vmem_shared>>
        tpu.enqueue_indirect_dma source(%dma_start3A_301 : memref<80x64xf32, #tpu.memory_space<vmem>>) target(%dma_start3A_307 : memref<10240x64xf32, #tpu.memory_space<vmem_shared>>) offsets(%dma_start3A_304 : memref<80xi32, #tpu.memory_space<vmem>>) semaphore(%run_scoped3A_297 : memref<!tpu.dma_semaphore, #tpu.memory_space<semaphore_mem>>) {add = true}
        %dma_wait3A_308 = arith.constant 0 : i32
        %dma_wait3A_309 = arith.constant 0 : i32
        %dma_wait3A_310 = tpu.memref_slice %arg7[%run_scoped3A_283, %dma_wait3A_308, %dma_wait3A_309] : memref<5x80x64xf32, #tpu.memory_space<vmem>> -> memref<1x80x64xf32, #tpu.memory_space<vmem>>
        %dma_wait3A_311 = tpu.memref_squeeze %dma_wait3A_310 : memref<1x80x64xf32, #tpu.memory_space<vmem>> -> memref<80x64xf32, #tpu.memory_space<vmem>>
        %dma_wait3A_312 = arith.constant 0 : i32
        %dma_wait3A_313 = tpu.memref_slice %arg6[%add3A_271, %dma_wait3A_312] : memref<125x80xi32, #tpu.memory_space<vmem>> -> memref<1x80xi32, #tpu.memory_space<vmem>>
        %dma_wait3A_314 = tpu.memref_squeeze %dma_wait3A_313 : memref<1x80xi32, #tpu.memory_space<vmem>> -> memref<80xi32, #tpu.memory_space<vmem>>
        %dma_wait3A_315 = arith.constant 0 : i32
        %dma_wait3A_316 = arith.constant 0 : i32
        %dma_wait3A_317 = tpu.memref_slice %arg8[%dma_wait3A_315, %dma_wait3A_316] : memref<10240x64xf32, #tpu.memory_space<vmem_shared>> -> memref<10240x64xf32, #tpu.memory_space<vmem_shared>>
        tpu.wait_indirect_dma semaphore(%run_scoped3A_297 : memref<!tpu.dma_semaphore, #tpu.memory_space<semaphore_mem>>) src(%dma_wait3A_311 : memref<80x64xf32, #tpu.memory_space<vmem>>) dst(%dma_wait3A_317 : memref<10240x64xf32, #tpu.memory_space<vmem_shared>>)
        tpu.yield
      }) : () -> ()
      %add3A_284 = arith.constant 5 : i32
      %add3A_285 = arith.addi %add3A_271, %add3A_284 : i32
      %dma_start3A_286 = arith.constant 4 : i32
      %dma_start3A_287 = arith.constant 0 : i32
      %dma_start3A_288 = arith.constant 0 : i32
      %dma_start3A_289 = tpu.memref_slice %arg7[%dma_start3A_286, %dma_start3A_287, %dma_start3A_288] : memref<5x80x64xf32, #tpu.memory_space<vmem>> -> memref<1x80x64xf32, #tpu.memory_space<vmem>>
      %dma_start3A_290 = tpu.memref_squeeze %dma_start3A_289 : memref<1x80x64xf32, #tpu.memory_space<vmem>> -> memref<80x64xf32, #tpu.memory_space<vmem>>
      %dma_start3A_291 = arith.constant 0 : i32
      %dma_start3A_292 = tpu.memref_slice %arg5[%add3A_285, %dma_start3A_291] : memref<125x80xi32, #tpu.memory_space<vmem>> -> memref<1x80xi32, #tpu.memory_space<vmem>>
      %dma_start3A_293 = tpu.memref_squeeze %dma_start3A_292 : memref<1x80xi32, #tpu.memory_space<vmem>> -> memref<80xi32, #tpu.memory_space<vmem>>
      %dma_start3A_294 = arith.constant 0 : i32
      %dma_start3A_295 = arith.constant 0 : i32
      %dma_start3A_296 = tpu.memref_slice %arg2[%dma_start3A_294, %dma_start3A_295] : memref<10240x64xf32, #tpu.memory_space<hbm>> -> memref<10240x64xf32, #tpu.memory_space<hbm>>
      tpu.enqueue_indirect_dma source(%dma_start3A_296 : memref<10240x64xf32, #tpu.memory_space<hbm>>) target(%dma_start3A_290 : memref<80x64xf32, #tpu.memory_space<vmem>>) offsets(%dma_start3A_293 : memref<80xi32, #tpu.memory_space<vmem>>) semaphore(%arg13 : memref<!tpu.dma_semaphore, #tpu.memory_space<semaphore_mem>>)
    }
    %scan3A_72 = arith.constant 24 : i32
    %dma_wait3A = arith.constant 120 : i32
    %dma_wait3A_73 = arith.constant 0 : i32
    %dma_wait3A_74 = arith.constant 0 : i32
    %dma_wait3A_75 = arith.constant 0 : i32
    %dma_wait3A_76 = tpu.memref_slice %arg7[%dma_wait3A_73, %dma_wait3A_74, %dma_wait3A_75] : memref<5x80x64xf32, #tpu.memory_space<vmem>> -> memref<1x80x64xf32, #tpu.memory_space<vmem>>
    %dma_wait3A_77 = tpu.memref_squeeze %dma_wait3A_76 : memref<1x80x64xf32, #tpu.memory_space<vmem>> -> memref<80x64xf32, #tpu.memory_space<vmem>>
    %dma_wait3A_78 = arith.constant 0 : i32
    %dma_wait3A_79 = tpu.memref_slice %arg5[%dma_wait3A, %dma_wait3A_78] : memref<125x80xi32, #tpu.memory_space<vmem>> -> memref<1x80xi32, #tpu.memory_space<vmem>>
    %dma_wait3A_80 = tpu.memref_squeeze %dma_wait3A_79 : memref<1x80xi32, #tpu.memory_space<vmem>> -> memref<80xi32, #tpu.memory_space<vmem>>
    %dma_wait3A_81 = arith.constant 0 : i32
    %dma_wait3A_82 = arith.constant 0 : i32
    %dma_wait3A_83 = tpu.memref_slice %arg2[%dma_wait3A_81, %dma_wait3A_82] : memref<10240x64xf32, #tpu.memory_space<hbm>> -> memref<10240x64xf32, #tpu.memory_space<hbm>>
    tpu.wait_indirect_dma semaphore(%arg9 : memref<!tpu.dma_semaphore, #tpu.memory_space<semaphore_mem>>) src(%dma_wait3A_83 : memref<10240x64xf32, #tpu.memory_space<hbm>>) dst(%dma_wait3A_77 : memref<80x64xf32, #tpu.memory_space<vmem>>)
    %run_scoped3A_84 = arith.constant 0 : i32
    %run_scoped3A_85 = arith.constant 120 : i32
    "tpu.region"() ({
      %run_scoped3A_147 = tpu.sem_alloc : memref<!tpu.dma_semaphore, #tpu.memory_space<semaphore_mem>>
      %dma_start3A_148 = arith.constant 0 : i32
      %dma_start3A_149 = arith.constant 0 : i32
      %dma_start3A_150 = tpu.memref_slice %arg7[%run_scoped3A_84, %dma_start3A_148, %dma_start3A_149] : memref<5x80x64xf32, #tpu.memory_space<vmem>> -> memref<1x80x64xf32, #tpu.memory_space<vmem>>
      %dma_start3A_151 = tpu.memref_squeeze %dma_start3A_150 : memref<1x80x64xf32, #tpu.memory_space<vmem>> -> memref<80x64xf32, #tpu.memory_space<vmem>>
      %dma_start3A_152 = arith.constant 0 : i32
      %dma_start3A_153 = tpu.memref_slice %arg6[%run_scoped3A_85, %dma_start3A_152] : memref<125x80xi32, #tpu.memory_space<vmem>> -> memref<1x80xi32, #tpu.memory_space<vmem>>
      %dma_start3A_154 = tpu.memref_squeeze %dma_start3A_153 : memref<1x80xi32, #tpu.memory_space<vmem>> -> memref<80xi32, #tpu.memory_space<vmem>>
      %dma_start3A_155 = arith.constant 0 : i32
      %dma_start3A_156 = arith.constant 0 : i32
      %dma_start3A_157 = tpu.memref_slice %arg8[%dma_start3A_155, %dma_start3A_156] : memref<10240x64xf32, #tpu.memory_space<vmem_shared>> -> memref<10240x64xf32, #tpu.memory_space<vmem_shared>>
      tpu.enqueue_indirect_dma source(%dma_start3A_151 : memref<80x64xf32, #tpu.memory_space<vmem>>) target(%dma_start3A_157 : memref<10240x64xf32, #tpu.memory_space<vmem_shared>>) offsets(%dma_start3A_154 : memref<80xi32, #tpu.memory_space<vmem>>) semaphore(%run_scoped3A_147 : memref<!tpu.dma_semaphore, #tpu.memory_space<semaphore_mem>>) {add = true}
      %dma_wait3A_158 = arith.constant 0 : i32
      %dma_wait3A_159 = arith.constant 0 : i32
      %dma_wait3A_160 = tpu.memref_slice %arg7[%run_scoped3A_84, %dma_wait3A_158, %dma_wait3A_159] : memref<5x80x64xf32, #tpu.memory_space<vmem>> -> memref<1x80x64xf32, #tpu.memory_space<vmem>>
      %dma_wait3A_161 = tpu.memref_squeeze %dma_wait3A_160 : memref<1x80x64xf32, #tpu.memory_space<vmem>> -> memref<80x64xf32, #tpu.memory_space<vmem>>
      %dma_wait3A_162 = arith.constant 0 : i32
      %dma_wait3A_163 = tpu.memref_slice %arg6[%run_scoped3A_85, %dma_wait3A_162] : memref<125x80xi32, #tpu.memory_space<vmem>> -> memref<1x80xi32, #tpu.memory_space<vmem>>
      %dma_wait3A_164 = tpu.memref_squeeze %dma_wait3A_163 : memref<1x80xi32, #tpu.memory_space<vmem>> -> memref<80xi32, #tpu.memory_space<vmem>>
      %dma_wait3A_165 = arith.constant 0 : i32
      %dma_wait3A_166 = arith.constant 0 : i32
      %dma_wait3A_167 = tpu.memref_slice %arg8[%dma_wait3A_165, %dma_wait3A_166] : memref<10240x64xf32, #tpu.memory_space<vmem_shared>> -> memref<10240x64xf32, #tpu.memory_space<vmem_shared>>
      tpu.wait_indirect_dma semaphore(%run_scoped3A_147 : memref<!tpu.dma_semaphore, #tpu.memory_space<semaphore_mem>>) src(%dma_wait3A_161 : memref<80x64xf32, #tpu.memory_space<vmem>>) dst(%dma_wait3A_167 : memref<10240x64xf32, #tpu.memory_space<vmem_shared>>)
      tpu.yield
    }) : () -> ()
    %dma_wait3A_86 = arith.constant 121 : i32
    %dma_wait3A_87 = arith.constant 1 : i32
    %dma_wait3A_88 = arith.constant 0 : i32
    %dma_wait3A_89 = arith.constant 0 : i32
    %dma_wait3A_90 = tpu.memref_slice %arg7[%dma_wait3A_87, %dma_wait3A_88, %dma_wait3A_89] : memref<5x80x64xf32, #tpu.memory_space<vmem>> -> memref<1x80x64xf32, #tpu.memory_space<vmem>>
    %dma_wait3A_91 = tpu.memref_squeeze %dma_wait3A_90 : memref<1x80x64xf32, #tpu.memory_space<vmem>> -> memref<80x64xf32, #tpu.memory_space<vmem>>
    %dma_wait3A_92 = arith.constant 0 : i32
    %dma_wait3A_93 = tpu.memref_slice %arg5[%dma_wait3A_86, %dma_wait3A_92] : memref<125x80xi32, #tpu.memory_space<vmem>> -> memref<1x80xi32, #tpu.memory_space<vmem>>
    %dma_wait3A_94 = tpu.memref_squeeze %dma_wait3A_93 : memref<1x80xi32, #tpu.memory_space<vmem>> -> memref<80xi32, #tpu.memory_space<vmem>>
    %dma_wait3A_95 = arith.constant 0 : i32
    %dma_wait3A_96 = arith.constant 0 : i32
    %dma_wait3A_97 = tpu.memref_slice %arg2[%dma_wait3A_95, %dma_wait3A_96] : memref<10240x64xf32, #tpu.memory_space<hbm>> -> memref<10240x64xf32, #tpu.memory_space<hbm>>
    tpu.wait_indirect_dma semaphore(%arg10 : memref<!tpu.dma_semaphore, #tpu.memory_space<semaphore_mem>>) src(%dma_wait3A_97 : memref<10240x64xf32, #tpu.memory_space<hbm>>) dst(%dma_wait3A_91 : memref<80x64xf32, #tpu.memory_space<vmem>>)
    %run_scoped3A_98 = arith.constant 1 : i32
    %run_scoped3A_99 = arith.constant 121 : i32
    "tpu.region"() ({
      %run_scoped3A_147 = tpu.sem_alloc : memref<!tpu.dma_semaphore, #tpu.memory_space<semaphore_mem>>
      %dma_start3A_148 = arith.constant 0 : i32
      %dma_start3A_149 = arith.constant 0 : i32
      %dma_start3A_150 = tpu.memref_slice %arg7[%run_scoped3A_98, %dma_start3A_148, %dma_start3A_149] : memref<5x80x64xf32, #tpu.memory_space<vmem>> -> memref<1x80x64xf32, #tpu.memory_space<vmem>>
      %dma_start3A_151 = tpu.memref_squeeze %dma_start3A_150 : memref<1x80x64xf32, #tpu.memory_space<vmem>> -> memref<80x64xf32, #tpu.memory_space<vmem>>
      %dma_start3A_152 = arith.constant 0 : i32
      %dma_start3A_153 = tpu.memref_slice %arg6[%run_scoped3A_99, %dma_start3A_152] : memref<125x80xi32, #tpu.memory_space<vmem>> -> memref<1x80xi32, #tpu.memory_space<vmem>>
      %dma_start3A_154 = tpu.memref_squeeze %dma_start3A_153 : memref<1x80xi32, #tpu.memory_space<vmem>> -> memref<80xi32, #tpu.memory_space<vmem>>
      %dma_start3A_155 = arith.constant 0 : i32
      %dma_start3A_156 = arith.constant 0 : i32
      %dma_start3A_157 = tpu.memref_slice %arg8[%dma_start3A_155, %dma_start3A_156] : memref<10240x64xf32, #tpu.memory_space<vmem_shared>> -> memref<10240x64xf32, #tpu.memory_space<vmem_shared>>
      tpu.enqueue_indirect_dma source(%dma_start3A_151 : memref<80x64xf32, #tpu.memory_space<vmem>>) target(%dma_start3A_157 : memref<10240x64xf32, #tpu.memory_space<vmem_shared>>) offsets(%dma_start3A_154 : memref<80xi32, #tpu.memory_space<vmem>>) semaphore(%run_scoped3A_147 : memref<!tpu.dma_semaphore, #tpu.memory_space<semaphore_mem>>) {add = true}
      %dma_wait3A_158 = arith.constant 0 : i32
      %dma_wait3A_159 = arith.constant 0 : i32
      %dma_wait3A_160 = tpu.memref_slice %arg7[%run_scoped3A_98, %dma_wait3A_158, %dma_wait3A_159] : memref<5x80x64xf32, #tpu.memory_space<vmem>> -> memref<1x80x64xf32, #tpu.memory_space<vmem>>
      %dma_wait3A_161 = tpu.memref_squeeze %dma_wait3A_160 : memref<1x80x64xf32, #tpu.memory_space<vmem>> -> memref<80x64xf32, #tpu.memory_space<vmem>>
      %dma_wait3A_162 = arith.constant 0 : i32
      %dma_wait3A_163 = tpu.memref_slice %arg6[%run_scoped3A_99, %dma_wait3A_162] : memref<125x80xi32, #tpu.memory_space<vmem>> -> memref<1x80xi32, #tpu.memory_space<vmem>>
      %dma_wait3A_164 = tpu.memref_squeeze %dma_wait3A_163 : memref<1x80xi32, #tpu.memory_space<vmem>> -> memref<80xi32, #tpu.memory_space<vmem>>
      %dma_wait3A_165 = arith.constant 0 : i32
      %dma_wait3A_166 = arith.constant 0 : i32
      %dma_wait3A_167 = tpu.memref_slice %arg8[%dma_wait3A_165, %dma_wait3A_166] : memref<10240x64xf32, #tpu.memory_space<vmem_shared>> -> memref<10240x64xf32, #tpu.memory_space<vmem_shared>>
      tpu.wait_indirect_dma semaphore(%run_scoped3A_147 : memref<!tpu.dma_semaphore, #tpu.memory_space<semaphore_mem>>) src(%dma_wait3A_161 : memref<80x64xf32, #tpu.memory_space<vmem>>) dst(%dma_wait3A_167 : memref<10240x64xf32, #tpu.memory_space<vmem_shared>>)
      tpu.yield
    }) : () -> ()
    %dma_wait3A_100 = arith.constant 122 : i32
    %dma_wait3A_101 = arith.constant 2 : i32
    %dma_wait3A_102 = arith.constant 0 : i32
    %dma_wait3A_103 = arith.constant 0 : i32
    %dma_wait3A_104 = tpu.memref_slice %arg7[%dma_wait3A_101, %dma_wait3A_102, %dma_wait3A_103] : memref<5x80x64xf32, #tpu.memory_space<vmem>> -> memref<1x80x64xf32, #tpu.memory_space<vmem>>
    %dma_wait3A_105 = tpu.memref_squeeze %dma_wait3A_104 : memref<1x80x64xf32, #tpu.memory_space<vmem>> -> memref<80x64xf32, #tpu.memory_space<vmem>>
    %dma_wait3A_106 = arith.constant 0 : i32
    %dma_wait3A_107 = tpu.memref_slice %arg5[%dma_wait3A_100, %dma_wait3A_106] : memref<125x80xi32, #tpu.memory_space<vmem>> -> memref<1x80xi32, #tpu.memory_space<vmem>>
    %dma_wait3A_108 = tpu.memref_squeeze %dma_wait3A_107 : memref<1x80xi32, #tpu.memory_space<vmem>> -> memref<80xi32, #tpu.memory_space<vmem>>
    %dma_wait3A_109 = arith.constant 0 : i32
    %dma_wait3A_110 = arith.constant 0 : i32
    %dma_wait3A_111 = tpu.memref_slice %arg2[%dma_wait3A_109, %dma_wait3A_110] : memref<10240x64xf32, #tpu.memory_space<hbm>> -> memref<10240x64xf32, #tpu.memory_space<hbm>>
    tpu.wait_indirect_dma semaphore(%arg11 : memref<!tpu.dma_semaphore, #tpu.memory_space<semaphore_mem>>) src(%dma_wait3A_111 : memref<10240x64xf32, #tpu.memory_space<hbm>>) dst(%dma_wait3A_105 : memref<80x64xf32, #tpu.memory_space<vmem>>)
    %run_scoped3A_112 = arith.constant 2 : i32
    %run_scoped3A_113 = arith.constant 122 : i32
    "tpu.region"() ({
      %run_scoped3A_147 = tpu.sem_alloc : memref<!tpu.dma_semaphore, #tpu.memory_space<semaphore_mem>>
      %dma_start3A_148 = arith.constant 0 : i32
      %dma_start3A_149 = arith.constant 0 : i32
      %dma_start3A_150 = tpu.memref_slice %arg7[%run_scoped3A_112, %dma_start3A_148, %dma_start3A_149] : memref<5x80x64xf32, #tpu.memory_space<vmem>> -> memref<1x80x64xf32, #tpu.memory_space<vmem>>
      %dma_start3A_151 = tpu.memref_squeeze %dma_start3A_150 : memref<1x80x64xf32, #tpu.memory_space<vmem>> -> memref<80x64xf32, #tpu.memory_space<vmem>>
      %dma_start3A_152 = arith.constant 0 : i32
      %dma_start3A_153 = tpu.memref_slice %arg6[%run_scoped3A_113, %dma_start3A_152] : memref<125x80xi32, #tpu.memory_space<vmem>> -> memref<1x80xi32, #tpu.memory_space<vmem>>
      %dma_start3A_154 = tpu.memref_squeeze %dma_start3A_153 : memref<1x80xi32, #tpu.memory_space<vmem>> -> memref<80xi32, #tpu.memory_space<vmem>>
      %dma_start3A_155 = arith.constant 0 : i32
      %dma_start3A_156 = arith.constant 0 : i32
      %dma_start3A_157 = tpu.memref_slice %arg8[%dma_start3A_155, %dma_start3A_156] : memref<10240x64xf32, #tpu.memory_space<vmem_shared>> -> memref<10240x64xf32, #tpu.memory_space<vmem_shared>>
      tpu.enqueue_indirect_dma source(%dma_start3A_151 : memref<80x64xf32, #tpu.memory_space<vmem>>) target(%dma_start3A_157 : memref<10240x64xf32, #tpu.memory_space<vmem_shared>>) offsets(%dma_start3A_154 : memref<80xi32, #tpu.memory_space<vmem>>) semaphore(%run_scoped3A_147 : memref<!tpu.dma_semaphore, #tpu.memory_space<semaphore_mem>>) {add = true}
      %dma_wait3A_158 = arith.constant 0 : i32
      %dma_wait3A_159 = arith.constant 0 : i32
      %dma_wait3A_160 = tpu.memref_slice %arg7[%run_scoped3A_112, %dma_wait3A_158, %dma_wait3A_159] : memref<5x80x64xf32, #tpu.memory_space<vmem>> -> memref<1x80x64xf32, #tpu.memory_space<vmem>>
      %dma_wait3A_161 = tpu.memref_squeeze %dma_wait3A_160 : memref<1x80x64xf32, #tpu.memory_space<vmem>> -> memref<80x64xf32, #tpu.memory_space<vmem>>
      %dma_wait3A_162 = arith.constant 0 : i32
      %dma_wait3A_163 = tpu.memref_slice %arg6[%run_scoped3A_113, %dma_wait3A_162] : memref<125x80xi32, #tpu.memory_space<vmem>> -> memref<1x80xi32, #tpu.memory_space<vmem>>
      %dma_wait3A_164 = tpu.memref_squeeze %dma_wait3A_163 : memref<1x80xi32, #tpu.memory_space<vmem>> -> memref<80xi32, #tpu.memory_space<vmem>>
      %dma_wait3A_165 = arith.constant 0 : i32
      %dma_wait3A_166 = arith.constant 0 : i32
      %dma_wait3A_167 = tpu.memref_slice %arg8[%dma_wait3A_165, %dma_wait3A_166] : memref<10240x64xf32, #tpu.memory_space<vmem_shared>> -> memref<10240x64xf32, #tpu.memory_space<vmem_shared>>
      tpu.wait_indirect_dma semaphore(%run_scoped3A_147 : memref<!tpu.dma_semaphore, #tpu.memory_space<semaphore_mem>>) src(%dma_wait3A_161 : memref<80x64xf32, #tpu.memory_space<vmem>>) dst(%dma_wait3A_167 : memref<10240x64xf32, #tpu.memory_space<vmem_shared>>)
      tpu.yield
    }) : () -> ()
    %dma_wait3A_114 = arith.constant 123 : i32
    %dma_wait3A_115 = arith.constant 3 : i32
    %dma_wait3A_116 = arith.constant 0 : i32
    %dma_wait3A_117 = arith.constant 0 : i32
    %dma_wait3A_118 = tpu.memref_slice %arg7[%dma_wait3A_115, %dma_wait3A_116, %dma_wait3A_117] : memref<5x80x64xf32, #tpu.memory_space<vmem>> -> memref<1x80x64xf32, #tpu.memory_space<vmem>>
    %dma_wait3A_119 = tpu.memref_squeeze %dma_wait3A_118 : memref<1x80x64xf32, #tpu.memory_space<vmem>> -> memref<80x64xf32, #tpu.memory_space<vmem>>
    %dma_wait3A_120 = arith.constant 0 : i32
    %dma_wait3A_121 = tpu.memref_slice %arg5[%dma_wait3A_114, %dma_wait3A_120] : memref<125x80xi32, #tpu.memory_space<vmem>> -> memref<1x80xi32, #tpu.memory_space<vmem>>
    %dma_wait3A_122 = tpu.memref_squeeze %dma_wait3A_121 : memref<1x80xi32, #tpu.memory_space<vmem>> -> memref<80xi32, #tpu.memory_space<vmem>>
    %dma_wait3A_123 = arith.constant 0 : i32
    %dma_wait3A_124 = arith.constant 0 : i32
    %dma_wait3A_125 = tpu.memref_slice %arg2[%dma_wait3A_123, %dma_wait3A_124] : memref<10240x64xf32, #tpu.memory_space<hbm>> -> memref<10240x64xf32, #tpu.memory_space<hbm>>
    tpu.wait_indirect_dma semaphore(%arg12 : memref<!tpu.dma_semaphore, #tpu.memory_space<semaphore_mem>>) src(%dma_wait3A_125 : memref<10240x64xf32, #tpu.memory_space<hbm>>) dst(%dma_wait3A_119 : memref<80x64xf32, #tpu.memory_space<vmem>>)
    %run_scoped3A_126 = arith.constant 3 : i32
    %run_scoped3A_127 = arith.constant 123 : i32
    "tpu.region"() ({
      %run_scoped3A_147 = tpu.sem_alloc : memref<!tpu.dma_semaphore, #tpu.memory_space<semaphore_mem>>
      %dma_start3A_148 = arith.constant 0 : i32
      %dma_start3A_149 = arith.constant 0 : i32
      %dma_start3A_150 = tpu.memref_slice %arg7[%run_scoped3A_126, %dma_start3A_148, %dma_start3A_149] : memref<5x80x64xf32, #tpu.memory_space<vmem>> -> memref<1x80x64xf32, #tpu.memory_space<vmem>>
      %dma_start3A_151 = tpu.memref_squeeze %dma_start3A_150 : memref<1x80x64xf32, #tpu.memory_space<vmem>> -> memref<80x64xf32, #tpu.memory_space<vmem>>
      %dma_start3A_152 = arith.constant 0 : i32
      %dma_start3A_153 = tpu.memref_slice %arg6[%run_scoped3A_127, %dma_start3A_152] : memref<125x80xi32, #tpu.memory_space<vmem>> -> memref<1x80xi32, #tpu.memory_space<vmem>>
      %dma_start3A_154 = tpu.memref_squeeze %dma_start3A_153 : memref<1x80xi32, #tpu.memory_space<vmem>> -> memref<80xi32, #tpu.memory_space<vmem>>
      %dma_start3A_155 = arith.constant 0 : i32
      %dma_start3A_156 = arith.constant 0 : i32
      %dma_start3A_157 = tpu.memref_slice %arg8[%dma_start3A_155, %dma_start3A_156] : memref<10240x64xf32, #tpu.memory_space<vmem_shared>> -> memref<10240x64xf32, #tpu.memory_space<vmem_shared>>
      tpu.enqueue_indirect_dma source(%dma_start3A_151 : memref<80x64xf32, #tpu.memory_space<vmem>>) target(%dma_start3A_157 : memref<10240x64xf32, #tpu.memory_space<vmem_shared>>) offsets(%dma_start3A_154 : memref<80xi32, #tpu.memory_space<vmem>>) semaphore(%run_scoped3A_147 : memref<!tpu.dma_semaphore, #tpu.memory_space<semaphore_mem>>) {add = true}
      %dma_wait3A_158 = arith.constant 0 : i32
      %dma_wait3A_159 = arith.constant 0 : i32
      %dma_wait3A_160 = tpu.memref_slice %arg7[%run_scoped3A_126, %dma_wait3A_158, %dma_wait3A_159] : memref<5x80x64xf32, #tpu.memory_space<vmem>> -> memref<1x80x64xf32, #tpu.memory_space<vmem>>
      %dma_wait3A_161 = tpu.memref_squeeze %dma_wait3A_160 : memref<1x80x64xf32, #tpu.memory_space<vmem>> -> memref<80x64xf32, #tpu.memory_space<vmem>>
      %dma_wait3A_162 = arith.constant 0 : i32
      %dma_wait3A_163 = tpu.memref_slice %arg6[%run_scoped3A_127, %dma_wait3A_162] : memref<125x80xi32, #tpu.memory_space<vmem>> -> memref<1x80xi32, #tpu.memory_space<vmem>>
      %dma_wait3A_164 = tpu.memref_squeeze %dma_wait3A_163 : memref<1x80xi32, #tpu.memory_space<vmem>> -> memref<80xi32, #tpu.memory_space<vmem>>
      %dma_wait3A_165 = arith.constant 0 : i32
      %dma_wait3A_166 = arith.constant 0 : i32
      %dma_wait3A_167 = tpu.memref_slice %arg8[%dma_wait3A_165, %dma_wait3A_166] : memref<10240x64xf32, #tpu.memory_space<vmem_shared>> -> memref<10240x64xf32, #tpu.memory_space<vmem_shared>>
      tpu.wait_indirect_dma semaphore(%run_scoped3A_147 : memref<!tpu.dma_semaphore, #tpu.memory_space<semaphore_mem>>) src(%dma_wait3A_161 : memref<80x64xf32, #tpu.memory_space<vmem>>) dst(%dma_wait3A_167 : memref<10240x64xf32, #tpu.memory_space<vmem_shared>>)
      tpu.yield
    }) : () -> ()
    %dma_wait3A_128 = arith.constant 124 : i32
    %dma_wait3A_129 = arith.constant 4 : i32
    %dma_wait3A_130 = arith.constant 0 : i32
    %dma_wait3A_131 = arith.constant 0 : i32
    %dma_wait3A_132 = tpu.memref_slice %arg7[%dma_wait3A_129, %dma_wait3A_130, %dma_wait3A_131] : memref<5x80x64xf32, #tpu.memory_space<vmem>> -> memref<1x80x64xf32, #tpu.memory_space<vmem>>
    %dma_wait3A_133 = tpu.memref_squeeze %dma_wait3A_132 : memref<1x80x64xf32, #tpu.memory_space<vmem>> -> memref<80x64xf32, #tpu.memory_space<vmem>>
    %dma_wait3A_134 = arith.constant 0 : i32
    %dma_wait3A_135 = tpu.memref_slice %arg5[%dma_wait3A_128, %dma_wait3A_134] : memref<125x80xi32, #tpu.memory_space<vmem>> -> memref<1x80xi32, #tpu.memory_space<vmem>>
    %dma_wait3A_136 = tpu.memref_squeeze %dma_wait3A_135 : memref<1x80xi32, #tpu.memory_space<vmem>> -> memref<80xi32, #tpu.memory_space<vmem>>
    %dma_wait3A_137 = arith.constant 0 : i32
    %dma_wait3A_138 = arith.constant 0 : i32
    %dma_wait3A_139 = tpu.memref_slice %arg2[%dma_wait3A_137, %dma_wait3A_138] : memref<10240x64xf32, #tpu.memory_space<hbm>> -> memref<10240x64xf32, #tpu.memory_space<hbm>>
    tpu.wait_indirect_dma semaphore(%arg13 : memref<!tpu.dma_semaphore, #tpu.memory_space<semaphore_mem>>) src(%dma_wait3A_139 : memref<10240x64xf32, #tpu.memory_space<hbm>>) dst(%dma_wait3A_133 : memref<80x64xf32, #tpu.memory_space<vmem>>)
    %run_scoped3A_140 = arith.constant 4 : i32
    %run_scoped3A_141 = arith.constant 124 : i32
    "tpu.region"() ({
      %run_scoped3A_147 = tpu.sem_alloc : memref<!tpu.dma_semaphore, #tpu.memory_space<semaphore_mem>>
      %dma_start3A_148 = arith.constant 0 : i32
      %dma_start3A_149 = arith.constant 0 : i32
      %dma_start3A_150 = tpu.memref_slice %arg7[%run_scoped3A_140, %dma_start3A_148, %dma_start3A_149] : memref<5x80x64xf32, #tpu.memory_space<vmem>> -> memref<1x80x64xf32, #tpu.memory_space<vmem>>
      %dma_start3A_151 = tpu.memref_squeeze %dma_start3A_150 : memref<1x80x64xf32, #tpu.memory_space<vmem>> -> memref<80x64xf32, #tpu.memory_space<vmem>>
      %dma_start3A_152 = arith.constant 0 : i32
      %dma_start3A_153 = tpu.memref_slice %arg6[%run_scoped3A_141, %dma_start3A_152] : memref<125x80xi32, #tpu.memory_space<vmem>> -> memref<1x80xi32, #tpu.memory_space<vmem>>
      %dma_start3A_154 = tpu.memref_squeeze %dma_start3A_153 : memref<1x80xi32, #tpu.memory_space<vmem>> -> memref<80xi32, #tpu.memory_space<vmem>>
      %dma_start3A_155 = arith.constant 0 : i32
      %dma_start3A_156 = arith.constant 0 : i32
      %dma_start3A_157 = tpu.memref_slice %arg8[%dma_start3A_155, %dma_start3A_156] : memref<10240x64xf32, #tpu.memory_space<vmem_shared>> -> memref<10240x64xf32, #tpu.memory_space<vmem_shared>>
      tpu.enqueue_indirect_dma source(%dma_start3A_151 : memref<80x64xf32, #tpu.memory_space<vmem>>) target(%dma_start3A_157 : memref<10240x64xf32, #tpu.memory_space<vmem_shared>>) offsets(%dma_start3A_154 : memref<80xi32, #tpu.memory_space<vmem>>) semaphore(%run_scoped3A_147 : memref<!tpu.dma_semaphore, #tpu.memory_space<semaphore_mem>>) {add = true}
      %dma_wait3A_158 = arith.constant 0 : i32
      %dma_wait3A_159 = arith.constant 0 : i32
      %dma_wait3A_160 = tpu.memref_slice %arg7[%run_scoped3A_140, %dma_wait3A_158, %dma_wait3A_159] : memref<5x80x64xf32, #tpu.memory_space<vmem>> -> memref<1x80x64xf32, #tpu.memory_space<vmem>>
      %dma_wait3A_161 = tpu.memref_squeeze %dma_wait3A_160 : memref<1x80x64xf32, #tpu.memory_space<vmem>> -> memref<80x64xf32, #tpu.memory_space<vmem>>
      %dma_wait3A_162 = arith.constant 0 : i32
      %dma_wait3A_163 = tpu.memref_slice %arg6[%run_scoped3A_141, %dma_wait3A_162] : memref<125x80xi32, #tpu.memory_space<vmem>> -> memref<1x80xi32, #tpu.memory_space<vmem>>
      %dma_wait3A_164 = tpu.memref_squeeze %dma_wait3A_163 : memref<1x80xi32, #tpu.memory_space<vmem>> -> memref<80xi32, #tpu.memory_space<vmem>>
      %dma_wait3A_165 = arith.constant 0 : i32
      %dma_wait3A_166 = arith.constant 0 : i32
      %dma_wait3A_167 = tpu.memref_slice %arg8[%dma_wait3A_165, %dma_wait3A_166] : memref<10240x64xf32, #tpu.memory_space<vmem_shared>> -> memref<10240x64xf32, #tpu.memory_space<vmem_shared>>
      tpu.wait_indirect_dma semaphore(%run_scoped3A_147 : memref<!tpu.dma_semaphore, #tpu.memory_space<semaphore_mem>>) src(%dma_wait3A_161 : memref<80x64xf32, #tpu.memory_space<vmem>>) dst(%dma_wait3A_167 : memref<10240x64xf32, #tpu.memory_space<vmem_shared>>)
      tpu.yield
    }) : () -> ()
    %barrier3A_142 = arith.constant 0 : index
    tpu.barrier barrier_id(%barrier3A_142)
    %mul3A_143 = arith.constant 640 : i32
    %mul3A_144 = arith.muli %arg1, %mul3A_143 : i32
    %mul3A_145 = arith.constant 640 : i32
    %mul3A_146 = arith.muli %arg1, %mul3A_145 : i32
    "tpu.region"() ({
      %run_scoped3A_147 = tpu.sem_alloc : memref<!tpu.dma_semaphore, #tpu.memory_space<semaphore_mem>>
      %dma_start3A_148 = arith.constant 0 : i32
      %dma_start3A_149 = tpu.memref_slice %arg4[%arg0, %mul3A_146, %dma_start3A_148] : memref<2x10240x64xf32, #tpu.memory_space<hbm>> -> memref<1x640x64xf32, #tpu.memory_space<hbm>>
      %dma_start3A_150 = tpu.memref_squeeze %dma_start3A_149 : memref<1x640x64xf32, #tpu.memory_space<hbm>> -> memref<640x64xf32, #tpu.memory_space<hbm>>
      %dma_start3A_151 = arith.constant 0 : i32
      %dma_start3A_152 = tpu.memref_slice %arg8[%mul3A_144, %dma_start3A_151] : memref<10240x64xf32, #tpu.memory_space<vmem_shared>> -> memref<640x64xf32, #tpu.memory_space<vmem_shared>>
      tpu.enqueue_dma source(%dma_start3A_152 : memref<640x64xf32, #tpu.memory_space<vmem_shared>>) target(%dma_start3A_150 : memref<640x64xf32, #tpu.memory_space<hbm>>) target_semaphore(%run_scoped3A_147 : memref<!tpu.dma_semaphore, #tpu.memory_space<semaphore_mem>>)
      %dma_wait3A_153 = arith.constant 0 : i32
      %dma_wait3A_154 = tpu.memref_slice %arg4[%arg0, %mul3A_146, %dma_wait3A_153] : memref<2x10240x64xf32, #tpu.memory_space<hbm>> -> memref<1x640x64xf32, #tpu.memory_space<hbm>>
      %dma_wait3A_155 = tpu.memref_squeeze %dma_wait3A_154 : memref<1x640x64xf32, #tpu.memory_space<hbm>> -> memref<640x64xf32, #tpu.memory_space<hbm>>
      %dma_wait3A_156 = arith.constant 0 : i32
      %dma_wait3A_157 = tpu.memref_slice %arg8[%mul3A_144, %dma_wait3A_156] : memref<10240x64xf32, #tpu.memory_space<vmem_shared>> -> memref<640x64xf32, #tpu.memory_space<vmem_shared>>
      tpu.wait_dma2 semaphore(%run_scoped3A_147 : memref<!tpu.dma_semaphore, #tpu.memory_space<semaphore_mem>>) src(%dma_wait3A_157 : memref<640x64xf32, #tpu.memory_space<vmem_shared>>) dst(%dma_wait3A_155 : memref<640x64xf32, #tpu.memory_space<hbm>>)
      tpu.yield
    }) : () -> ()
    return
  }
}

#map = affine_map<(d0, d1) -> (0, 0, 0)>
module attributes {stable_mosaic.version = 14 : i64} {
  func.func @_prop(%arg0: i32, %arg1: i32, %arg2: memref<2x10240x64xf32, #tpu.memory_space<hbm>>, %arg3: memref<2x4000x80xi32, #tpu.memory_space<hbm>>, %arg4: memref<2x10240x64xf32, #tpu.memory_space<hbm>>, %arg5: memref<250x80xi32, #tpu.memory_space<vmem>>, %arg6: memref<250x80xi32, #tpu.memory_space<vmem>>, %arg7: memref<5x80x64xf32, #tpu.memory_space<vmem>>, %arg8: memref<10240x64xf32, #tpu.memory_space<vmem_shared>>, %arg9: memref<!tpu.dma_semaphore, #tpu.memory_space<semaphore_mem>>, %arg10: memref<!tpu.dma_semaphore, #tpu.memory_space<semaphore_mem>>, %arg11: memref<!tpu.dma_semaphore, #tpu.memory_space<semaphore_mem>>, %arg12: memref<!tpu.dma_semaphore, #tpu.memory_space<semaphore_mem>>, %arg13: memref<!tpu.dma_semaphore, #tpu.memory_space<semaphore_mem>>) attributes {dimension_semantics = [#tpu.dimension_semantics<core_parallel>, #tpu.dimension_semantics<subcore_parallel>], iteration_bounds = array<i64: 2, 16>, scalar_prefetch = 0 : i64, scratch_operands = 9 : i64, tpu.core_type = #tpu.core_type<sc_vector_subcore>, window_params = [{transform_indices = #map}, {transform_indices = #map}, {transform_indices = #map}]} {
    %mul3A = arith.constant 640 : i32
    %mul3A_0 = arith.muli %arg1, %mul3A : i32
    %mul3A_1 = arith.constant 640 : i32
    %mul3A_2 = arith.muli %arg1, %mul3A_1 : i32
    "tpu.region"() ({
      %run_scoped3A_196 = tpu.sem_alloc : memref<!tpu.dma_semaphore, #tpu.memory_space<semaphore_mem>>
      %dma_start3A_197 = arith.constant 0 : i32
      %dma_start3A_198 = tpu.memref_slice %arg8[%mul3A_2, %dma_start3A_197] : memref<10240x64xf32, #tpu.memory_space<vmem_shared>> -> memref<640x64xf32, #tpu.memory_space<vmem_shared>>
      %dma_start3A_199 = arith.constant 0 : i32
      %dma_start3A_200 = tpu.memref_slice %arg2[%arg0, %mul3A_0, %dma_start3A_199] : memref<2x10240x64xf32, #tpu.memory_space<hbm>> -> memref<1x640x64xf32, #tpu.memory_space<hbm>>
      %dma_start3A_201 = tpu.memref_squeeze %dma_start3A_200 : memref<1x640x64xf32, #tpu.memory_space<hbm>> -> memref<640x64xf32, #tpu.memory_space<hbm>>
      tpu.enqueue_dma source(%dma_start3A_201 : memref<640x64xf32, #tpu.memory_space<hbm>>) target(%dma_start3A_198 : memref<640x64xf32, #tpu.memory_space<vmem_shared>>) target_semaphore(%run_scoped3A_196 : memref<!tpu.dma_semaphore, #tpu.memory_space<semaphore_mem>>)
      %dma_wait3A_202 = arith.constant 0 : i32
      %dma_wait3A_203 = tpu.memref_slice %arg8[%mul3A_2, %dma_wait3A_202] : memref<10240x64xf32, #tpu.memory_space<vmem_shared>> -> memref<640x64xf32, #tpu.memory_space<vmem_shared>>
      %dma_wait3A_204 = arith.constant 0 : i32
      %dma_wait3A_205 = tpu.memref_slice %arg2[%arg0, %mul3A_0, %dma_wait3A_204] : memref<2x10240x64xf32, #tpu.memory_space<hbm>> -> memref<1x640x64xf32, #tpu.memory_space<hbm>>
      %dma_wait3A_206 = tpu.memref_squeeze %dma_wait3A_205 : memref<1x640x64xf32, #tpu.memory_space<hbm>> -> memref<640x64xf32, #tpu.memory_space<hbm>>
      tpu.wait_dma2 semaphore(%run_scoped3A_196 : memref<!tpu.dma_semaphore, #tpu.memory_space<semaphore_mem>>) src(%dma_wait3A_206 : memref<640x64xf32, #tpu.memory_space<hbm>>) dst(%dma_wait3A_203 : memref<640x64xf32, #tpu.memory_space<vmem_shared>>)
      tpu.yield
    }) : () -> ()
    %barrier3A = arith.constant 0 : index
    tpu.barrier barrier_id(%barrier3A)
    %scan3A = arith.constant 0 : i32
    %mul3A_3 = arith.constant 1 : i32
    %mul3A_4 = arith.muli %scan3A, %mul3A_3 : i32
    %add3A = arith.constant 0 : i32
    %add3A_5 = arith.addi %add3A, %mul3A_4 : i32
    %mul3A_6 = arith.constant 250 : i32
    %mul3A_7 = arith.muli %arg1, %mul3A_6 : i32
    %mul3A_8 = arith.constant 250 : i32
    %mul3A_9 = arith.muli %add3A_5, %mul3A_8 : i32
    %add3A_10 = arith.addi %mul3A_7, %mul3A_9 : i32
    %run_scoped3A = arith.constant 0 : i32
    "tpu.region"() ({
      %run_scoped3A_196 = tpu.sem_alloc : memref<!tpu.dma_semaphore, #tpu.memory_space<semaphore_mem>>
      %dma_start3A_197 = arith.constant 0 : i32
      %dma_start3A_198 = tpu.memref_slice %arg3[%run_scoped3A, %add3A_10, %dma_start3A_197] : memref<2x4000x80xi32, #tpu.memory_space<hbm>> -> memref<1x250x80xi32, #tpu.memory_space<hbm>>
      %dma_start3A_199 = tpu.memref_squeeze %dma_start3A_198 : memref<1x250x80xi32, #tpu.memory_space<hbm>> -> memref<250x80xi32, #tpu.memory_space<hbm>>
      %dma_start3A_200 = arith.constant 0 : i32
      %dma_start3A_201 = tpu.memref_slice %arg3[%run_scoped3A, %add3A_10, %dma_start3A_200] : memref<2x4000x80xi32, #tpu.memory_space<hbm>> -> memref<1x250x80xi32, #tpu.memory_space<hbm>>
      %dma_start3A_202 = tpu.memref_squeeze %dma_start3A_201 : memref<1x250x80xi32, #tpu.memory_space<hbm>> -> memref<250x80xi32, #tpu.memory_space<hbm>>
      tpu.enqueue_dma source(%dma_start3A_202 : memref<250x80xi32, #tpu.memory_space<hbm>>) target(%arg5 : memref<250x80xi32, #tpu.memory_space<vmem>>) target_semaphore(%run_scoped3A_196 : memref<!tpu.dma_semaphore, #tpu.memory_space<semaphore_mem>>)
      %dma_wait3A_203 = arith.constant 0 : i32
      %dma_wait3A_204 = tpu.memref_slice %arg3[%run_scoped3A, %add3A_10, %dma_wait3A_203] : memref<2x4000x80xi32, #tpu.memory_space<hbm>> -> memref<1x250x80xi32, #tpu.memory_space<hbm>>
      %dma_wait3A_205 = tpu.memref_squeeze %dma_wait3A_204 : memref<1x250x80xi32, #tpu.memory_space<hbm>> -> memref<250x80xi32, #tpu.memory_space<hbm>>
      %dma_wait3A_206 = arith.constant 0 : i32
      %dma_wait3A_207 = tpu.memref_slice %arg3[%run_scoped3A, %add3A_10, %dma_wait3A_206] : memref<2x4000x80xi32, #tpu.memory_space<hbm>> -> memref<1x250x80xi32, #tpu.memory_space<hbm>>
      %dma_wait3A_208 = tpu.memref_squeeze %dma_wait3A_207 : memref<1x250x80xi32, #tpu.memory_space<hbm>> -> memref<250x80xi32, #tpu.memory_space<hbm>>
      tpu.wait_dma2 semaphore(%run_scoped3A_196 : memref<!tpu.dma_semaphore, #tpu.memory_space<semaphore_mem>>) src(%dma_wait3A_208 : memref<250x80xi32, #tpu.memory_space<hbm>>) dst(%arg5 : memref<250x80xi32, #tpu.memory_space<vmem>>)
      tpu.yield
    }) : () -> ()
    %mul3A_11 = arith.constant 250 : i32
    %mul3A_12 = arith.muli %arg1, %mul3A_11 : i32
    %mul3A_13 = arith.constant 250 : i32
    %mul3A_14 = arith.muli %add3A_5, %mul3A_13 : i32
    %add3A_15 = arith.addi %mul3A_12, %mul3A_14 : i32
    %run_scoped3A_16 = arith.constant 1 : i32
    "tpu.region"() ({
      %run_scoped3A_196 = tpu.sem_alloc : memref<!tpu.dma_semaphore, #tpu.memory_space<semaphore_mem>>
      %dma_start3A_197 = arith.constant 0 : i32
      %dma_start3A_198 = tpu.memref_slice %arg3[%run_scoped3A_16, %add3A_15, %dma_start3A_197] : memref<2x4000x80xi32, #tpu.memory_space<hbm>> -> memref<1x250x80xi32, #tpu.memory_space<hbm>>
      %dma_start3A_199 = tpu.memref_squeeze %dma_start3A_198 : memref<1x250x80xi32, #tpu.memory_space<hbm>> -> memref<250x80xi32, #tpu.memory_space<hbm>>
      %dma_start3A_200 = arith.constant 0 : i32
      %dma_start3A_201 = tpu.memref_slice %arg3[%run_scoped3A_16, %add3A_15, %dma_start3A_200] : memref<2x4000x80xi32, #tpu.memory_space<hbm>> -> memref<1x250x80xi32, #tpu.memory_space<hbm>>
      %dma_start3A_202 = tpu.memref_squeeze %dma_start3A_201 : memref<1x250x80xi32, #tpu.memory_space<hbm>> -> memref<250x80xi32, #tpu.memory_space<hbm>>
      tpu.enqueue_dma source(%dma_start3A_202 : memref<250x80xi32, #tpu.memory_space<hbm>>) target(%arg6 : memref<250x80xi32, #tpu.memory_space<vmem>>) target_semaphore(%run_scoped3A_196 : memref<!tpu.dma_semaphore, #tpu.memory_space<semaphore_mem>>)
      %dma_wait3A_203 = arith.constant 0 : i32
      %dma_wait3A_204 = tpu.memref_slice %arg3[%run_scoped3A_16, %add3A_15, %dma_wait3A_203] : memref<2x4000x80xi32, #tpu.memory_space<hbm>> -> memref<1x250x80xi32, #tpu.memory_space<hbm>>
      %dma_wait3A_205 = tpu.memref_squeeze %dma_wait3A_204 : memref<1x250x80xi32, #tpu.memory_space<hbm>> -> memref<250x80xi32, #tpu.memory_space<hbm>>
      %dma_wait3A_206 = arith.constant 0 : i32
      %dma_wait3A_207 = tpu.memref_slice %arg3[%run_scoped3A_16, %add3A_15, %dma_wait3A_206] : memref<2x4000x80xi32, #tpu.memory_space<hbm>> -> memref<1x250x80xi32, #tpu.memory_space<hbm>>
      %dma_wait3A_208 = tpu.memref_squeeze %dma_wait3A_207 : memref<1x250x80xi32, #tpu.memory_space<hbm>> -> memref<250x80xi32, #tpu.memory_space<hbm>>
      tpu.wait_dma2 semaphore(%run_scoped3A_196 : memref<!tpu.dma_semaphore, #tpu.memory_space<semaphore_mem>>) src(%dma_wait3A_208 : memref<250x80xi32, #tpu.memory_space<hbm>>) dst(%arg6 : memref<250x80xi32, #tpu.memory_space<vmem>>)
      tpu.yield
    }) : () -> ()
    %dma_start3A = arith.constant 0 : i32
    %dma_start3A_17 = arith.constant 0 : i32
    %dma_start3A_18 = arith.constant 0 : i32
    %dma_start3A_19 = arith.constant 0 : i32
    %dma_start3A_20 = tpu.memref_slice %arg7[%dma_start3A_17, %dma_start3A_18, %dma_start3A_19] : memref<5x80x64xf32, #tpu.memory_space<vmem>> -> memref<1x80x64xf32, #tpu.memory_space<vmem>>
    %dma_start3A_21 = tpu.memref_squeeze %dma_start3A_20 : memref<1x80x64xf32, #tpu.memory_space<vmem>> -> memref<80x64xf32, #tpu.memory_space<vmem>>
    %dma_start3A_22 = arith.constant 0 : i32
    %dma_start3A_23 = tpu.memref_slice %arg5[%dma_start3A, %dma_start3A_22] : memref<250x80xi32, #tpu.memory_space<vmem>> -> memref<1x80xi32, #tpu.memory_space<vmem>>
    %dma_start3A_24 = tpu.memref_squeeze %dma_start3A_23 : memref<1x80xi32, #tpu.memory_space<vmem>> -> memref<80xi32, #tpu.memory_space<vmem>>
    %dma_start3A_25 = arith.constant 0 : i32
    %dma_start3A_26 = arith.constant 0 : i32
    %dma_start3A_27 = tpu.memref_slice %arg2[%arg0, %dma_start3A_25, %dma_start3A_26] : memref<2x10240x64xf32, #tpu.memory_space<hbm>> -> memref<1x10240x64xf32, #tpu.memory_space<hbm>>
    %dma_start3A_28 = tpu.memref_squeeze %dma_start3A_27 : memref<1x10240x64xf32, #tpu.memory_space<hbm>> -> memref<10240x64xf32, #tpu.memory_space<hbm>>
    %dma_start3A_29 = arith.constant 0 : i32
    %dma_start3A_30 = arith.constant 0 : i32
    %dma_start3A_31 = tpu.memref_slice %dma_start3A_28[%dma_start3A_29, %dma_start3A_30] : memref<10240x64xf32, #tpu.memory_space<hbm>> -> memref<10240x64xf32, #tpu.memory_space<hbm>>
    tpu.enqueue_indirect_dma source(%dma_start3A_31 : memref<10240x64xf32, #tpu.memory_space<hbm>>) target(%dma_start3A_21 : memref<80x64xf32, #tpu.memory_space<vmem>>) offsets(%dma_start3A_24 : memref<80xi32, #tpu.memory_space<vmem>>) semaphore(%arg9 : memref<!tpu.dma_semaphore, #tpu.memory_space<semaphore_mem>>)
    %dma_start3A_32 = arith.constant 1 : i32
    %dma_start3A_33 = arith.constant 1 : i32
    %dma_start3A_34 = arith.constant 0 : i32
    %dma_start3A_35 = arith.constant 0 : i32
    %dma_start3A_36 = tpu.memref_slice %arg7[%dma_start3A_33, %dma_start3A_34, %dma_start3A_35] : memref<5x80x64xf32, #tpu.memory_space<vmem>> -> memref<1x80x64xf32, #tpu.memory_space<vmem>>
    %dma_start3A_37 = tpu.memref_squeeze %dma_start3A_36 : memref<1x80x64xf32, #tpu.memory_space<vmem>> -> memref<80x64xf32, #tpu.memory_space<vmem>>
    %dma_start3A_38 = arith.constant 0 : i32
    %dma_start3A_39 = tpu.memref_slice %arg5[%dma_start3A_32, %dma_start3A_38] : memref<250x80xi32, #tpu.memory_space<vmem>> -> memref<1x80xi32, #tpu.memory_space<vmem>>
    %dma_start3A_40 = tpu.memref_squeeze %dma_start3A_39 : memref<1x80xi32, #tpu.memory_space<vmem>> -> memref<80xi32, #tpu.memory_space<vmem>>
    %dma_start3A_41 = arith.constant 0 : i32
    %dma_start3A_42 = arith.constant 0 : i32
    %dma_start3A_43 = tpu.memref_slice %arg2[%arg0, %dma_start3A_41, %dma_start3A_42] : memref<2x10240x64xf32, #tpu.memory_space<hbm>> -> memref<1x10240x64xf32, #tpu.memory_space<hbm>>
    %dma_start3A_44 = tpu.memref_squeeze %dma_start3A_43 : memref<1x10240x64xf32, #tpu.memory_space<hbm>> -> memref<10240x64xf32, #tpu.memory_space<hbm>>
    %dma_start3A_45 = arith.constant 0 : i32
    %dma_start3A_46 = arith.constant 0 : i32
    %dma_start3A_47 = tpu.memref_slice %dma_start3A_44[%dma_start3A_45, %dma_start3A_46] : memref<10240x64xf32, #tpu.memory_space<hbm>> -> memref<10240x64xf32, #tpu.memory_space<hbm>>
    tpu.enqueue_indirect_dma source(%dma_start3A_47 : memref<10240x64xf32, #tpu.memory_space<hbm>>) target(%dma_start3A_37 : memref<80x64xf32, #tpu.memory_space<vmem>>) offsets(%dma_start3A_40 : memref<80xi32, #tpu.memory_space<vmem>>) semaphore(%arg10 : memref<!tpu.dma_semaphore, #tpu.memory_space<semaphore_mem>>)
    %dma_start3A_48 = arith.constant 2 : i32
    %dma_start3A_49 = arith.constant 2 : i32
    %dma_start3A_50 = arith.constant 0 : i32
    %dma_start3A_51 = arith.constant 0 : i32
    %dma_start3A_52 = tpu.memref_slice %arg7[%dma_start3A_49, %dma_start3A_50, %dma_start3A_51] : memref<5x80x64xf32, #tpu.memory_space<vmem>> -> memref<1x80x64xf32, #tpu.memory_space<vmem>>
    %dma_start3A_53 = tpu.memref_squeeze %dma_start3A_52 : memref<1x80x64xf32, #tpu.memory_space<vmem>> -> memref<80x64xf32, #tpu.memory_space<vmem>>
    %dma_start3A_54 = arith.constant 0 : i32
    %dma_start3A_55 = tpu.memref_slice %arg5[%dma_start3A_48, %dma_start3A_54] : memref<250x80xi32, #tpu.memory_space<vmem>> -> memref<1x80xi32, #tpu.memory_space<vmem>>
    %dma_start3A_56 = tpu.memref_squeeze %dma_start3A_55 : memref<1x80xi32, #tpu.memory_space<vmem>> -> memref<80xi32, #tpu.memory_space<vmem>>
    %dma_start3A_57 = arith.constant 0 : i32
    %dma_start3A_58 = arith.constant 0 : i32
    %dma_start3A_59 = tpu.memref_slice %arg2[%arg0, %dma_start3A_57, %dma_start3A_58] : memref<2x10240x64xf32, #tpu.memory_space<hbm>> -> memref<1x10240x64xf32, #tpu.memory_space<hbm>>
    %dma_start3A_60 = tpu.memref_squeeze %dma_start3A_59 : memref<1x10240x64xf32, #tpu.memory_space<hbm>> -> memref<10240x64xf32, #tpu.memory_space<hbm>>
    %dma_start3A_61 = arith.constant 0 : i32
    %dma_start3A_62 = arith.constant 0 : i32
    %dma_start3A_63 = tpu.memref_slice %dma_start3A_60[%dma_start3A_61, %dma_start3A_62] : memref<10240x64xf32, #tpu.memory_space<hbm>> -> memref<10240x64xf32, #tpu.memory_space<hbm>>
    tpu.enqueue_indirect_dma source(%dma_start3A_63 : memref<10240x64xf32, #tpu.memory_space<hbm>>) target(%dma_start3A_53 : memref<80x64xf32, #tpu.memory_space<vmem>>) offsets(%dma_start3A_56 : memref<80xi32, #tpu.memory_space<vmem>>) semaphore(%arg11 : memref<!tpu.dma_semaphore, #tpu.memory_space<semaphore_mem>>)
    %dma_start3A_64 = arith.constant 3 : i32
    %dma_start3A_65 = arith.constant 3 : i32
    %dma_start3A_66 = arith.constant 0 : i32
    %dma_start3A_67 = arith.constant 0 : i32
    %dma_start3A_68 = tpu.memref_slice %arg7[%dma_start3A_65, %dma_start3A_66, %dma_start3A_67] : memref<5x80x64xf32, #tpu.memory_space<vmem>> -> memref<1x80x64xf32, #tpu.memory_space<vmem>>
    %dma_start3A_69 = tpu.memref_squeeze %dma_start3A_68 : memref<1x80x64xf32, #tpu.memory_space<vmem>> -> memref<80x64xf32, #tpu.memory_space<vmem>>
    %dma_start3A_70 = arith.constant 0 : i32
    %dma_start3A_71 = tpu.memref_slice %arg5[%dma_start3A_64, %dma_start3A_70] : memref<250x80xi32, #tpu.memory_space<vmem>> -> memref<1x80xi32, #tpu.memory_space<vmem>>
    %dma_start3A_72 = tpu.memref_squeeze %dma_start3A_71 : memref<1x80xi32, #tpu.memory_space<vmem>> -> memref<80xi32, #tpu.memory_space<vmem>>
    %dma_start3A_73 = arith.constant 0 : i32
    %dma_start3A_74 = arith.constant 0 : i32
    %dma_start3A_75 = tpu.memref_slice %arg2[%arg0, %dma_start3A_73, %dma_start3A_74] : memref<2x10240x64xf32, #tpu.memory_space<hbm>> -> memref<1x10240x64xf32, #tpu.memory_space<hbm>>
    %dma_start3A_76 = tpu.memref_squeeze %dma_start3A_75 : memref<1x10240x64xf32, #tpu.memory_space<hbm>> -> memref<10240x64xf32, #tpu.memory_space<hbm>>
    %dma_start3A_77 = arith.constant 0 : i32
    %dma_start3A_78 = arith.constant 0 : i32
    %dma_start3A_79 = tpu.memref_slice %dma_start3A_76[%dma_start3A_77, %dma_start3A_78] : memref<10240x64xf32, #tpu.memory_space<hbm>> -> memref<10240x64xf32, #tpu.memory_space<hbm>>
    tpu.enqueue_indirect_dma source(%dma_start3A_79 : memref<10240x64xf32, #tpu.memory_space<hbm>>) target(%dma_start3A_69 : memref<80x64xf32, #tpu.memory_space<vmem>>) offsets(%dma_start3A_72 : memref<80xi32, #tpu.memory_space<vmem>>) semaphore(%arg12 : memref<!tpu.dma_semaphore, #tpu.memory_space<semaphore_mem>>)
    %dma_start3A_80 = arith.constant 4 : i32
    %dma_start3A_81 = arith.constant 4 : i32
    %dma_start3A_82 = arith.constant 0 : i32
    %dma_start3A_83 = arith.constant 0 : i32
    %dma_start3A_84 = tpu.memref_slice %arg7[%dma_start3A_81, %dma_start3A_82, %dma_start3A_83] : memref<5x80x64xf32, #tpu.memory_space<vmem>> -> memref<1x80x64xf32, #tpu.memory_space<vmem>>
    %dma_start3A_85 = tpu.memref_squeeze %dma_start3A_84 : memref<1x80x64xf32, #tpu.memory_space<vmem>> -> memref<80x64xf32, #tpu.memory_space<vmem>>
    %dma_start3A_86 = arith.constant 0 : i32
    %dma_start3A_87 = tpu.memref_slice %arg5[%dma_start3A_80, %dma_start3A_86] : memref<250x80xi32, #tpu.memory_space<vmem>> -> memref<1x80xi32, #tpu.memory_space<vmem>>
    %dma_start3A_88 = tpu.memref_squeeze %dma_start3A_87 : memref<1x80xi32, #tpu.memory_space<vmem>> -> memref<80xi32, #tpu.memory_space<vmem>>
    %dma_start3A_89 = arith.constant 0 : i32
    %dma_start3A_90 = arith.constant 0 : i32
    %dma_start3A_91 = tpu.memref_slice %arg2[%arg0, %dma_start3A_89, %dma_start3A_90] : memref<2x10240x64xf32, #tpu.memory_space<hbm>> -> memref<1x10240x64xf32, #tpu.memory_space<hbm>>
    %dma_start3A_92 = tpu.memref_squeeze %dma_start3A_91 : memref<1x10240x64xf32, #tpu.memory_space<hbm>> -> memref<10240x64xf32, #tpu.memory_space<hbm>>
    %dma_start3A_93 = arith.constant 0 : i32
    %dma_start3A_94 = arith.constant 0 : i32
    %dma_start3A_95 = tpu.memref_slice %dma_start3A_92[%dma_start3A_93, %dma_start3A_94] : memref<10240x64xf32, #tpu.memory_space<hbm>> -> memref<10240x64xf32, #tpu.memory_space<hbm>>
    tpu.enqueue_indirect_dma source(%dma_start3A_95 : memref<10240x64xf32, #tpu.memory_space<hbm>>) target(%dma_start3A_85 : memref<80x64xf32, #tpu.memory_space<vmem>>) offsets(%dma_start3A_88 : memref<80xi32, #tpu.memory_space<vmem>>) semaphore(%arg13 : memref<!tpu.dma_semaphore, #tpu.memory_space<semaphore_mem>>)
    %scan3A_96 = arith.constant 0 : i32
    %scan3A_97 = arith.constant 49 : i32
    %scan3A_98 = arith.addi %scan3A_96, %scan3A_97 : i32
    %scan3A_99 = arith.constant 1 : i32
    scf.for %scan3A_196 = %scan3A_96 to %scan3A_98 step %scan3A_99  : i32 {
      %mul3A_197 = arith.constant 1 : i32
      %mul3A_198 = arith.muli %scan3A_196, %mul3A_197 : i32
      %add3A_199 = arith.constant 0 : i32
      %add3A_200 = arith.addi %add3A_199, %mul3A_198 : i32
      %mul3A_201 = arith.constant 5 : i32
      %mul3A_202 = arith.muli %add3A_200, %mul3A_201 : i32
      %add3A_203 = arith.constant 0 : i32
      %add3A_204 = arith.addi %mul3A_202, %add3A_203 : i32
      %dma_wait3A_205 = arith.constant 0 : i32
      %dma_wait3A_206 = arith.constant 0 : i32
      %dma_wait3A_207 = arith.constant 0 : i32
      %dma_wait3A_208 = tpu.memref_slice %arg7[%dma_wait3A_205, %dma_wait3A_206, %dma_wait3A_207] : memref<5x80x64xf32, #tpu.memory_space<vmem>> -> memref<1x80x64xf32, #tpu.memory_space<vmem>>
      %dma_wait3A_209 = tpu.memref_squeeze %dma_wait3A_208 : memref<1x80x64xf32, #tpu.memory_space<vmem>> -> memref<80x64xf32, #tpu.memory_space<vmem>>
      %dma_wait3A_210 = arith.constant 0 : i32
      %dma_wait3A_211 = tpu.memref_slice %arg5[%add3A_204, %dma_wait3A_210] : memref<250x80xi32, #tpu.memory_space<vmem>> -> memref<1x80xi32, #tpu.memory_space<vmem>>
      %dma_wait3A_212 = tpu.memref_squeeze %dma_wait3A_211 : memref<1x80xi32, #tpu.memory_space<vmem>> -> memref<80xi32, #tpu.memory_space<vmem>>
      %dma_wait3A_213 = arith.constant 0 : i32
      %dma_wait3A_214 = arith.constant 0 : i32
      %dma_wait3A_215 = tpu.memref_slice %arg2[%arg0, %dma_wait3A_213, %dma_wait3A_214] : memref<2x10240x64xf32, #tpu.memory_space<hbm>> -> memref<1x10240x64xf32, #tpu.memory_space<hbm>>
      %dma_wait3A_216 = tpu.memref_squeeze %dma_wait3A_215 : memref<1x10240x64xf32, #tpu.memory_space<hbm>> -> memref<10240x64xf32, #tpu.memory_space<hbm>>
      %dma_wait3A_217 = arith.constant 0 : i32
      %dma_wait3A_218 = arith.constant 0 : i32
      %dma_wait3A_219 = tpu.memref_slice %dma_wait3A_216[%dma_wait3A_217, %dma_wait3A_218] : memref<10240x64xf32, #tpu.memory_space<hbm>> -> memref<10240x64xf32, #tpu.memory_space<hbm>>
      tpu.wait_indirect_dma semaphore(%arg9 : memref<!tpu.dma_semaphore, #tpu.memory_space<semaphore_mem>>) src(%dma_wait3A_219 : memref<10240x64xf32, #tpu.memory_space<hbm>>) dst(%dma_wait3A_209 : memref<80x64xf32, #tpu.memory_space<vmem>>)
      %run_scoped3A_220 = arith.constant 0 : i32
      "tpu.region"() ({
        %run_scoped3A_386 = tpu.sem_alloc : memref<!tpu.dma_semaphore, #tpu.memory_space<semaphore_mem>>
        %dma_start3A_387 = arith.constant 0 : i32
        %dma_start3A_388 = arith.constant 0 : i32
        %dma_start3A_389 = tpu.memref_slice %arg7[%run_scoped3A_220, %dma_start3A_387, %dma_start3A_388] : memref<5x80x64xf32, #tpu.memory_space<vmem>> -> memref<1x80x64xf32, #tpu.memory_space<vmem>>
        %dma_start3A_390 = tpu.memref_squeeze %dma_start3A_389 : memref<1x80x64xf32, #tpu.memory_space<vmem>> -> memref<80x64xf32, #tpu.memory_space<vmem>>
        %dma_start3A_391 = arith.constant 0 : i32
        %dma_start3A_392 = tpu.memref_slice %arg6[%add3A_204, %dma_start3A_391] : memref<250x80xi32, #tpu.memory_space<vmem>> -> memref<1x80xi32, #tpu.memory_space<vmem>>
        %dma_start3A_393 = tpu.memref_squeeze %dma_start3A_392 : memref<1x80xi32, #tpu.memory_space<vmem>> -> memref<80xi32, #tpu.memory_space<vmem>>
        %dma_start3A_394 = arith.constant 0 : i32
        %dma_start3A_395 = arith.constant 0 : i32
        %dma_start3A_396 = tpu.memref_slice %arg8[%dma_start3A_394, %dma_start3A_395] : memref<10240x64xf32, #tpu.memory_space<vmem_shared>> -> memref<10240x64xf32, #tpu.memory_space<vmem_shared>>
        tpu.enqueue_indirect_dma source(%dma_start3A_390 : memref<80x64xf32, #tpu.memory_space<vmem>>) target(%dma_start3A_396 : memref<10240x64xf32, #tpu.memory_space<vmem_shared>>) offsets(%dma_start3A_393 : memref<80xi32, #tpu.memory_space<vmem>>) semaphore(%run_scoped3A_386 : memref<!tpu.dma_semaphore, #tpu.memory_space<semaphore_mem>>) {add = true}
        %dma_wait3A_397 = arith.constant 0 : i32
        %dma_wait3A_398 = arith.constant 0 : i32
        %dma_wait3A_399 = tpu.memref_slice %arg7[%run_scoped3A_220, %dma_wait3A_397, %dma_wait3A_398] : memref<5x80x64xf32, #tpu.memory_space<vmem>> -> memref<1x80x64xf32, #tpu.memory_space<vmem>>
        %dma_wait3A_400 = tpu.memref_squeeze %dma_wait3A_399 : memref<1x80x64xf32, #tpu.memory_space<vmem>> -> memref<80x64xf32, #tpu.memory_space<vmem>>
        %dma_wait3A_401 = arith.constant 0 : i32
        %dma_wait3A_402 = tpu.memref_slice %arg6[%add3A_204, %dma_wait3A_401] : memref<250x80xi32, #tpu.memory_space<vmem>> -> memref<1x80xi32, #tpu.memory_space<vmem>>
        %dma_wait3A_403 = tpu.memref_squeeze %dma_wait3A_402 : memref<1x80xi32, #tpu.memory_space<vmem>> -> memref<80xi32, #tpu.memory_space<vmem>>
        %dma_wait3A_404 = arith.constant 0 : i32
        %dma_wait3A_405 = arith.constant 0 : i32
        %dma_wait3A_406 = tpu.memref_slice %arg8[%dma_wait3A_404, %dma_wait3A_405] : memref<10240x64xf32, #tpu.memory_space<vmem_shared>> -> memref<10240x64xf32, #tpu.memory_space<vmem_shared>>
        tpu.wait_indirect_dma semaphore(%run_scoped3A_386 : memref<!tpu.dma_semaphore, #tpu.memory_space<semaphore_mem>>) src(%dma_wait3A_400 : memref<80x64xf32, #tpu.memory_space<vmem>>) dst(%dma_wait3A_406 : memref<10240x64xf32, #tpu.memory_space<vmem_shared>>)
        tpu.yield
      }) : () -> ()
      %add3A_221 = arith.constant 5 : i32
      %add3A_222 = arith.addi %add3A_204, %add3A_221 : i32
      %dma_start3A_223 = arith.constant 0 : i32
      %dma_start3A_224 = arith.constant 0 : i32
      %dma_start3A_225 = arith.constant 0 : i32
      %dma_start3A_226 = tpu.memref_slice %arg7[%dma_start3A_223, %dma_start3A_224, %dma_start3A_225] : memref<5x80x64xf32, #tpu.memory_space<vmem>> -> memref<1x80x64xf32, #tpu.memory_space<vmem>>
      %dma_start3A_227 = tpu.memref_squeeze %dma_start3A_226 : memref<1x80x64xf32, #tpu.memory_space<vmem>> -> memref<80x64xf32, #tpu.memory_space<vmem>>
      %dma_start3A_228 = arith.constant 0 : i32
      %dma_start3A_229 = tpu.memref_slice %arg5[%add3A_222, %dma_start3A_228] : memref<250x80xi32, #tpu.memory_space<vmem>> -> memref<1x80xi32, #tpu.memory_space<vmem>>
      %dma_start3A_230 = tpu.memref_squeeze %dma_start3A_229 : memref<1x80xi32, #tpu.memory_space<vmem>> -> memref<80xi32, #tpu.memory_space<vmem>>
      %dma_start3A_231 = arith.constant 0 : i32
      %dma_start3A_232 = arith.constant 0 : i32
      %dma_start3A_233 = tpu.memref_slice %arg2[%arg0, %dma_start3A_231, %dma_start3A_232] : memref<2x10240x64xf32, #tpu.memory_space<hbm>> -> memref<1x10240x64xf32, #tpu.memory_space<hbm>>
      %dma_start3A_234 = tpu.memref_squeeze %dma_start3A_233 : memref<1x10240x64xf32, #tpu.memory_space<hbm>> -> memref<10240x64xf32, #tpu.memory_space<hbm>>
      %dma_start3A_235 = arith.constant 0 : i32
      %dma_start3A_236 = arith.constant 0 : i32
      %dma_start3A_237 = tpu.memref_slice %dma_start3A_234[%dma_start3A_235, %dma_start3A_236] : memref<10240x64xf32, #tpu.memory_space<hbm>> -> memref<10240x64xf32, #tpu.memory_space<hbm>>
      tpu.enqueue_indirect_dma source(%dma_start3A_237 : memref<10240x64xf32, #tpu.memory_space<hbm>>) target(%dma_start3A_227 : memref<80x64xf32, #tpu.memory_space<vmem>>) offsets(%dma_start3A_230 : memref<80xi32, #tpu.memory_space<vmem>>) semaphore(%arg9 : memref<!tpu.dma_semaphore, #tpu.memory_space<semaphore_mem>>)
      %mul3A_238 = arith.constant 5 : i32
      %mul3A_239 = arith.muli %add3A_200, %mul3A_238 : i32
      %add3A_240 = arith.constant 1 : i32
      %add3A_241 = arith.addi %mul3A_239, %add3A_240 : i32
      %dma_wait3A_242 = arith.constant 1 : i32
      %dma_wait3A_243 = arith.constant 0 : i32
      %dma_wait3A_244 = arith.constant 0 : i32
      %dma_wait3A_245 = tpu.memref_slice %arg7[%dma_wait3A_242, %dma_wait3A_243, %dma_wait3A_244] : memref<5x80x64xf32, #tpu.memory_space<vmem>> -> memref<1x80x64xf32, #tpu.memory_space<vmem>>
      %dma_wait3A_246 = tpu.memref_squeeze %dma_wait3A_245 : memref<1x80x64xf32, #tpu.memory_space<vmem>> -> memref<80x64xf32, #tpu.memory_space<vmem>>
      %dma_wait3A_247 = arith.constant 0 : i32
      %dma_wait3A_248 = tpu.memref_slice %arg5[%add3A_241, %dma_wait3A_247] : memref<250x80xi32, #tpu.memory_space<vmem>> -> memref<1x80xi32, #tpu.memory_space<vmem>>
      %dma_wait3A_249 = tpu.memref_squeeze %dma_wait3A_248 : memref<1x80xi32, #tpu.memory_space<vmem>> -> memref<80xi32, #tpu.memory_space<vmem>>
      %dma_wait3A_250 = arith.constant 0 : i32
      %dma_wait3A_251 = arith.constant 0 : i32
      %dma_wait3A_252 = tpu.memref_slice %arg2[%arg0, %dma_wait3A_250, %dma_wait3A_251] : memref<2x10240x64xf32, #tpu.memory_space<hbm>> -> memref<1x10240x64xf32, #tpu.memory_space<hbm>>
      %dma_wait3A_253 = tpu.memref_squeeze %dma_wait3A_252 : memref<1x10240x64xf32, #tpu.memory_space<hbm>> -> memref<10240x64xf32, #tpu.memory_space<hbm>>
      %dma_wait3A_254 = arith.constant 0 : i32
      %dma_wait3A_255 = arith.constant 0 : i32
      %dma_wait3A_256 = tpu.memref_slice %dma_wait3A_253[%dma_wait3A_254, %dma_wait3A_255] : memref<10240x64xf32, #tpu.memory_space<hbm>> -> memref<10240x64xf32, #tpu.memory_space<hbm>>
      tpu.wait_indirect_dma semaphore(%arg10 : memref<!tpu.dma_semaphore, #tpu.memory_space<semaphore_mem>>) src(%dma_wait3A_256 : memref<10240x64xf32, #tpu.memory_space<hbm>>) dst(%dma_wait3A_246 : memref<80x64xf32, #tpu.memory_space<vmem>>)
      %run_scoped3A_257 = arith.constant 1 : i32
      "tpu.region"() ({
        %run_scoped3A_386 = tpu.sem_alloc : memref<!tpu.dma_semaphore, #tpu.memory_space<semaphore_mem>>
        %dma_start3A_387 = arith.constant 0 : i32
        %dma_start3A_388 = arith.constant 0 : i32
        %dma_start3A_389 = tpu.memref_slice %arg7[%run_scoped3A_257, %dma_start3A_387, %dma_start3A_388] : memref<5x80x64xf32, #tpu.memory_space<vmem>> -> memref<1x80x64xf32, #tpu.memory_space<vmem>>
        %dma_start3A_390 = tpu.memref_squeeze %dma_start3A_389 : memref<1x80x64xf32, #tpu.memory_space<vmem>> -> memref<80x64xf32, #tpu.memory_space<vmem>>
        %dma_start3A_391 = arith.constant 0 : i32
        %dma_start3A_392 = tpu.memref_slice %arg6[%add3A_241, %dma_start3A_391] : memref<250x80xi32, #tpu.memory_space<vmem>> -> memref<1x80xi32, #tpu.memory_space<vmem>>
        %dma_start3A_393 = tpu.memref_squeeze %dma_start3A_392 : memref<1x80xi32, #tpu.memory_space<vmem>> -> memref<80xi32, #tpu.memory_space<vmem>>
        %dma_start3A_394 = arith.constant 0 : i32
        %dma_start3A_395 = arith.constant 0 : i32
        %dma_start3A_396 = tpu.memref_slice %arg8[%dma_start3A_394, %dma_start3A_395] : memref<10240x64xf32, #tpu.memory_space<vmem_shared>> -> memref<10240x64xf32, #tpu.memory_space<vmem_shared>>
        tpu.enqueue_indirect_dma source(%dma_start3A_390 : memref<80x64xf32, #tpu.memory_space<vmem>>) target(%dma_start3A_396 : memref<10240x64xf32, #tpu.memory_space<vmem_shared>>) offsets(%dma_start3A_393 : memref<80xi32, #tpu.memory_space<vmem>>) semaphore(%run_scoped3A_386 : memref<!tpu.dma_semaphore, #tpu.memory_space<semaphore_mem>>) {add = true}
        %dma_wait3A_397 = arith.constant 0 : i32
        %dma_wait3A_398 = arith.constant 0 : i32
        %dma_wait3A_399 = tpu.memref_slice %arg7[%run_scoped3A_257, %dma_wait3A_397, %dma_wait3A_398] : memref<5x80x64xf32, #tpu.memory_space<vmem>> -> memref<1x80x64xf32, #tpu.memory_space<vmem>>
        %dma_wait3A_400 = tpu.memref_squeeze %dma_wait3A_399 : memref<1x80x64xf32, #tpu.memory_space<vmem>> -> memref<80x64xf32, #tpu.memory_space<vmem>>
        %dma_wait3A_401 = arith.constant 0 : i32
        %dma_wait3A_402 = tpu.memref_slice %arg6[%add3A_241, %dma_wait3A_401] : memref<250x80xi32, #tpu.memory_space<vmem>> -> memref<1x80xi32, #tpu.memory_space<vmem>>
        %dma_wait3A_403 = tpu.memref_squeeze %dma_wait3A_402 : memref<1x80xi32, #tpu.memory_space<vmem>> -> memref<80xi32, #tpu.memory_space<vmem>>
        %dma_wait3A_404 = arith.constant 0 : i32
        %dma_wait3A_405 = arith.constant 0 : i32
        %dma_wait3A_406 = tpu.memref_slice %arg8[%dma_wait3A_404, %dma_wait3A_405] : memref<10240x64xf32, #tpu.memory_space<vmem_shared>> -> memref<10240x64xf32, #tpu.memory_space<vmem_shared>>
        tpu.wait_indirect_dma semaphore(%run_scoped3A_386 : memref<!tpu.dma_semaphore, #tpu.memory_space<semaphore_mem>>) src(%dma_wait3A_400 : memref<80x64xf32, #tpu.memory_space<vmem>>) dst(%dma_wait3A_406 : memref<10240x64xf32, #tpu.memory_space<vmem_shared>>)
        tpu.yield
      }) : () -> ()
      %add3A_258 = arith.constant 5 : i32
      %add3A_259 = arith.addi %add3A_241, %add3A_258 : i32
      %dma_start3A_260 = arith.constant 1 : i32
      %dma_start3A_261 = arith.constant 0 : i32
      %dma_start3A_262 = arith.constant 0 : i32
      %dma_start3A_263 = tpu.memref_slice %arg7[%dma_start3A_260, %dma_start3A_261, %dma_start3A_262] : memref<5x80x64xf32, #tpu.memory_space<vmem>> -> memref<1x80x64xf32, #tpu.memory_space<vmem>>
      %dma_start3A_264 = tpu.memref_squeeze %dma_start3A_263 : memref<1x80x64xf32, #tpu.memory_space<vmem>> -> memref<80x64xf32, #tpu.memory_space<vmem>>
      %dma_start3A_265 = arith.constant 0 : i32
      %dma_start3A_266 = tpu.memref_slice %arg5[%add3A_259, %dma_start3A_265] : memref<250x80xi32, #tpu.memory_space<vmem>> -> memref<1x80xi32, #tpu.memory_space<vmem>>
      %dma_start3A_267 = tpu.memref_squeeze %dma_start3A_266 : memref<1x80xi32, #tpu.memory_space<vmem>> -> memref<80xi32, #tpu.memory_space<vmem>>
      %dma_start3A_268 = arith.constant 0 : i32
      %dma_start3A_269 = arith.constant 0 : i32
      %dma_start3A_270 = tpu.memref_slice %arg2[%arg0, %dma_start3A_268, %dma_start3A_269] : memref<2x10240x64xf32, #tpu.memory_space<hbm>> -> memref<1x10240x64xf32, #tpu.memory_space<hbm>>
      %dma_start3A_271 = tpu.memref_squeeze %dma_start3A_270 : memref<1x10240x64xf32, #tpu.memory_space<hbm>> -> memref<10240x64xf32, #tpu.memory_space<hbm>>
      %dma_start3A_272 = arith.constant 0 : i32
      %dma_start3A_273 = arith.constant 0 : i32
      %dma_start3A_274 = tpu.memref_slice %dma_start3A_271[%dma_start3A_272, %dma_start3A_273] : memref<10240x64xf32, #tpu.memory_space<hbm>> -> memref<10240x64xf32, #tpu.memory_space<hbm>>
      tpu.enqueue_indirect_dma source(%dma_start3A_274 : memref<10240x64xf32, #tpu.memory_space<hbm>>) target(%dma_start3A_264 : memref<80x64xf32, #tpu.memory_space<vmem>>) offsets(%dma_start3A_267 : memref<80xi32, #tpu.memory_space<vmem>>) semaphore(%arg10 : memref<!tpu.dma_semaphore, #tpu.memory_space<semaphore_mem>>)
      %mul3A_275 = arith.constant 5 : i32
      %mul3A_276 = arith.muli %add3A_200, %mul3A_275 : i32
      %add3A_277 = arith.constant 2 : i32
      %add3A_278 = arith.addi %mul3A_276, %add3A_277 : i32
      %dma_wait3A_279 = arith.constant 2 : i32
      %dma_wait3A_280 = arith.constant 0 : i32
      %dma_wait3A_281 = arith.constant 0 : i32
      %dma_wait3A_282 = tpu.memref_slice %arg7[%dma_wait3A_279, %dma_wait3A_280, %dma_wait3A_281] : memref<5x80x64xf32, #tpu.memory_space<vmem>> -> memref<1x80x64xf32, #tpu.memory_space<vmem>>
      %dma_wait3A_283 = tpu.memref_squeeze %dma_wait3A_282 : memref<1x80x64xf32, #tpu.memory_space<vmem>> -> memref<80x64xf32, #tpu.memory_space<vmem>>
      %dma_wait3A_284 = arith.constant 0 : i32
      %dma_wait3A_285 = tpu.memref_slice %arg5[%add3A_278, %dma_wait3A_284] : memref<250x80xi32, #tpu.memory_space<vmem>> -> memref<1x80xi32, #tpu.memory_space<vmem>>
      %dma_wait3A_286 = tpu.memref_squeeze %dma_wait3A_285 : memref<1x80xi32, #tpu.memory_space<vmem>> -> memref<80xi32, #tpu.memory_space<vmem>>
      %dma_wait3A_287 = arith.constant 0 : i32
      %dma_wait3A_288 = arith.constant 0 : i32
      %dma_wait3A_289 = tpu.memref_slice %arg2[%arg0, %dma_wait3A_287, %dma_wait3A_288] : memref<2x10240x64xf32, #tpu.memory_space<hbm>> -> memref<1x10240x64xf32, #tpu.memory_space<hbm>>
      %dma_wait3A_290 = tpu.memref_squeeze %dma_wait3A_289 : memref<1x10240x64xf32, #tpu.memory_space<hbm>> -> memref<10240x64xf32, #tpu.memory_space<hbm>>
      %dma_wait3A_291 = arith.constant 0 : i32
      %dma_wait3A_292 = arith.constant 0 : i32
      %dma_wait3A_293 = tpu.memref_slice %dma_wait3A_290[%dma_wait3A_291, %dma_wait3A_292] : memref<10240x64xf32, #tpu.memory_space<hbm>> -> memref<10240x64xf32, #tpu.memory_space<hbm>>
      tpu.wait_indirect_dma semaphore(%arg11 : memref<!tpu.dma_semaphore, #tpu.memory_space<semaphore_mem>>) src(%dma_wait3A_293 : memref<10240x64xf32, #tpu.memory_space<hbm>>) dst(%dma_wait3A_283 : memref<80x64xf32, #tpu.memory_space<vmem>>)
      %run_scoped3A_294 = arith.constant 2 : i32
      "tpu.region"() ({
        %run_scoped3A_386 = tpu.sem_alloc : memref<!tpu.dma_semaphore, #tpu.memory_space<semaphore_mem>>
        %dma_start3A_387 = arith.constant 0 : i32
        %dma_start3A_388 = arith.constant 0 : i32
        %dma_start3A_389 = tpu.memref_slice %arg7[%run_scoped3A_294, %dma_start3A_387, %dma_start3A_388] : memref<5x80x64xf32, #tpu.memory_space<vmem>> -> memref<1x80x64xf32, #tpu.memory_space<vmem>>
        %dma_start3A_390 = tpu.memref_squeeze %dma_start3A_389 : memref<1x80x64xf32, #tpu.memory_space<vmem>> -> memref<80x64xf32, #tpu.memory_space<vmem>>
        %dma_start3A_391 = arith.constant 0 : i32
        %dma_start3A_392 = tpu.memref_slice %arg6[%add3A_278, %dma_start3A_391] : memref<250x80xi32, #tpu.memory_space<vmem>> -> memref<1x80xi32, #tpu.memory_space<vmem>>
        %dma_start3A_393 = tpu.memref_squeeze %dma_start3A_392 : memref<1x80xi32, #tpu.memory_space<vmem>> -> memref<80xi32, #tpu.memory_space<vmem>>
        %dma_start3A_394 = arith.constant 0 : i32
        %dma_start3A_395 = arith.constant 0 : i32
        %dma_start3A_396 = tpu.memref_slice %arg8[%dma_start3A_394, %dma_start3A_395] : memref<10240x64xf32, #tpu.memory_space<vmem_shared>> -> memref<10240x64xf32, #tpu.memory_space<vmem_shared>>
        tpu.enqueue_indirect_dma source(%dma_start3A_390 : memref<80x64xf32, #tpu.memory_space<vmem>>) target(%dma_start3A_396 : memref<10240x64xf32, #tpu.memory_space<vmem_shared>>) offsets(%dma_start3A_393 : memref<80xi32, #tpu.memory_space<vmem>>) semaphore(%run_scoped3A_386 : memref<!tpu.dma_semaphore, #tpu.memory_space<semaphore_mem>>) {add = true}
        %dma_wait3A_397 = arith.constant 0 : i32
        %dma_wait3A_398 = arith.constant 0 : i32
        %dma_wait3A_399 = tpu.memref_slice %arg7[%run_scoped3A_294, %dma_wait3A_397, %dma_wait3A_398] : memref<5x80x64xf32, #tpu.memory_space<vmem>> -> memref<1x80x64xf32, #tpu.memory_space<vmem>>
        %dma_wait3A_400 = tpu.memref_squeeze %dma_wait3A_399 : memref<1x80x64xf32, #tpu.memory_space<vmem>> -> memref<80x64xf32, #tpu.memory_space<vmem>>
        %dma_wait3A_401 = arith.constant 0 : i32
        %dma_wait3A_402 = tpu.memref_slice %arg6[%add3A_278, %dma_wait3A_401] : memref<250x80xi32, #tpu.memory_space<vmem>> -> memref<1x80xi32, #tpu.memory_space<vmem>>
        %dma_wait3A_403 = tpu.memref_squeeze %dma_wait3A_402 : memref<1x80xi32, #tpu.memory_space<vmem>> -> memref<80xi32, #tpu.memory_space<vmem>>
        %dma_wait3A_404 = arith.constant 0 : i32
        %dma_wait3A_405 = arith.constant 0 : i32
        %dma_wait3A_406 = tpu.memref_slice %arg8[%dma_wait3A_404, %dma_wait3A_405] : memref<10240x64xf32, #tpu.memory_space<vmem_shared>> -> memref<10240x64xf32, #tpu.memory_space<vmem_shared>>
        tpu.wait_indirect_dma semaphore(%run_scoped3A_386 : memref<!tpu.dma_semaphore, #tpu.memory_space<semaphore_mem>>) src(%dma_wait3A_400 : memref<80x64xf32, #tpu.memory_space<vmem>>) dst(%dma_wait3A_406 : memref<10240x64xf32, #tpu.memory_space<vmem_shared>>)
        tpu.yield
      }) : () -> ()
      %add3A_295 = arith.constant 5 : i32
      %add3A_296 = arith.addi %add3A_278, %add3A_295 : i32
      %dma_start3A_297 = arith.constant 2 : i32
      %dma_start3A_298 = arith.constant 0 : i32
      %dma_start3A_299 = arith.constant 0 : i32
      %dma_start3A_300 = tpu.memref_slice %arg7[%dma_start3A_297, %dma_start3A_298, %dma_start3A_299] : memref<5x80x64xf32, #tpu.memory_space<vmem>> -> memref<1x80x64xf32, #tpu.memory_space<vmem>>
      %dma_start3A_301 = tpu.memref_squeeze %dma_start3A_300 : memref<1x80x64xf32, #tpu.memory_space<vmem>> -> memref<80x64xf32, #tpu.memory_space<vmem>>
      %dma_start3A_302 = arith.constant 0 : i32
      %dma_start3A_303 = tpu.memref_slice %arg5[%add3A_296, %dma_start3A_302] : memref<250x80xi32, #tpu.memory_space<vmem>> -> memref<1x80xi32, #tpu.memory_space<vmem>>
      %dma_start3A_304 = tpu.memref_squeeze %dma_start3A_303 : memref<1x80xi32, #tpu.memory_space<vmem>> -> memref<80xi32, #tpu.memory_space<vmem>>
      %dma_start3A_305 = arith.constant 0 : i32
      %dma_start3A_306 = arith.constant 0 : i32
      %dma_start3A_307 = tpu.memref_slice %arg2[%arg0, %dma_start3A_305, %dma_start3A_306] : memref<2x10240x64xf32, #tpu.memory_space<hbm>> -> memref<1x10240x64xf32, #tpu.memory_space<hbm>>
      %dma_start3A_308 = tpu.memref_squeeze %dma_start3A_307 : memref<1x10240x64xf32, #tpu.memory_space<hbm>> -> memref<10240x64xf32, #tpu.memory_space<hbm>>
      %dma_start3A_309 = arith.constant 0 : i32
      %dma_start3A_310 = arith.constant 0 : i32
      %dma_start3A_311 = tpu.memref_slice %dma_start3A_308[%dma_start3A_309, %dma_start3A_310] : memref<10240x64xf32, #tpu.memory_space<hbm>> -> memref<10240x64xf32, #tpu.memory_space<hbm>>
      tpu.enqueue_indirect_dma source(%dma_start3A_311 : memref<10240x64xf32, #tpu.memory_space<hbm>>) target(%dma_start3A_301 : memref<80x64xf32, #tpu.memory_space<vmem>>) offsets(%dma_start3A_304 : memref<80xi32, #tpu.memory_space<vmem>>) semaphore(%arg11 : memref<!tpu.dma_semaphore, #tpu.memory_space<semaphore_mem>>)
      %mul3A_312 = arith.constant 5 : i32
      %mul3A_313 = arith.muli %add3A_200, %mul3A_312 : i32
      %add3A_314 = arith.constant 3 : i32
      %add3A_315 = arith.addi %mul3A_313, %add3A_314 : i32
      %dma_wait3A_316 = arith.constant 3 : i32
      %dma_wait3A_317 = arith.constant 0 : i32
      %dma_wait3A_318 = arith.constant 0 : i32
      %dma_wait3A_319 = tpu.memref_slice %arg7[%dma_wait3A_316, %dma_wait3A_317, %dma_wait3A_318] : memref<5x80x64xf32, #tpu.memory_space<vmem>> -> memref<1x80x64xf32, #tpu.memory_space<vmem>>
      %dma_wait3A_320 = tpu.memref_squeeze %dma_wait3A_319 : memref<1x80x64xf32, #tpu.memory_space<vmem>> -> memref<80x64xf32, #tpu.memory_space<vmem>>
      %dma_wait3A_321 = arith.constant 0 : i32
      %dma_wait3A_322 = tpu.memref_slice %arg5[%add3A_315, %dma_wait3A_321] : memref<250x80xi32, #tpu.memory_space<vmem>> -> memref<1x80xi32, #tpu.memory_space<vmem>>
      %dma_wait3A_323 = tpu.memref_squeeze %dma_wait3A_322 : memref<1x80xi32, #tpu.memory_space<vmem>> -> memref<80xi32, #tpu.memory_space<vmem>>
      %dma_wait3A_324 = arith.constant 0 : i32
      %dma_wait3A_325 = arith.constant 0 : i32
      %dma_wait3A_326 = tpu.memref_slice %arg2[%arg0, %dma_wait3A_324, %dma_wait3A_325] : memref<2x10240x64xf32, #tpu.memory_space<hbm>> -> memref<1x10240x64xf32, #tpu.memory_space<hbm>>
      %dma_wait3A_327 = tpu.memref_squeeze %dma_wait3A_326 : memref<1x10240x64xf32, #tpu.memory_space<hbm>> -> memref<10240x64xf32, #tpu.memory_space<hbm>>
      %dma_wait3A_328 = arith.constant 0 : i32
      %dma_wait3A_329 = arith.constant 0 : i32
      %dma_wait3A_330 = tpu.memref_slice %dma_wait3A_327[%dma_wait3A_328, %dma_wait3A_329] : memref<10240x64xf32, #tpu.memory_space<hbm>> -> memref<10240x64xf32, #tpu.memory_space<hbm>>
      tpu.wait_indirect_dma semaphore(%arg12 : memref<!tpu.dma_semaphore, #tpu.memory_space<semaphore_mem>>) src(%dma_wait3A_330 : memref<10240x64xf32, #tpu.memory_space<hbm>>) dst(%dma_wait3A_320 : memref<80x64xf32, #tpu.memory_space<vmem>>)
      %run_scoped3A_331 = arith.constant 3 : i32
      "tpu.region"() ({
        %run_scoped3A_386 = tpu.sem_alloc : memref<!tpu.dma_semaphore, #tpu.memory_space<semaphore_mem>>
        %dma_start3A_387 = arith.constant 0 : i32
        %dma_start3A_388 = arith.constant 0 : i32
        %dma_start3A_389 = tpu.memref_slice %arg7[%run_scoped3A_331, %dma_start3A_387, %dma_start3A_388] : memref<5x80x64xf32, #tpu.memory_space<vmem>> -> memref<1x80x64xf32, #tpu.memory_space<vmem>>
        %dma_start3A_390 = tpu.memref_squeeze %dma_start3A_389 : memref<1x80x64xf32, #tpu.memory_space<vmem>> -> memref<80x64xf32, #tpu.memory_space<vmem>>
        %dma_start3A_391 = arith.constant 0 : i32
        %dma_start3A_392 = tpu.memref_slice %arg6[%add3A_315, %dma_start3A_391] : memref<250x80xi32, #tpu.memory_space<vmem>> -> memref<1x80xi32, #tpu.memory_space<vmem>>
        %dma_start3A_393 = tpu.memref_squeeze %dma_start3A_392 : memref<1x80xi32, #tpu.memory_space<vmem>> -> memref<80xi32, #tpu.memory_space<vmem>>
        %dma_start3A_394 = arith.constant 0 : i32
        %dma_start3A_395 = arith.constant 0 : i32
        %dma_start3A_396 = tpu.memref_slice %arg8[%dma_start3A_394, %dma_start3A_395] : memref<10240x64xf32, #tpu.memory_space<vmem_shared>> -> memref<10240x64xf32, #tpu.memory_space<vmem_shared>>
        tpu.enqueue_indirect_dma source(%dma_start3A_390 : memref<80x64xf32, #tpu.memory_space<vmem>>) target(%dma_start3A_396 : memref<10240x64xf32, #tpu.memory_space<vmem_shared>>) offsets(%dma_start3A_393 : memref<80xi32, #tpu.memory_space<vmem>>) semaphore(%run_scoped3A_386 : memref<!tpu.dma_semaphore, #tpu.memory_space<semaphore_mem>>) {add = true}
        %dma_wait3A_397 = arith.constant 0 : i32
        %dma_wait3A_398 = arith.constant 0 : i32
        %dma_wait3A_399 = tpu.memref_slice %arg7[%run_scoped3A_331, %dma_wait3A_397, %dma_wait3A_398] : memref<5x80x64xf32, #tpu.memory_space<vmem>> -> memref<1x80x64xf32, #tpu.memory_space<vmem>>
        %dma_wait3A_400 = tpu.memref_squeeze %dma_wait3A_399 : memref<1x80x64xf32, #tpu.memory_space<vmem>> -> memref<80x64xf32, #tpu.memory_space<vmem>>
        %dma_wait3A_401 = arith.constant 0 : i32
        %dma_wait3A_402 = tpu.memref_slice %arg6[%add3A_315, %dma_wait3A_401] : memref<250x80xi32, #tpu.memory_space<vmem>> -> memref<1x80xi32, #tpu.memory_space<vmem>>
        %dma_wait3A_403 = tpu.memref_squeeze %dma_wait3A_402 : memref<1x80xi32, #tpu.memory_space<vmem>> -> memref<80xi32, #tpu.memory_space<vmem>>
        %dma_wait3A_404 = arith.constant 0 : i32
        %dma_wait3A_405 = arith.constant 0 : i32
        %dma_wait3A_406 = tpu.memref_slice %arg8[%dma_wait3A_404, %dma_wait3A_405] : memref<10240x64xf32, #tpu.memory_space<vmem_shared>> -> memref<10240x64xf32, #tpu.memory_space<vmem_shared>>
        tpu.wait_indirect_dma semaphore(%run_scoped3A_386 : memref<!tpu.dma_semaphore, #tpu.memory_space<semaphore_mem>>) src(%dma_wait3A_400 : memref<80x64xf32, #tpu.memory_space<vmem>>) dst(%dma_wait3A_406 : memref<10240x64xf32, #tpu.memory_space<vmem_shared>>)
        tpu.yield
      }) : () -> ()
      %add3A_332 = arith.constant 5 : i32
      %add3A_333 = arith.addi %add3A_315, %add3A_332 : i32
      %dma_start3A_334 = arith.constant 3 : i32
      %dma_start3A_335 = arith.constant 0 : i32
      %dma_start3A_336 = arith.constant 0 : i32
      %dma_start3A_337 = tpu.memref_slice %arg7[%dma_start3A_334, %dma_start3A_335, %dma_start3A_336] : memref<5x80x64xf32, #tpu.memory_space<vmem>> -> memref<1x80x64xf32, #tpu.memory_space<vmem>>
      %dma_start3A_338 = tpu.memref_squeeze %dma_start3A_337 : memref<1x80x64xf32, #tpu.memory_space<vmem>> -> memref<80x64xf32, #tpu.memory_space<vmem>>
      %dma_start3A_339 = arith.constant 0 : i32
      %dma_start3A_340 = tpu.memref_slice %arg5[%add3A_333, %dma_start3A_339] : memref<250x80xi32, #tpu.memory_space<vmem>> -> memref<1x80xi32, #tpu.memory_space<vmem>>
      %dma_start3A_341 = tpu.memref_squeeze %dma_start3A_340 : memref<1x80xi32, #tpu.memory_space<vmem>> -> memref<80xi32, #tpu.memory_space<vmem>>
      %dma_start3A_342 = arith.constant 0 : i32
      %dma_start3A_343 = arith.constant 0 : i32
      %dma_start3A_344 = tpu.memref_slice %arg2[%arg0, %dma_start3A_342, %dma_start3A_343] : memref<2x10240x64xf32, #tpu.memory_space<hbm>> -> memref<1x10240x64xf32, #tpu.memory_space<hbm>>
      %dma_start3A_345 = tpu.memref_squeeze %dma_start3A_344 : memref<1x10240x64xf32, #tpu.memory_space<hbm>> -> memref<10240x64xf32, #tpu.memory_space<hbm>>
      %dma_start3A_346 = arith.constant 0 : i32
      %dma_start3A_347 = arith.constant 0 : i32
      %dma_start3A_348 = tpu.memref_slice %dma_start3A_345[%dma_start3A_346, %dma_start3A_347] : memref<10240x64xf32, #tpu.memory_space<hbm>> -> memref<10240x64xf32, #tpu.memory_space<hbm>>
      tpu.enqueue_indirect_dma source(%dma_start3A_348 : memref<10240x64xf32, #tpu.memory_space<hbm>>) target(%dma_start3A_338 : memref<80x64xf32, #tpu.memory_space<vmem>>) offsets(%dma_start3A_341 : memref<80xi32, #tpu.memory_space<vmem>>) semaphore(%arg12 : memref<!tpu.dma_semaphore, #tpu.memory_space<semaphore_mem>>)
      %mul3A_349 = arith.constant 5 : i32
      %mul3A_350 = arith.muli %add3A_200, %mul3A_349 : i32
      %add3A_351 = arith.constant 4 : i32
      %add3A_352 = arith.addi %mul3A_350, %add3A_351 : i32
      %dma_wait3A_353 = arith.constant 4 : i32
      %dma_wait3A_354 = arith.constant 0 : i32
      %dma_wait3A_355 = arith.constant 0 : i32
      %dma_wait3A_356 = tpu.memref_slice %arg7[%dma_wait3A_353, %dma_wait3A_354, %dma_wait3A_355] : memref<5x80x64xf32, #tpu.memory_space<vmem>> -> memref<1x80x64xf32, #tpu.memory_space<vmem>>
      %dma_wait3A_357 = tpu.memref_squeeze %dma_wait3A_356 : memref<1x80x64xf32, #tpu.memory_space<vmem>> -> memref<80x64xf32, #tpu.memory_space<vmem>>
      %dma_wait3A_358 = arith.constant 0 : i32
      %dma_wait3A_359 = tpu.memref_slice %arg5[%add3A_352, %dma_wait3A_358] : memref<250x80xi32, #tpu.memory_space<vmem>> -> memref<1x80xi32, #tpu.memory_space<vmem>>
      %dma_wait3A_360 = tpu.memref_squeeze %dma_wait3A_359 : memref<1x80xi32, #tpu.memory_space<vmem>> -> memref<80xi32, #tpu.memory_space<vmem>>
      %dma_wait3A_361 = arith.constant 0 : i32
      %dma_wait3A_362 = arith.constant 0 : i32
      %dma_wait3A_363 = tpu.memref_slice %arg2[%arg0, %dma_wait3A_361, %dma_wait3A_362] : memref<2x10240x64xf32, #tpu.memory_space<hbm>> -> memref<1x10240x64xf32, #tpu.memory_space<hbm>>
      %dma_wait3A_364 = tpu.memref_squeeze %dma_wait3A_363 : memref<1x10240x64xf32, #tpu.memory_space<hbm>> -> memref<10240x64xf32, #tpu.memory_space<hbm>>
      %dma_wait3A_365 = arith.constant 0 : i32
      %dma_wait3A_366 = arith.constant 0 : i32
      %dma_wait3A_367 = tpu.memref_slice %dma_wait3A_364[%dma_wait3A_365, %dma_wait3A_366] : memref<10240x64xf32, #tpu.memory_space<hbm>> -> memref<10240x64xf32, #tpu.memory_space<hbm>>
      tpu.wait_indirect_dma semaphore(%arg13 : memref<!tpu.dma_semaphore, #tpu.memory_space<semaphore_mem>>) src(%dma_wait3A_367 : memref<10240x64xf32, #tpu.memory_space<hbm>>) dst(%dma_wait3A_357 : memref<80x64xf32, #tpu.memory_space<vmem>>)
      %run_scoped3A_368 = arith.constant 4 : i32
      "tpu.region"() ({
        %run_scoped3A_386 = tpu.sem_alloc : memref<!tpu.dma_semaphore, #tpu.memory_space<semaphore_mem>>
        %dma_start3A_387 = arith.constant 0 : i32
        %dma_start3A_388 = arith.constant 0 : i32
        %dma_start3A_389 = tpu.memref_slice %arg7[%run_scoped3A_368, %dma_start3A_387, %dma_start3A_388] : memref<5x80x64xf32, #tpu.memory_space<vmem>> -> memref<1x80x64xf32, #tpu.memory_space<vmem>>
        %dma_start3A_390 = tpu.memref_squeeze %dma_start3A_389 : memref<1x80x64xf32, #tpu.memory_space<vmem>> -> memref<80x64xf32, #tpu.memory_space<vmem>>
        %dma_start3A_391 = arith.constant 0 : i32
        %dma_start3A_392 = tpu.memref_slice %arg6[%add3A_352, %dma_start3A_391] : memref<250x80xi32, #tpu.memory_space<vmem>> -> memref<1x80xi32, #tpu.memory_space<vmem>>
        %dma_start3A_393 = tpu.memref_squeeze %dma_start3A_392 : memref<1x80xi32, #tpu.memory_space<vmem>> -> memref<80xi32, #tpu.memory_space<vmem>>
        %dma_start3A_394 = arith.constant 0 : i32
        %dma_start3A_395 = arith.constant 0 : i32
        %dma_start3A_396 = tpu.memref_slice %arg8[%dma_start3A_394, %dma_start3A_395] : memref<10240x64xf32, #tpu.memory_space<vmem_shared>> -> memref<10240x64xf32, #tpu.memory_space<vmem_shared>>
        tpu.enqueue_indirect_dma source(%dma_start3A_390 : memref<80x64xf32, #tpu.memory_space<vmem>>) target(%dma_start3A_396 : memref<10240x64xf32, #tpu.memory_space<vmem_shared>>) offsets(%dma_start3A_393 : memref<80xi32, #tpu.memory_space<vmem>>) semaphore(%run_scoped3A_386 : memref<!tpu.dma_semaphore, #tpu.memory_space<semaphore_mem>>) {add = true}
        %dma_wait3A_397 = arith.constant 0 : i32
        %dma_wait3A_398 = arith.constant 0 : i32
        %dma_wait3A_399 = tpu.memref_slice %arg7[%run_scoped3A_368, %dma_wait3A_397, %dma_wait3A_398] : memref<5x80x64xf32, #tpu.memory_space<vmem>> -> memref<1x80x64xf32, #tpu.memory_space<vmem>>
        %dma_wait3A_400 = tpu.memref_squeeze %dma_wait3A_399 : memref<1x80x64xf32, #tpu.memory_space<vmem>> -> memref<80x64xf32, #tpu.memory_space<vmem>>
        %dma_wait3A_401 = arith.constant 0 : i32
        %dma_wait3A_402 = tpu.memref_slice %arg6[%add3A_352, %dma_wait3A_401] : memref<250x80xi32, #tpu.memory_space<vmem>> -> memref<1x80xi32, #tpu.memory_space<vmem>>
        %dma_wait3A_403 = tpu.memref_squeeze %dma_wait3A_402 : memref<1x80xi32, #tpu.memory_space<vmem>> -> memref<80xi32, #tpu.memory_space<vmem>>
        %dma_wait3A_404 = arith.constant 0 : i32
        %dma_wait3A_405 = arith.constant 0 : i32
        %dma_wait3A_406 = tpu.memref_slice %arg8[%dma_wait3A_404, %dma_wait3A_405] : memref<10240x64xf32, #tpu.memory_space<vmem_shared>> -> memref<10240x64xf32, #tpu.memory_space<vmem_shared>>
        tpu.wait_indirect_dma semaphore(%run_scoped3A_386 : memref<!tpu.dma_semaphore, #tpu.memory_space<semaphore_mem>>) src(%dma_wait3A_400 : memref<80x64xf32, #tpu.memory_space<vmem>>) dst(%dma_wait3A_406 : memref<10240x64xf32, #tpu.memory_space<vmem_shared>>)
        tpu.yield
      }) : () -> ()
      %add3A_369 = arith.constant 5 : i32
      %add3A_370 = arith.addi %add3A_352, %add3A_369 : i32
      %dma_start3A_371 = arith.constant 4 : i32
      %dma_start3A_372 = arith.constant 0 : i32
      %dma_start3A_373 = arith.constant 0 : i32
      %dma_start3A_374 = tpu.memref_slice %arg7[%dma_start3A_371, %dma_start3A_372, %dma_start3A_373] : memref<5x80x64xf32, #tpu.memory_space<vmem>> -> memref<1x80x64xf32, #tpu.memory_space<vmem>>
      %dma_start3A_375 = tpu.memref_squeeze %dma_start3A_374 : memref<1x80x64xf32, #tpu.memory_space<vmem>> -> memref<80x64xf32, #tpu.memory_space<vmem>>
      %dma_start3A_376 = arith.constant 0 : i32
      %dma_start3A_377 = tpu.memref_slice %arg5[%add3A_370, %dma_start3A_376] : memref<250x80xi32, #tpu.memory_space<vmem>> -> memref<1x80xi32, #tpu.memory_space<vmem>>
      %dma_start3A_378 = tpu.memref_squeeze %dma_start3A_377 : memref<1x80xi32, #tpu.memory_space<vmem>> -> memref<80xi32, #tpu.memory_space<vmem>>
      %dma_start3A_379 = arith.constant 0 : i32
      %dma_start3A_380 = arith.constant 0 : i32
      %dma_start3A_381 = tpu.memref_slice %arg2[%arg0, %dma_start3A_379, %dma_start3A_380] : memref<2x10240x64xf32, #tpu.memory_space<hbm>> -> memref<1x10240x64xf32, #tpu.memory_space<hbm>>
      %dma_start3A_382 = tpu.memref_squeeze %dma_start3A_381 : memref<1x10240x64xf32, #tpu.memory_space<hbm>> -> memref<10240x64xf32, #tpu.memory_space<hbm>>
      %dma_start3A_383 = arith.constant 0 : i32
      %dma_start3A_384 = arith.constant 0 : i32
      %dma_start3A_385 = tpu.memref_slice %dma_start3A_382[%dma_start3A_383, %dma_start3A_384] : memref<10240x64xf32, #tpu.memory_space<hbm>> -> memref<10240x64xf32, #tpu.memory_space<hbm>>
      tpu.enqueue_indirect_dma source(%dma_start3A_385 : memref<10240x64xf32, #tpu.memory_space<hbm>>) target(%dma_start3A_375 : memref<80x64xf32, #tpu.memory_space<vmem>>) offsets(%dma_start3A_378 : memref<80xi32, #tpu.memory_space<vmem>>) semaphore(%arg13 : memref<!tpu.dma_semaphore, #tpu.memory_space<semaphore_mem>>)
    }
    %scan3A_100 = arith.constant 49 : i32
    %dma_wait3A = arith.constant 245 : i32
    %dma_wait3A_101 = arith.constant 0 : i32
    %dma_wait3A_102 = arith.constant 0 : i32
    %dma_wait3A_103 = arith.constant 0 : i32
    %dma_wait3A_104 = tpu.memref_slice %arg7[%dma_wait3A_101, %dma_wait3A_102, %dma_wait3A_103] : memref<5x80x64xf32, #tpu.memory_space<vmem>> -> memref<1x80x64xf32, #tpu.memory_space<vmem>>
    %dma_wait3A_105 = tpu.memref_squeeze %dma_wait3A_104 : memref<1x80x64xf32, #tpu.memory_space<vmem>> -> memref<80x64xf32, #tpu.memory_space<vmem>>
    %dma_wait3A_106 = arith.constant 0 : i32
    %dma_wait3A_107 = tpu.memref_slice %arg5[%dma_wait3A, %dma_wait3A_106] : memref<250x80xi32, #tpu.memory_space<vmem>> -> memref<1x80xi32, #tpu.memory_space<vmem>>
    %dma_wait3A_108 = tpu.memref_squeeze %dma_wait3A_107 : memref<1x80xi32, #tpu.memory_space<vmem>> -> memref<80xi32, #tpu.memory_space<vmem>>
    %dma_wait3A_109 = arith.constant 0 : i32
    %dma_wait3A_110 = arith.constant 0 : i32
    %dma_wait3A_111 = tpu.memref_slice %arg2[%arg0, %dma_wait3A_109, %dma_wait3A_110] : memref<2x10240x64xf32, #tpu.memory_space<hbm>> -> memref<1x10240x64xf32, #tpu.memory_space<hbm>>
    %dma_wait3A_112 = tpu.memref_squeeze %dma_wait3A_111 : memref<1x10240x64xf32, #tpu.memory_space<hbm>> -> memref<10240x64xf32, #tpu.memory_space<hbm>>
    %dma_wait3A_113 = arith.constant 0 : i32
    %dma_wait3A_114 = arith.constant 0 : i32
    %dma_wait3A_115 = tpu.memref_slice %dma_wait3A_112[%dma_wait3A_113, %dma_wait3A_114] : memref<10240x64xf32, #tpu.memory_space<hbm>> -> memref<10240x64xf32, #tpu.memory_space<hbm>>
    tpu.wait_indirect_dma semaphore(%arg9 : memref<!tpu.dma_semaphore, #tpu.memory_space<semaphore_mem>>) src(%dma_wait3A_115 : memref<10240x64xf32, #tpu.memory_space<hbm>>) dst(%dma_wait3A_105 : memref<80x64xf32, #tpu.memory_space<vmem>>)
    %run_scoped3A_116 = arith.constant 0 : i32
    %run_scoped3A_117 = arith.constant 245 : i32
    "tpu.region"() ({
      %run_scoped3A_196 = tpu.sem_alloc : memref<!tpu.dma_semaphore, #tpu.memory_space<semaphore_mem>>
      %dma_start3A_197 = arith.constant 0 : i32
      %dma_start3A_198 = arith.constant 0 : i32
      %dma_start3A_199 = tpu.memref_slice %arg7[%run_scoped3A_116, %dma_start3A_197, %dma_start3A_198] : memref<5x80x64xf32, #tpu.memory_space<vmem>> -> memref<1x80x64xf32, #tpu.memory_space<vmem>>
      %dma_start3A_200 = tpu.memref_squeeze %dma_start3A_199 : memref<1x80x64xf32, #tpu.memory_space<vmem>> -> memref<80x64xf32, #tpu.memory_space<vmem>>
      %dma_start3A_201 = arith.constant 0 : i32
      %dma_start3A_202 = tpu.memref_slice %arg6[%run_scoped3A_117, %dma_start3A_201] : memref<250x80xi32, #tpu.memory_space<vmem>> -> memref<1x80xi32, #tpu.memory_space<vmem>>
      %dma_start3A_203 = tpu.memref_squeeze %dma_start3A_202 : memref<1x80xi32, #tpu.memory_space<vmem>> -> memref<80xi32, #tpu.memory_space<vmem>>
      %dma_start3A_204 = arith.constant 0 : i32
      %dma_start3A_205 = arith.constant 0 : i32
      %dma_start3A_206 = tpu.memref_slice %arg8[%dma_start3A_204, %dma_start3A_205] : memref<10240x64xf32, #tpu.memory_space<vmem_shared>> -> memref<10240x64xf32, #tpu.memory_space<vmem_shared>>
      tpu.enqueue_indirect_dma source(%dma_start3A_200 : memref<80x64xf32, #tpu.memory_space<vmem>>) target(%dma_start3A_206 : memref<10240x64xf32, #tpu.memory_space<vmem_shared>>) offsets(%dma_start3A_203 : memref<80xi32, #tpu.memory_space<vmem>>) semaphore(%run_scoped3A_196 : memref<!tpu.dma_semaphore, #tpu.memory_space<semaphore_mem>>) {add = true}
      %dma_wait3A_207 = arith.constant 0 : i32
      %dma_wait3A_208 = arith.constant 0 : i32
      %dma_wait3A_209 = tpu.memref_slice %arg7[%run_scoped3A_116, %dma_wait3A_207, %dma_wait3A_208] : memref<5x80x64xf32, #tpu.memory_space<vmem>> -> memref<1x80x64xf32, #tpu.memory_space<vmem>>
      %dma_wait3A_210 = tpu.memref_squeeze %dma_wait3A_209 : memref<1x80x64xf32, #tpu.memory_space<vmem>> -> memref<80x64xf32, #tpu.memory_space<vmem>>
      %dma_wait3A_211 = arith.constant 0 : i32
      %dma_wait3A_212 = tpu.memref_slice %arg6[%run_scoped3A_117, %dma_wait3A_211] : memref<250x80xi32, #tpu.memory_space<vmem>> -> memref<1x80xi32, #tpu.memory_space<vmem>>
      %dma_wait3A_213 = tpu.memref_squeeze %dma_wait3A_212 : memref<1x80xi32, #tpu.memory_space<vmem>> -> memref<80xi32, #tpu.memory_space<vmem>>
      %dma_wait3A_214 = arith.constant 0 : i32
      %dma_wait3A_215 = arith.constant 0 : i32
      %dma_wait3A_216 = tpu.memref_slice %arg8[%dma_wait3A_214, %dma_wait3A_215] : memref<10240x64xf32, #tpu.memory_space<vmem_shared>> -> memref<10240x64xf32, #tpu.memory_space<vmem_shared>>
      tpu.wait_indirect_dma semaphore(%run_scoped3A_196 : memref<!tpu.dma_semaphore, #tpu.memory_space<semaphore_mem>>) src(%dma_wait3A_210 : memref<80x64xf32, #tpu.memory_space<vmem>>) dst(%dma_wait3A_216 : memref<10240x64xf32, #tpu.memory_space<vmem_shared>>)
      tpu.yield
    }) : () -> ()
    %dma_wait3A_118 = arith.constant 246 : i32
    %dma_wait3A_119 = arith.constant 1 : i32
    %dma_wait3A_120 = arith.constant 0 : i32
    %dma_wait3A_121 = arith.constant 0 : i32
    %dma_wait3A_122 = tpu.memref_slice %arg7[%dma_wait3A_119, %dma_wait3A_120, %dma_wait3A_121] : memref<5x80x64xf32, #tpu.memory_space<vmem>> -> memref<1x80x64xf32, #tpu.memory_space<vmem>>
    %dma_wait3A_123 = tpu.memref_squeeze %dma_wait3A_122 : memref<1x80x64xf32, #tpu.memory_space<vmem>> -> memref<80x64xf32, #tpu.memory_space<vmem>>
    %dma_wait3A_124 = arith.constant 0 : i32
    %dma_wait3A_125 = tpu.memref_slice %arg5[%dma_wait3A_118, %dma_wait3A_124] : memref<250x80xi32, #tpu.memory_space<vmem>> -> memref<1x80xi32, #tpu.memory_space<vmem>>
    %dma_wait3A_126 = tpu.memref_squeeze %dma_wait3A_125 : memref<1x80xi32, #tpu.memory_space<vmem>> -> memref<80xi32, #tpu.memory_space<vmem>>
    %dma_wait3A_127 = arith.constant 0 : i32
    %dma_wait3A_128 = arith.constant 0 : i32
    %dma_wait3A_129 = tpu.memref_slice %arg2[%arg0, %dma_wait3A_127, %dma_wait3A_128] : memref<2x10240x64xf32, #tpu.memory_space<hbm>> -> memref<1x10240x64xf32, #tpu.memory_space<hbm>>
    %dma_wait3A_130 = tpu.memref_squeeze %dma_wait3A_129 : memref<1x10240x64xf32, #tpu.memory_space<hbm>> -> memref<10240x64xf32, #tpu.memory_space<hbm>>
    %dma_wait3A_131 = arith.constant 0 : i32
    %dma_wait3A_132 = arith.constant 0 : i32
    %dma_wait3A_133 = tpu.memref_slice %dma_wait3A_130[%dma_wait3A_131, %dma_wait3A_132] : memref<10240x64xf32, #tpu.memory_space<hbm>> -> memref<10240x64xf32, #tpu.memory_space<hbm>>
    tpu.wait_indirect_dma semaphore(%arg10 : memref<!tpu.dma_semaphore, #tpu.memory_space<semaphore_mem>>) src(%dma_wait3A_133 : memref<10240x64xf32, #tpu.memory_space<hbm>>) dst(%dma_wait3A_123 : memref<80x64xf32, #tpu.memory_space<vmem>>)
    %run_scoped3A_134 = arith.constant 1 : i32
    %run_scoped3A_135 = arith.constant 246 : i32
    "tpu.region"() ({
      %run_scoped3A_196 = tpu.sem_alloc : memref<!tpu.dma_semaphore, #tpu.memory_space<semaphore_mem>>
      %dma_start3A_197 = arith.constant 0 : i32
      %dma_start3A_198 = arith.constant 0 : i32
      %dma_start3A_199 = tpu.memref_slice %arg7[%run_scoped3A_134, %dma_start3A_197, %dma_start3A_198] : memref<5x80x64xf32, #tpu.memory_space<vmem>> -> memref<1x80x64xf32, #tpu.memory_space<vmem>>
      %dma_start3A_200 = tpu.memref_squeeze %dma_start3A_199 : memref<1x80x64xf32, #tpu.memory_space<vmem>> -> memref<80x64xf32, #tpu.memory_space<vmem>>
      %dma_start3A_201 = arith.constant 0 : i32
      %dma_start3A_202 = tpu.memref_slice %arg6[%run_scoped3A_135, %dma_start3A_201] : memref<250x80xi32, #tpu.memory_space<vmem>> -> memref<1x80xi32, #tpu.memory_space<vmem>>
      %dma_start3A_203 = tpu.memref_squeeze %dma_start3A_202 : memref<1x80xi32, #tpu.memory_space<vmem>> -> memref<80xi32, #tpu.memory_space<vmem>>
      %dma_start3A_204 = arith.constant 0 : i32
      %dma_start3A_205 = arith.constant 0 : i32
      %dma_start3A_206 = tpu.memref_slice %arg8[%dma_start3A_204, %dma_start3A_205] : memref<10240x64xf32, #tpu.memory_space<vmem_shared>> -> memref<10240x64xf32, #tpu.memory_space<vmem_shared>>
      tpu.enqueue_indirect_dma source(%dma_start3A_200 : memref<80x64xf32, #tpu.memory_space<vmem>>) target(%dma_start3A_206 : memref<10240x64xf32, #tpu.memory_space<vmem_shared>>) offsets(%dma_start3A_203 : memref<80xi32, #tpu.memory_space<vmem>>) semaphore(%run_scoped3A_196 : memref<!tpu.dma_semaphore, #tpu.memory_space<semaphore_mem>>) {add = true}
      %dma_wait3A_207 = arith.constant 0 : i32
      %dma_wait3A_208 = arith.constant 0 : i32
      %dma_wait3A_209 = tpu.memref_slice %arg7[%run_scoped3A_134, %dma_wait3A_207, %dma_wait3A_208] : memref<5x80x64xf32, #tpu.memory_space<vmem>> -> memref<1x80x64xf32, #tpu.memory_space<vmem>>
      %dma_wait3A_210 = tpu.memref_squeeze %dma_wait3A_209 : memref<1x80x64xf32, #tpu.memory_space<vmem>> -> memref<80x64xf32, #tpu.memory_space<vmem>>
      %dma_wait3A_211 = arith.constant 0 : i32
      %dma_wait3A_212 = tpu.memref_slice %arg6[%run_scoped3A_135, %dma_wait3A_211] : memref<250x80xi32, #tpu.memory_space<vmem>> -> memref<1x80xi32, #tpu.memory_space<vmem>>
      %dma_wait3A_213 = tpu.memref_squeeze %dma_wait3A_212 : memref<1x80xi32, #tpu.memory_space<vmem>> -> memref<80xi32, #tpu.memory_space<vmem>>
      %dma_wait3A_214 = arith.constant 0 : i32
      %dma_wait3A_215 = arith.constant 0 : i32
      %dma_wait3A_216 = tpu.memref_slice %arg8[%dma_wait3A_214, %dma_wait3A_215] : memref<10240x64xf32, #tpu.memory_space<vmem_shared>> -> memref<10240x64xf32, #tpu.memory_space<vmem_shared>>
      tpu.wait_indirect_dma semaphore(%run_scoped3A_196 : memref<!tpu.dma_semaphore, #tpu.memory_space<semaphore_mem>>) src(%dma_wait3A_210 : memref<80x64xf32, #tpu.memory_space<vmem>>) dst(%dma_wait3A_216 : memref<10240x64xf32, #tpu.memory_space<vmem_shared>>)
      tpu.yield
    }) : () -> ()
    %dma_wait3A_136 = arith.constant 247 : i32
    %dma_wait3A_137 = arith.constant 2 : i32
    %dma_wait3A_138 = arith.constant 0 : i32
    %dma_wait3A_139 = arith.constant 0 : i32
    %dma_wait3A_140 = tpu.memref_slice %arg7[%dma_wait3A_137, %dma_wait3A_138, %dma_wait3A_139] : memref<5x80x64xf32, #tpu.memory_space<vmem>> -> memref<1x80x64xf32, #tpu.memory_space<vmem>>
    %dma_wait3A_141 = tpu.memref_squeeze %dma_wait3A_140 : memref<1x80x64xf32, #tpu.memory_space<vmem>> -> memref<80x64xf32, #tpu.memory_space<vmem>>
    %dma_wait3A_142 = arith.constant 0 : i32
    %dma_wait3A_143 = tpu.memref_slice %arg5[%dma_wait3A_136, %dma_wait3A_142] : memref<250x80xi32, #tpu.memory_space<vmem>> -> memref<1x80xi32, #tpu.memory_space<vmem>>
    %dma_wait3A_144 = tpu.memref_squeeze %dma_wait3A_143 : memref<1x80xi32, #tpu.memory_space<vmem>> -> memref<80xi32, #tpu.memory_space<vmem>>
    %dma_wait3A_145 = arith.constant 0 : i32
    %dma_wait3A_146 = arith.constant 0 : i32
    %dma_wait3A_147 = tpu.memref_slice %arg2[%arg0, %dma_wait3A_145, %dma_wait3A_146] : memref<2x10240x64xf32, #tpu.memory_space<hbm>> -> memref<1x10240x64xf32, #tpu.memory_space<hbm>>
    %dma_wait3A_148 = tpu.memref_squeeze %dma_wait3A_147 : memref<1x10240x64xf32, #tpu.memory_space<hbm>> -> memref<10240x64xf32, #tpu.memory_space<hbm>>
    %dma_wait3A_149 = arith.constant 0 : i32
    %dma_wait3A_150 = arith.constant 0 : i32
    %dma_wait3A_151 = tpu.memref_slice %dma_wait3A_148[%dma_wait3A_149, %dma_wait3A_150] : memref<10240x64xf32, #tpu.memory_space<hbm>> -> memref<10240x64xf32, #tpu.memory_space<hbm>>
    tpu.wait_indirect_dma semaphore(%arg11 : memref<!tpu.dma_semaphore, #tpu.memory_space<semaphore_mem>>) src(%dma_wait3A_151 : memref<10240x64xf32, #tpu.memory_space<hbm>>) dst(%dma_wait3A_141 : memref<80x64xf32, #tpu.memory_space<vmem>>)
    %run_scoped3A_152 = arith.constant 2 : i32
    %run_scoped3A_153 = arith.constant 247 : i32
    "tpu.region"() ({
      %run_scoped3A_196 = tpu.sem_alloc : memref<!tpu.dma_semaphore, #tpu.memory_space<semaphore_mem>>
      %dma_start3A_197 = arith.constant 0 : i32
      %dma_start3A_198 = arith.constant 0 : i32
      %dma_start3A_199 = tpu.memref_slice %arg7[%run_scoped3A_152, %dma_start3A_197, %dma_start3A_198] : memref<5x80x64xf32, #tpu.memory_space<vmem>> -> memref<1x80x64xf32, #tpu.memory_space<vmem>>
      %dma_start3A_200 = tpu.memref_squeeze %dma_start3A_199 : memref<1x80x64xf32, #tpu.memory_space<vmem>> -> memref<80x64xf32, #tpu.memory_space<vmem>>
      %dma_start3A_201 = arith.constant 0 : i32
      %dma_start3A_202 = tpu.memref_slice %arg6[%run_scoped3A_153, %dma_start3A_201] : memref<250x80xi32, #tpu.memory_space<vmem>> -> memref<1x80xi32, #tpu.memory_space<vmem>>
      %dma_start3A_203 = tpu.memref_squeeze %dma_start3A_202 : memref<1x80xi32, #tpu.memory_space<vmem>> -> memref<80xi32, #tpu.memory_space<vmem>>
      %dma_start3A_204 = arith.constant 0 : i32
      %dma_start3A_205 = arith.constant 0 : i32
      %dma_start3A_206 = tpu.memref_slice %arg8[%dma_start3A_204, %dma_start3A_205] : memref<10240x64xf32, #tpu.memory_space<vmem_shared>> -> memref<10240x64xf32, #tpu.memory_space<vmem_shared>>
      tpu.enqueue_indirect_dma source(%dma_start3A_200 : memref<80x64xf32, #tpu.memory_space<vmem>>) target(%dma_start3A_206 : memref<10240x64xf32, #tpu.memory_space<vmem_shared>>) offsets(%dma_start3A_203 : memref<80xi32, #tpu.memory_space<vmem>>) semaphore(%run_scoped3A_196 : memref<!tpu.dma_semaphore, #tpu.memory_space<semaphore_mem>>) {add = true}
      %dma_wait3A_207 = arith.constant 0 : i32
      %dma_wait3A_208 = arith.constant 0 : i32
      %dma_wait3A_209 = tpu.memref_slice %arg7[%run_scoped3A_152, %dma_wait3A_207, %dma_wait3A_208] : memref<5x80x64xf32, #tpu.memory_space<vmem>> -> memref<1x80x64xf32, #tpu.memory_space<vmem>>
      %dma_wait3A_210 = tpu.memref_squeeze %dma_wait3A_209 : memref<1x80x64xf32, #tpu.memory_space<vmem>> -> memref<80x64xf32, #tpu.memory_space<vmem>>
      %dma_wait3A_211 = arith.constant 0 : i32
      %dma_wait3A_212 = tpu.memref_slice %arg6[%run_scoped3A_153, %dma_wait3A_211] : memref<250x80xi32, #tpu.memory_space<vmem>> -> memref<1x80xi32, #tpu.memory_space<vmem>>
      %dma_wait3A_213 = tpu.memref_squeeze %dma_wait3A_212 : memref<1x80xi32, #tpu.memory_space<vmem>> -> memref<80xi32, #tpu.memory_space<vmem>>
      %dma_wait3A_214 = arith.constant 0 : i32
      %dma_wait3A_215 = arith.constant 0 : i32
      %dma_wait3A_216 = tpu.memref_slice %arg8[%dma_wait3A_214, %dma_wait3A_215] : memref<10240x64xf32, #tpu.memory_space<vmem_shared>> -> memref<10240x64xf32, #tpu.memory_space<vmem_shared>>
      tpu.wait_indirect_dma semaphore(%run_scoped3A_196 : memref<!tpu.dma_semaphore, #tpu.memory_space<semaphore_mem>>) src(%dma_wait3A_210 : memref<80x64xf32, #tpu.memory_space<vmem>>) dst(%dma_wait3A_216 : memref<10240x64xf32, #tpu.memory_space<vmem_shared>>)
      tpu.yield
    }) : () -> ()
    %dma_wait3A_154 = arith.constant 248 : i32
    %dma_wait3A_155 = arith.constant 3 : i32
    %dma_wait3A_156 = arith.constant 0 : i32
    %dma_wait3A_157 = arith.constant 0 : i32
    %dma_wait3A_158 = tpu.memref_slice %arg7[%dma_wait3A_155, %dma_wait3A_156, %dma_wait3A_157] : memref<5x80x64xf32, #tpu.memory_space<vmem>> -> memref<1x80x64xf32, #tpu.memory_space<vmem>>
    %dma_wait3A_159 = tpu.memref_squeeze %dma_wait3A_158 : memref<1x80x64xf32, #tpu.memory_space<vmem>> -> memref<80x64xf32, #tpu.memory_space<vmem>>
    %dma_wait3A_160 = arith.constant 0 : i32
    %dma_wait3A_161 = tpu.memref_slice %arg5[%dma_wait3A_154, %dma_wait3A_160] : memref<250x80xi32, #tpu.memory_space<vmem>> -> memref<1x80xi32, #tpu.memory_space<vmem>>
    %dma_wait3A_162 = tpu.memref_squeeze %dma_wait3A_161 : memref<1x80xi32, #tpu.memory_space<vmem>> -> memref<80xi32, #tpu.memory_space<vmem>>
    %dma_wait3A_163 = arith.constant 0 : i32
    %dma_wait3A_164 = arith.constant 0 : i32
    %dma_wait3A_165 = tpu.memref_slice %arg2[%arg0, %dma_wait3A_163, %dma_wait3A_164] : memref<2x10240x64xf32, #tpu.memory_space<hbm>> -> memref<1x10240x64xf32, #tpu.memory_space<hbm>>
    %dma_wait3A_166 = tpu.memref_squeeze %dma_wait3A_165 : memref<1x10240x64xf32, #tpu.memory_space<hbm>> -> memref<10240x64xf32, #tpu.memory_space<hbm>>
    %dma_wait3A_167 = arith.constant 0 : i32
    %dma_wait3A_168 = arith.constant 0 : i32
    %dma_wait3A_169 = tpu.memref_slice %dma_wait3A_166[%dma_wait3A_167, %dma_wait3A_168] : memref<10240x64xf32, #tpu.memory_space<hbm>> -> memref<10240x64xf32, #tpu.memory_space<hbm>>
    tpu.wait_indirect_dma semaphore(%arg12 : memref<!tpu.dma_semaphore, #tpu.memory_space<semaphore_mem>>) src(%dma_wait3A_169 : memref<10240x64xf32, #tpu.memory_space<hbm>>) dst(%dma_wait3A_159 : memref<80x64xf32, #tpu.memory_space<vmem>>)
    %run_scoped3A_170 = arith.constant 3 : i32
    %run_scoped3A_171 = arith.constant 248 : i32
    "tpu.region"() ({
      %run_scoped3A_196 = tpu.sem_alloc : memref<!tpu.dma_semaphore, #tpu.memory_space<semaphore_mem>>
      %dma_start3A_197 = arith.constant 0 : i32
      %dma_start3A_198 = arith.constant 0 : i32
      %dma_start3A_199 = tpu.memref_slice %arg7[%run_scoped3A_170, %dma_start3A_197, %dma_start3A_198] : memref<5x80x64xf32, #tpu.memory_space<vmem>> -> memref<1x80x64xf32, #tpu.memory_space<vmem>>
      %dma_start3A_200 = tpu.memref_squeeze %dma_start3A_199 : memref<1x80x64xf32, #tpu.memory_space<vmem>> -> memref<80x64xf32, #tpu.memory_space<vmem>>
      %dma_start3A_201 = arith.constant 0 : i32
      %dma_start3A_202 = tpu.memref_slice %arg6[%run_scoped3A_171, %dma_start3A_201] : memref<250x80xi32, #tpu.memory_space<vmem>> -> memref<1x80xi32, #tpu.memory_space<vmem>>
      %dma_start3A_203 = tpu.memref_squeeze %dma_start3A_202 : memref<1x80xi32, #tpu.memory_space<vmem>> -> memref<80xi32, #tpu.memory_space<vmem>>
      %dma_start3A_204 = arith.constant 0 : i32
      %dma_start3A_205 = arith.constant 0 : i32
      %dma_start3A_206 = tpu.memref_slice %arg8[%dma_start3A_204, %dma_start3A_205] : memref<10240x64xf32, #tpu.memory_space<vmem_shared>> -> memref<10240x64xf32, #tpu.memory_space<vmem_shared>>
      tpu.enqueue_indirect_dma source(%dma_start3A_200 : memref<80x64xf32, #tpu.memory_space<vmem>>) target(%dma_start3A_206 : memref<10240x64xf32, #tpu.memory_space<vmem_shared>>) offsets(%dma_start3A_203 : memref<80xi32, #tpu.memory_space<vmem>>) semaphore(%run_scoped3A_196 : memref<!tpu.dma_semaphore, #tpu.memory_space<semaphore_mem>>) {add = true}
      %dma_wait3A_207 = arith.constant 0 : i32
      %dma_wait3A_208 = arith.constant 0 : i32
      %dma_wait3A_209 = tpu.memref_slice %arg7[%run_scoped3A_170, %dma_wait3A_207, %dma_wait3A_208] : memref<5x80x64xf32, #tpu.memory_space<vmem>> -> memref<1x80x64xf32, #tpu.memory_space<vmem>>
      %dma_wait3A_210 = tpu.memref_squeeze %dma_wait3A_209 : memref<1x80x64xf32, #tpu.memory_space<vmem>> -> memref<80x64xf32, #tpu.memory_space<vmem>>
      %dma_wait3A_211 = arith.constant 0 : i32
      %dma_wait3A_212 = tpu.memref_slice %arg6[%run_scoped3A_171, %dma_wait3A_211] : memref<250x80xi32, #tpu.memory_space<vmem>> -> memref<1x80xi32, #tpu.memory_space<vmem>>
      %dma_wait3A_213 = tpu.memref_squeeze %dma_wait3A_212 : memref<1x80xi32, #tpu.memory_space<vmem>> -> memref<80xi32, #tpu.memory_space<vmem>>
      %dma_wait3A_214 = arith.constant 0 : i32
      %dma_wait3A_215 = arith.constant 0 : i32
      %dma_wait3A_216 = tpu.memref_slice %arg8[%dma_wait3A_214, %dma_wait3A_215] : memref<10240x64xf32, #tpu.memory_space<vmem_shared>> -> memref<10240x64xf32, #tpu.memory_space<vmem_shared>>
      tpu.wait_indirect_dma semaphore(%run_scoped3A_196 : memref<!tpu.dma_semaphore, #tpu.memory_space<semaphore_mem>>) src(%dma_wait3A_210 : memref<80x64xf32, #tpu.memory_space<vmem>>) dst(%dma_wait3A_216 : memref<10240x64xf32, #tpu.memory_space<vmem_shared>>)
      tpu.yield
    }) : () -> ()
    %dma_wait3A_172 = arith.constant 249 : i32
    %dma_wait3A_173 = arith.constant 4 : i32
    %dma_wait3A_174 = arith.constant 0 : i32
    %dma_wait3A_175 = arith.constant 0 : i32
    %dma_wait3A_176 = tpu.memref_slice %arg7[%dma_wait3A_173, %dma_wait3A_174, %dma_wait3A_175] : memref<5x80x64xf32, #tpu.memory_space<vmem>> -> memref<1x80x64xf32, #tpu.memory_space<vmem>>
    %dma_wait3A_177 = tpu.memref_squeeze %dma_wait3A_176 : memref<1x80x64xf32, #tpu.memory_space<vmem>> -> memref<80x64xf32, #tpu.memory_space<vmem>>
    %dma_wait3A_178 = arith.constant 0 : i32
    %dma_wait3A_179 = tpu.memref_slice %arg5[%dma_wait3A_172, %dma_wait3A_178] : memref<250x80xi32, #tpu.memory_space<vmem>> -> memref<1x80xi32, #tpu.memory_space<vmem>>
    %dma_wait3A_180 = tpu.memref_squeeze %dma_wait3A_179 : memref<1x80xi32, #tpu.memory_space<vmem>> -> memref<80xi32, #tpu.memory_space<vmem>>
    %dma_wait3A_181 = arith.constant 0 : i32
    %dma_wait3A_182 = arith.constant 0 : i32
    %dma_wait3A_183 = tpu.memref_slice %arg2[%arg0, %dma_wait3A_181, %dma_wait3A_182] : memref<2x10240x64xf32, #tpu.memory_space<hbm>> -> memref<1x10240x64xf32, #tpu.memory_space<hbm>>
    %dma_wait3A_184 = tpu.memref_squeeze %dma_wait3A_183 : memref<1x10240x64xf32, #tpu.memory_space<hbm>> -> memref<10240x64xf32, #tpu.memory_space<hbm>>
    %dma_wait3A_185 = arith.constant 0 : i32
    %dma_wait3A_186 = arith.constant 0 : i32
    %dma_wait3A_187 = tpu.memref_slice %dma_wait3A_184[%dma_wait3A_185, %dma_wait3A_186] : memref<10240x64xf32, #tpu.memory_space<hbm>> -> memref<10240x64xf32, #tpu.memory_space<hbm>>
    tpu.wait_indirect_dma semaphore(%arg13 : memref<!tpu.dma_semaphore, #tpu.memory_space<semaphore_mem>>) src(%dma_wait3A_187 : memref<10240x64xf32, #tpu.memory_space<hbm>>) dst(%dma_wait3A_177 : memref<80x64xf32, #tpu.memory_space<vmem>>)
    %run_scoped3A_188 = arith.constant 4 : i32
    %run_scoped3A_189 = arith.constant 249 : i32
    "tpu.region"() ({
      %run_scoped3A_196 = tpu.sem_alloc : memref<!tpu.dma_semaphore, #tpu.memory_space<semaphore_mem>>
      %dma_start3A_197 = arith.constant 0 : i32
      %dma_start3A_198 = arith.constant 0 : i32
      %dma_start3A_199 = tpu.memref_slice %arg7[%run_scoped3A_188, %dma_start3A_197, %dma_start3A_198] : memref<5x80x64xf32, #tpu.memory_space<vmem>> -> memref<1x80x64xf32, #tpu.memory_space<vmem>>
      %dma_start3A_200 = tpu.memref_squeeze %dma_start3A_199 : memref<1x80x64xf32, #tpu.memory_space<vmem>> -> memref<80x64xf32, #tpu.memory_space<vmem>>
      %dma_start3A_201 = arith.constant 0 : i32
      %dma_start3A_202 = tpu.memref_slice %arg6[%run_scoped3A_189, %dma_start3A_201] : memref<250x80xi32, #tpu.memory_space<vmem>> -> memref<1x80xi32, #tpu.memory_space<vmem>>
      %dma_start3A_203 = tpu.memref_squeeze %dma_start3A_202 : memref<1x80xi32, #tpu.memory_space<vmem>> -> memref<80xi32, #tpu.memory_space<vmem>>
      %dma_start3A_204 = arith.constant 0 : i32
      %dma_start3A_205 = arith.constant 0 : i32
      %dma_start3A_206 = tpu.memref_slice %arg8[%dma_start3A_204, %dma_start3A_205] : memref<10240x64xf32, #tpu.memory_space<vmem_shared>> -> memref<10240x64xf32, #tpu.memory_space<vmem_shared>>
      tpu.enqueue_indirect_dma source(%dma_start3A_200 : memref<80x64xf32, #tpu.memory_space<vmem>>) target(%dma_start3A_206 : memref<10240x64xf32, #tpu.memory_space<vmem_shared>>) offsets(%dma_start3A_203 : memref<80xi32, #tpu.memory_space<vmem>>) semaphore(%run_scoped3A_196 : memref<!tpu.dma_semaphore, #tpu.memory_space<semaphore_mem>>) {add = true}
      %dma_wait3A_207 = arith.constant 0 : i32
      %dma_wait3A_208 = arith.constant 0 : i32
      %dma_wait3A_209 = tpu.memref_slice %arg7[%run_scoped3A_188, %dma_wait3A_207, %dma_wait3A_208] : memref<5x80x64xf32, #tpu.memory_space<vmem>> -> memref<1x80x64xf32, #tpu.memory_space<vmem>>
      %dma_wait3A_210 = tpu.memref_squeeze %dma_wait3A_209 : memref<1x80x64xf32, #tpu.memory_space<vmem>> -> memref<80x64xf32, #tpu.memory_space<vmem>>
      %dma_wait3A_211 = arith.constant 0 : i32
      %dma_wait3A_212 = tpu.memref_slice %arg6[%run_scoped3A_189, %dma_wait3A_211] : memref<250x80xi32, #tpu.memory_space<vmem>> -> memref<1x80xi32, #tpu.memory_space<vmem>>
      %dma_wait3A_213 = tpu.memref_squeeze %dma_wait3A_212 : memref<1x80xi32, #tpu.memory_space<vmem>> -> memref<80xi32, #tpu.memory_space<vmem>>
      %dma_wait3A_214 = arith.constant 0 : i32
      %dma_wait3A_215 = arith.constant 0 : i32
      %dma_wait3A_216 = tpu.memref_slice %arg8[%dma_wait3A_214, %dma_wait3A_215] : memref<10240x64xf32, #tpu.memory_space<vmem_shared>> -> memref<10240x64xf32, #tpu.memory_space<vmem_shared>>
      tpu.wait_indirect_dma semaphore(%run_scoped3A_196 : memref<!tpu.dma_semaphore, #tpu.memory_space<semaphore_mem>>) src(%dma_wait3A_210 : memref<80x64xf32, #tpu.memory_space<vmem>>) dst(%dma_wait3A_216 : memref<10240x64xf32, #tpu.memory_space<vmem_shared>>)
      tpu.yield
    }) : () -> ()
    %scan3A_190 = arith.constant 1 : i32
    %barrier3A_191 = arith.constant 0 : index
    tpu.barrier barrier_id(%barrier3A_191)
    %mul3A_192 = arith.constant 640 : i32
    %mul3A_193 = arith.muli %arg1, %mul3A_192 : i32
    %mul3A_194 = arith.constant 640 : i32
    %mul3A_195 = arith.muli %arg1, %mul3A_194 : i32
    "tpu.region"() ({
      %run_scoped3A_196 = tpu.sem_alloc : memref<!tpu.dma_semaphore, #tpu.memory_space<semaphore_mem>>
      %dma_start3A_197 = arith.constant 0 : i32
      %dma_start3A_198 = tpu.memref_slice %arg4[%arg0, %mul3A_195, %dma_start3A_197] : memref<2x10240x64xf32, #tpu.memory_space<hbm>> -> memref<1x640x64xf32, #tpu.memory_space<hbm>>
      %dma_start3A_199 = tpu.memref_squeeze %dma_start3A_198 : memref<1x640x64xf32, #tpu.memory_space<hbm>> -> memref<640x64xf32, #tpu.memory_space<hbm>>
      %dma_start3A_200 = arith.constant 0 : i32
      %dma_start3A_201 = tpu.memref_slice %arg8[%mul3A_193, %dma_start3A_200] : memref<10240x64xf32, #tpu.memory_space<vmem_shared>> -> memref<640x64xf32, #tpu.memory_space<vmem_shared>>
      tpu.enqueue_dma source(%dma_start3A_201 : memref<640x64xf32, #tpu.memory_space<vmem_shared>>) target(%dma_start3A_199 : memref<640x64xf32, #tpu.memory_space<hbm>>) target_semaphore(%run_scoped3A_196 : memref<!tpu.dma_semaphore, #tpu.memory_space<semaphore_mem>>)
      %dma_wait3A_202 = arith.constant 0 : i32
      %dma_wait3A_203 = tpu.memref_slice %arg4[%arg0, %mul3A_195, %dma_wait3A_202] : memref<2x10240x64xf32, #tpu.memory_space<hbm>> -> memref<1x640x64xf32, #tpu.memory_space<hbm>>
      %dma_wait3A_204 = tpu.memref_squeeze %dma_wait3A_203 : memref<1x640x64xf32, #tpu.memory_space<hbm>> -> memref<640x64xf32, #tpu.memory_space<hbm>>
      %dma_wait3A_205 = arith.constant 0 : i32
      %dma_wait3A_206 = tpu.memref_slice %arg8[%mul3A_193, %dma_wait3A_205] : memref<10240x64xf32, #tpu.memory_space<vmem_shared>> -> memref<640x64xf32, #tpu.memory_space<vmem_shared>>
      tpu.wait_dma2 semaphore(%run_scoped3A_196 : memref<!tpu.dma_semaphore, #tpu.memory_space<semaphore_mem>>) src(%dma_wait3A_206 : memref<640x64xf32, #tpu.memory_space<vmem_shared>>) dst(%dma_wait3A_204 : memref<640x64xf32, #tpu.memory_space<hbm>>)
      tpu.yield
    }) : () -> ()
    return
  }
}

module attributes {stable_mosaic.version = 14 : i64} {
  func.func @_layer1_body(%arg0: i32, %arg1: memref<2x10240xf32, #tpu.memory_space<vmem>>, %arg2: memref<2048x128xf32, #tpu.memory_space<vmem>>, %arg3: memref<128x128xf32, #tpu.memory_space<vmem>>, %arg4: memref<2x2048x64xf32, #tpu.memory_space<vmem>>) attributes {dimension_semantics = [#tpu.dimension_semantics<parallel>], iteration_bounds = array<i64: 5>, scalar_prefetch = 0 : i64, scratch_operands = 0 : i64, tpu.core_type = #tpu.core_type<tc>, window_params = [{pipeline_mode = #tpu.pipeline_mode<synchronous>, transform_indices = @transform_0, window_bounds = array<i64: 2, 10240>}, {transform_indices = @transform_1, window_bounds = array<i64: 2048, 128>}, {pipeline_mode = #tpu.pipeline_mode<synchronous>, transform_indices = @transform_2, window_bounds = array<i64: 128, 128>}, {transform_indices = @transform_3, window_bounds = array<i64: 2, 2048, 64>}]} {
    %get3A = arith.constant 0 : index
    %get3A_0 = arith.constant 0 : index
    %get3A_1 = vector.load %arg2[%get3A, %get3A_0] : memref<2048x128xf32, #tpu.memory_space<vmem>>, vector<2048x128xf32>
    %get3A_2 = arith.constant 0 : index
    %get3A_3 = arith.constant 0 : index
    %get3A_4 = vector.load %arg3[%get3A_2, %get3A_3] : memref<128x128xf32, #tpu.memory_space<vmem>>, vector<128x128xf32>
    %dot_general3A = arith.constant dense<0.000000e+00> : vector<2048x128xf32>
    %dot_general3A_5 = tpu.matmul %get3A_1, %get3A_4, %dot_general3A {dimension_numbers = #tpu.dot_dimension_numbers<[1], [1], [0], [0], [0, 0, 1, 0], [], []>, transpose_lhs_hint = false} : vector<2048x128xf32>, vector<128x128xf32>, vector<2048x128xf32> -> vector<2048x128xf32>
    %mul3A = arith.constant 2048 : i32
    %mul3A_6 = arith.muli %arg0, %mul3A : i32
    %get3A_7 = arith.constant 0 : index
    %get3A_8 = arith.index_cast %mul3A_6 : i32 to index
    %get3A_9 = vector.load %arg1[%get3A_7, %get3A_8] : memref<2x10240xf32, #tpu.memory_space<vmem>>, vector<1x2048xf32>
    %get3A_10 = vector.shape_cast %get3A_9 : vector<1x2048xf32> to vector<2048xf32>
    %mul3A_11 = arith.constant 2048 : i32
    %mul3A_12 = arith.muli %arg0, %mul3A_11 : i32
    %get3A_13 = arith.constant 1 : index
    %get3A_14 = arith.index_cast %mul3A_12 : i32 to index
    %get3A_15 = vector.load %arg1[%get3A_13, %get3A_14] : memref<2x10240xf32, #tpu.memory_space<vmem>>, vector<1x2048xf32>
    %get3A_16 = vector.shape_cast %get3A_15 : vector<1x2048xf32> to vector<2048xf32>
    %add3A = arith.addf %get3A_10, %get3A_16 : vector<2048xf32>
    %add3A_17 = arith.constant 1.000000e+00 : f32
    %add3A_18 = vector.broadcast %add3A_17 : f32 to vector<2048xf32>
    %add3A_19 = arith.addf %add3A, %add3A_18 : vector<2048xf32>
    %rsqrt3A = math.rsqrt %add3A_19 : vector<2048xf32>
    %broadcast_in_dim3A = vector.shape_cast %rsqrt3A : vector<2048xf32> to vector<2048x1xf32>
    %mul3A_20 = vector.broadcast %broadcast_in_dim3A : vector<2048x1xf32> to vector<2048x128xf32>
    %mul3A_21 = arith.mulf %dot_general3A_5, %mul3A_20 : vector<2048x128xf32>
    %slice3A = vector.extract_strided_slice %mul3A_21 {offsets = [0, 0], sizes = [2048, 64], strides = [1, 1]} : vector<2048x128xf32> to vector<2048x64xf32>
    %swap3A = arith.constant 0 : index
    %swap3A_22 = arith.constant 0 : index
    %swap3A_23 = arith.constant 0 : index
    %swap3A_24 = vector.load %arg4[%swap3A, %swap3A_22, %swap3A_23] : memref<2x2048x64xf32, #tpu.memory_space<vmem>>, vector<1x2048x64xf32>
    %swap3A_25 = vector.shape_cast %swap3A_24 : vector<1x2048x64xf32> to vector<2048x64xf32>
    %swap3A_26 = vector.shape_cast %slice3A : vector<2048x64xf32> to vector<1x2048x64xf32>
    tpu.vector_store %arg4[%swap3A, %swap3A_22, %swap3A_23], %swap3A_26 {strides = array<i32>} : memref<2x2048x64xf32, #tpu.memory_space<vmem>>, vector<1x2048x64xf32>,
    %slice3A_27 = vector.extract_strided_slice %mul3A_21 {offsets = [0, 64], sizes = [2048, 64], strides = [1, 1]} : vector<2048x128xf32> to vector<2048x64xf32>
    %swap3A_28 = arith.constant 1 : index
    %swap3A_29 = arith.constant 0 : index
    %swap3A_30 = arith.constant 0 : index
    %swap3A_31 = vector.load %arg4[%swap3A_28, %swap3A_29, %swap3A_30] : memref<2x2048x64xf32, #tpu.memory_space<vmem>>, vector<1x2048x64xf32>
    %swap3A_32 = vector.shape_cast %swap3A_31 : vector<1x2048x64xf32> to vector<2048x64xf32>
    %swap3A_33 = vector.shape_cast %slice3A_27 : vector<2048x64xf32> to vector<1x2048x64xf32>
    tpu.vector_store %arg4[%swap3A_28, %swap3A_29, %swap3A_30], %swap3A_33 {strides = array<i32>} : memref<2x2048x64xf32, #tpu.memory_space<vmem>>, vector<1x2048x64xf32>,
    return
  }
  func.func @transform_0(%arg0: i32) -> (i32, i32) {
    %c0_i32 = arith.constant 0 : i32
    %c0_i32_0 = arith.constant 0 : i32
    %c0_i32_1 = arith.constant 0 : i32
    return %c0_i32, %c0_i32_0 : i32, i32
  }
  func.func @transform_1(%arg0: i32) -> (i32, i32) {
    %c0_i32 = arith.constant 0 : i32
    %c0_i32_0 = arith.constant 0 : i32
    return %arg0, %c0_i32 : i32, i32
  }
  func.func @transform_2(%arg0: i32) -> (i32, i32) {
    %c0_i32 = arith.constant 0 : i32
    %c0_i32_0 = arith.constant 0 : i32
    %c0_i32_1 = arith.constant 0 : i32
    return %c0_i32, %c0_i32_0 : i32, i32
  }
  func.func @transform_3(%arg0: i32) -> (i32, i32, i32) {
    %c0_i32 = arith.constant 0 : i32
    %c0_i32_0 = arith.constant 0 : i32
    %c0_i32_1 = arith.constant 0 : i32
    return %c0_i32, %arg0, %c0_i32_0 : i32, i32, i32
  }
}

module attributes {stable_mosaic.version = 14 : i64} {
  func.func @_layer2_body(%arg0: i32, %arg1: memref<2x10240xf32, #tpu.memory_space<vmem>>, %arg2: memref<2x2048x64xf32, #tpu.memory_space<vmem>>, %arg3: memref<1x128xf32, #tpu.memory_space<vmem>>, %arg4: memref<64x128xf32, #tpu.memory_space<vmem>>, %arg5: memref<2048x64xf32, #tpu.memory_space<vmem>>) attributes {dimension_semantics = [#tpu.dimension_semantics<parallel>], iteration_bounds = array<i64: 5>, scalar_prefetch = 0 : i64, scratch_operands = 0 : i64, tpu.core_type = #tpu.core_type<tc>, window_params = [{pipeline_mode = #tpu.pipeline_mode<synchronous>, transform_indices = @transform_0, window_bounds = array<i64: 2, 10240>}, {transform_indices = @transform_1, window_bounds = array<i64: 2, 2048, 64>}, {pipeline_mode = #tpu.pipeline_mode<synchronous>, transform_indices = @transform_2, window_bounds = array<i64: 1, 128>}, {pipeline_mode = #tpu.pipeline_mode<synchronous>, transform_indices = @transform_3, window_bounds = array<i64: 64, 128>}, {transform_indices = @transform_4, window_bounds = array<i64: 2048, 64>}]} {
    %mul3A = arith.constant 2048 : i32
    %mul3A_0 = arith.muli %arg0, %mul3A : i32
    %get3A = arith.constant 0 : index
    %get3A_1 = arith.index_cast %mul3A_0 : i32 to index
    %get3A_2 = vector.load %arg1[%get3A, %get3A_1] : memref<2x10240xf32, #tpu.memory_space<vmem>>, vector<1x2048xf32>
    %get3A_3 = vector.shape_cast %get3A_2 : vector<1x2048xf32> to vector<2048xf32>
    %mul3A_4 = arith.constant 2048 : i32
    %mul3A_5 = arith.muli %arg0, %mul3A_4 : i32
    %get3A_6 = arith.constant 1 : index
    %get3A_7 = arith.index_cast %mul3A_5 : i32 to index
    %get3A_8 = vector.load %arg1[%get3A_6, %get3A_7] : memref<2x10240xf32, #tpu.memory_space<vmem>>, vector<1x2048xf32>
    %get3A_9 = vector.shape_cast %get3A_8 : vector<1x2048xf32> to vector<2048xf32>
    %add3A = arith.addf %get3A_3, %get3A_9 : vector<2048xf32>
    %add3A_10 = arith.constant 1.000000e+00 : f32
    %add3A_11 = vector.broadcast %add3A_10 : f32 to vector<2048xf32>
    %add3A_12 = arith.addf %add3A, %add3A_11 : vector<2048xf32>
    %rsqrt3A = math.rsqrt %add3A_12 : vector<2048xf32>
    %broadcast_in_dim3A = vector.shape_cast %rsqrt3A : vector<2048xf32> to vector<2048x1xf32>
    %get3A_13 = arith.constant 0 : index
    %get3A_14 = arith.constant 0 : index
    %get3A_15 = arith.constant 0 : index
    %get3A_16 = vector.load %arg2[%get3A_13, %get3A_14, %get3A_15] : memref<2x2048x64xf32, #tpu.memory_space<vmem>>, vector<1x2048x64xf32>
    %get3A_17 = vector.shape_cast %get3A_16 : vector<1x2048x64xf32> to vector<2048x64xf32>
    %get3A_18 = arith.constant 1 : index
    %get3A_19 = arith.constant 0 : index
    %get3A_20 = arith.constant 0 : index
    %get3A_21 = vector.load %arg2[%get3A_18, %get3A_19, %get3A_20] : memref<2x2048x64xf32, #tpu.memory_space<vmem>>, vector<1x2048x64xf32>
    %get3A_22 = vector.shape_cast %get3A_21 : vector<1x2048x64xf32> to vector<2048x64xf32>
    %concatenate3A = tpu.concatenate %get3A_17, %get3A_22 in 1 : vector<2048x64xf32>, vector<2048x64xf32> -> vector<2048x128xf32>
    %mul3A_23 = vector.broadcast %broadcast_in_dim3A : vector<2048x1xf32> to vector<2048x128xf32>
    %mul3A_24 = arith.mulf %concatenate3A, %mul3A_23 : vector<2048x128xf32>
    %get3A_25 = arith.constant 0 : index
    %get3A_26 = arith.constant 0 : index
    %get3A_27 = vector.load %arg3[%get3A_25, %get3A_26] : memref<1x128xf32, #tpu.memory_space<vmem>>, vector<1x128xf32>
    %add3A_28 = vector.broadcast %get3A_27 : vector<1x128xf32> to vector<2048x128xf32>
    %add3A_29 = arith.addf %mul3A_24, %add3A_28 : vector<2048x128xf32>
    %max3A = arith.constant 0.000000e+00 : f32
    %max3A_30 = vector.broadcast %max3A : f32 to vector<2048x128xf32>
    %max3A_31 = arith.maximumf %add3A_29, %max3A_30 : vector<2048x128xf32>
    %get3A_32 = arith.constant 0 : index
    %get3A_33 = arith.constant 0 : index
    %get3A_34 = vector.load %arg4[%get3A_32, %get3A_33] : memref<64x128xf32, #tpu.memory_space<vmem>>, vector<64x128xf32>
    %dot_general3A = arith.constant dense<0.000000e+00> : vector<2048x64xf32>
    %dot_general3A_35 = tpu.matmul %max3A_31, %get3A_34, %dot_general3A {dimension_numbers = #tpu.dot_dimension_numbers<[1], [1], [0], [0], [0, 0, 1, 0], [], []>, transpose_lhs_hint = false} : vector<2048x128xf32>, vector<64x128xf32>, vector<2048x64xf32> -> vector<2048x64xf32>
    %mul3A_36 = vector.broadcast %broadcast_in_dim3A : vector<2048x1xf32> to vector<2048x64xf32>
    %mul3A_37 = arith.mulf %dot_general3A_35, %mul3A_36 : vector<2048x64xf32>
    %swap3A = arith.constant 0 : index
    %swap3A_38 = arith.constant 0 : index
    %swap3A_39 = vector.load %arg5[%swap3A, %swap3A_38] : memref<2048x64xf32, #tpu.memory_space<vmem>>, vector<2048x64xf32>
    tpu.vector_store %arg5[%swap3A, %swap3A_38], %mul3A_37 {strides = array<i32>} : memref<2048x64xf32, #tpu.memory_space<vmem>>, vector<2048x64xf32>,
    return
  }
  func.func @transform_0(%arg0: i32) -> (i32, i32) {
    %c0_i32 = arith.constant 0 : i32
    %c0_i32_0 = arith.constant 0 : i32
    %c0_i32_1 = arith.constant 0 : i32
    return %c0_i32, %c0_i32_0 : i32, i32
  }
  func.func @transform_1(%arg0: i32) -> (i32, i32, i32) {
    %c0_i32 = arith.constant 0 : i32
    %c0_i32_0 = arith.constant 0 : i32
    %c0_i32_1 = arith.constant 0 : i32
    return %c0_i32, %arg0, %c0_i32_0 : i32, i32, i32
  }
  func.func @transform_2(%arg0: i32) -> (i32, i32) {
    %c0_i32 = arith.constant 0 : i32
    %c0_i32_0 = arith.constant 0 : i32
    %c0_i32_1 = arith.constant 0 : i32
    return %c0_i32, %c0_i32_0 : i32, i32
  }
  func.func @transform_3(%arg0: i32) -> (i32, i32) {
    %c0_i32 = arith.constant 0 : i32
    %c0_i32_0 = arith.constant 0 : i32
    %c0_i32_1 = arith.constant 0 : i32
    return %c0_i32, %c0_i32_0 : i32, i32
  }
  func.func @transform_4(%arg0: i32) -> (i32, i32) {
    %c0_i32 = arith.constant 0 : i32
    %c0_i32_0 = arith.constant 0 : i32
    return %arg0, %c0_i32 : i32, i32
  }
}

module attributes {stable_mosaic.version = 14 : i64} {
  func.func @_final_body(%arg0: i32, %arg1: memref<2x10240xf32, #tpu.memory_space<vmem>>, %arg2: memref<2x2048x64xf32, #tpu.memory_space<vmem>>, %arg3: memref<2048x64xf32, #tpu.memory_space<vmem>>, %arg4: memref<1x64xf32, #tpu.memory_space<vmem>>, %arg5: memref<2048x64xf32, #tpu.memory_space<vmem>>) attributes {dimension_semantics = [#tpu.dimension_semantics<parallel>], iteration_bounds = array<i64: 5>, scalar_prefetch = 0 : i64, scratch_operands = 0 : i64, tpu.core_type = #tpu.core_type<tc>, window_params = [{pipeline_mode = #tpu.pipeline_mode<synchronous>, transform_indices = @transform_0, window_bounds = array<i64: 2, 10240>}, {transform_indices = @transform_1, window_bounds = array<i64: 2, 2048, 64>}, {transform_indices = @transform_2, window_bounds = array<i64: 2048, 64>}, {pipeline_mode = #tpu.pipeline_mode<synchronous>, transform_indices = @transform_3, window_bounds = array<i64: 1, 64>}, {transform_indices = @transform_4, window_bounds = array<i64: 2048, 64>}]} {
    %get3A = arith.constant 0 : index
    %get3A_0 = arith.constant 0 : index
    %get3A_1 = arith.constant 0 : index
    %get3A_2 = vector.load %arg2[%get3A, %get3A_0, %get3A_1] : memref<2x2048x64xf32, #tpu.memory_space<vmem>>, vector<1x2048x64xf32>
    %get3A_3 = vector.shape_cast %get3A_2 : vector<1x2048x64xf32> to vector<2048x64xf32>
    %get3A_4 = arith.constant 1 : index
    %get3A_5 = arith.constant 0 : index
    %get3A_6 = arith.constant 0 : index
    %get3A_7 = vector.load %arg2[%get3A_4, %get3A_5, %get3A_6] : memref<2x2048x64xf32, #tpu.memory_space<vmem>>, vector<1x2048x64xf32>
    %get3A_8 = vector.shape_cast %get3A_7 : vector<1x2048x64xf32> to vector<2048x64xf32>
    %add3A = arith.addf %get3A_3, %get3A_8 : vector<2048x64xf32>
    %get3A_9 = arith.constant 0 : index
    %get3A_10 = arith.constant 0 : index
    %get3A_11 = vector.load %arg3[%get3A_9, %get3A_10] : memref<2048x64xf32, #tpu.memory_space<vmem>>, vector<2048x64xf32>
    %sub3A = arith.subf %add3A, %get3A_11 : vector<2048x64xf32>
    %mul3A = arith.constant 2048 : i32
    %mul3A_12 = arith.muli %arg0, %mul3A : i32
    %get3A_13 = arith.constant 0 : index
    %get3A_14 = arith.index_cast %mul3A_12 : i32 to index
    %get3A_15 = vector.load %arg1[%get3A_13, %get3A_14] : memref<2x10240xf32, #tpu.memory_space<vmem>>, vector<1x2048xf32>
    %get3A_16 = vector.shape_cast %get3A_15 : vector<1x2048xf32> to vector<2048xf32>
    %mul3A_17 = arith.constant 2048 : i32
    %mul3A_18 = arith.muli %arg0, %mul3A_17 : i32
    %get3A_19 = arith.constant 1 : index
    %get3A_20 = arith.index_cast %mul3A_18 : i32 to index
    %get3A_21 = vector.load %arg1[%get3A_19, %get3A_20] : memref<2x10240xf32, #tpu.memory_space<vmem>>, vector<1x2048xf32>
    %get3A_22 = vector.shape_cast %get3A_21 : vector<1x2048xf32> to vector<2048xf32>
    %add3A_23 = arith.addf %get3A_16, %get3A_22 : vector<2048xf32>
    %add3A_24 = arith.constant 1.000000e+00 : f32
    %add3A_25 = vector.broadcast %add3A_24 : f32 to vector<2048xf32>
    %add3A_26 = arith.addf %add3A_23, %add3A_25 : vector<2048xf32>
    %rsqrt3A = math.rsqrt %add3A_26 : vector<2048xf32>
    %broadcast_in_dim3A = vector.shape_cast %rsqrt3A : vector<2048xf32> to vector<2048x1xf32>
    %mul3A_27 = vector.broadcast %broadcast_in_dim3A : vector<2048x1xf32> to vector<2048x64xf32>
    %mul3A_28 = arith.mulf %sub3A, %mul3A_27 : vector<2048x64xf32>
    %get3A_29 = arith.constant 0 : index
    %get3A_30 = arith.constant 0 : index
    %get3A_31 = vector.load %arg4[%get3A_29, %get3A_30] : memref<1x64xf32, #tpu.memory_space<vmem>>, vector<1x64xf32>
    %add3A_32 = vector.broadcast %get3A_31 : vector<1x64xf32> to vector<2048x64xf32>
    %add3A_33 = arith.addf %mul3A_28, %add3A_32 : vector<2048x64xf32>
    %swap3A = arith.constant 0 : index
    %swap3A_34 = arith.constant 0 : index
    %swap3A_35 = vector.load %arg5[%swap3A, %swap3A_34] : memref<2048x64xf32, #tpu.memory_space<vmem>>, vector<2048x64xf32>
    tpu.vector_store %arg5[%swap3A, %swap3A_34], %add3A_33 {strides = array<i32>} : memref<2048x64xf32, #tpu.memory_space<vmem>>, vector<2048x64xf32>,
    return
  }
  func.func @transform_0(%arg0: i32) -> (i32, i32) {
    %c0_i32 = arith.constant 0 : i32
    %c0_i32_0 = arith.constant 0 : i32
    %c0_i32_1 = arith.constant 0 : i32
    return %c0_i32, %c0_i32_0 : i32, i32
  }
  func.func @transform_1(%arg0: i32) -> (i32, i32, i32) {
    %c0_i32 = arith.constant 0 : i32
    %c0_i32_0 = arith.constant 0 : i32
    %c0_i32_1 = arith.constant 0 : i32
    return %c0_i32, %arg0, %c0_i32_0 : i32, i32, i32
  }
  func.func @transform_2(%arg0: i32) -> (i32, i32) {
    %c0_i32 = arith.constant 0 : i32
    %c0_i32_0 = arith.constant 0 : i32
    return %arg0, %c0_i32 : i32, i32
  }
  func.func @transform_3(%arg0: i32) -> (i32, i32) {
    %c0_i32 = arith.constant 0 : i32
    %c0_i32_0 = arith.constant 0 : i32
    %c0_i32_1 = arith.constant 0 : i32
    return %c0_i32, %c0_i32_0 : i32, i32
  }
  func.func @transform_4(%arg0: i32) -> (i32, i32) {
    %c0_i32 = arith.constant 0 : i32
    %c0_i32_0 = arith.constant 0 : i32
    return %arg0, %c0_i32 : i32, i32
  }
}

</mosaic_0001>

<sc_bundles>
// kernel: kernel.11.cloned.1.call-start
scs
__scs_entry_jumppad:
0x0: {  	(pc) =	sbr.rel $0x88, $3  }
0x1: {  	(tag) =	ssettag $0x0;
	lr =	simm.s32 $0x1  }
0x2: {  	[smem:$0x3F9B] =	sst lr;
	_ =	strace $0xD0000000  }
0x3: {  	_ = 	snop  }
0x4: {  	_ = 	snop  }
0x5: {  	_ = 	snop  }
0x6: {  	_ = 	snop  }
0x7: {  	_ = 	snop  }
__scs_overlays_trampoline_lowered:
0x8: {  	[smem:$0x3FAA] =	sst s0  }
0x9: {  	[smem:$0x3FAB] =	sst s1  }
0xa: {  	[smem:$0x3FAC] =	sst s2  }
0xb: {  	[smem:$0x3FAD] =	sst s3  }
0xc: {  	[smem:$0x3FAE] =	sst s4  }
0xd: {  	[smem:$0x3FAF] =	sst s5  }
0xe: {  	[smem:$0x3FB0] =	sst s6  }
0xf: {  	[smem:$0x3FB1] =	sst s7  }
0x10: {  	[smem:$0x3FB2] =	sst s8  }
0x11: {  	[smem:$0x3FB3] =	sst s9;
	s0 =	simm.s32 @!p0 $0x0  }
0x12: {  	s1 =	sld [smem:$0x3F99];
	s0 =	simm.s32 @p0 $0x1  }
0x13: {  	[smem:$0x3FB4] =	sst s0;
	s0 =	simm.s32 @!p1 $0x0  }
0x14: {  	s2 =	sld [smem:$0x3F98];
	s0 =	simm.s32 @p1 $0x1  }
0x15: {  	[smem:$0x3FB5] =	sst s0;
	s0 =	simm.s32 @!p2 $0x0  }
0x16: {  	s3 =	sld [smem:$0x3FDB];
	s0 =	simm.s32 @p2 $0x1  }
0x17: {  	s4 =	simm.s32 $0x1BF5;
	[smem:$0x3FB7] =	sst s0  }
0x18: {  	s0 =	sld [smem:$0x3F9A];
	_ =	swait.ge [sflag:s4], $0x0  }
0x19: {  	s7 =	sld [smem:$0x3F9B]  }
0x1a: {  	s8 =	sadd.s32 $0xFFFFE003, lr  }
0x1b: {  	s9 =	sadd.s32 $0xFFFFFEF7, lr;
	s5 =	simm.s32 $0xFFFFFFFF;
	p2 =	slt.u32 s8, $0xFFFFF086  }
0x1c: {  	p1 =	slt.u32 s9, $0xF7A;
	s5 =	simm.s32 @!p2 $0x0  }
0x1d: {  	s5 =	simm.s32 @p1 $0x1;
	p0 =	seq.s32 s7, s2  }
0x1e: {  	s7 =	smul.u32 @!p0 $0xF7A, s2;
	p2 =	seq.s32 @!p0 s5, $0x0  }
0x1f: {  	s9 =	smul.u32 $0xF7A, s1;
	s8 =	simm.s32 @!p0 $0x1BF5;
	p2 =	por !p2, p0  }
0x20: {  	[sflag:s8] =	ssyncset.s32 @!p0 $0xFFFFF086;
	s6 =	sadd.s32 @!p0 s3, s7;
	s7 =	simm.s32 @!p0 $0x108  }
0x21: {  	s3 =	sadd.s32 s3, s9;
	s6 =	sadd.s32 @!p0 $0x88, s6;
	s7 =	simm.s32 @p2 $0x1082  }
0x22: {  	[simem:s7], [sflag:s8] =	dma.local @!p0 [hbm:s6], $0xF7A  }
0x23: {  	s9 =	sor.u32 $0xD0000000, s2;
	s6 =	simm.s32 $0x108;
	_ =	swait.ge @!p0 [sflag:s8], $0x0  }
0x24: {  	s3 =	sadd.s32 $0x88, s3;
	s6 =	simm.s32 @!p1 $0x1082;
	[sflag:s4] =	ssyncset.s32 $0xFFFFF086  }
0x25: {  	[simem:s6], [sflag:s4] =	dma.local [hbm:s3], $0xF7A  }
0x26: {  	[smem:$0x3F9B] =	sst s1;
	(tag) =	ssettag s2;
	_ =	strace s9  }
0x27: {  	s1 =	sld [smem:$0x3FAB]  }
0x28: {  	s2 =	sld [smem:$0x3FAC]  }
0x29: {  	s4 =	sld [smem:$0x3FAE]  }
0x2a: {  	p0 =	seq.s32 s5, $0x0;
	s5 =	sld [smem:$0x3FAF]  }
0x2b: {  	s6 =	sld [smem:$0x3FB0]  }
0x2c: {  	s7 =	sld [smem:$0x3FB1]  }
0x2d: {  	s3 =	simm.s32 $0x108;
	s8 =	sld [smem:$0x3FB2]  }
0x2e: {  	s3 =	simm.s32 @!p0 $0x1082;
	s9 =	sld [smem:$0x3FB3]  }
0x2f: {  	lr =	sadd.s32 s0, s3;
	s0 =	sld [smem:$0x3FAA]  }
0x30: {  	s3 =	sld [smem:$0x3FAD]  }
0x31: {  	[smem:$0x3FB6] =	sst s10  }
0x32: {  	s10 =	sld [smem:$0x3FB4];
	_ =	sdelay $0x3  }
0x33: {  	p0 =	seq.s32 s10, $0x1;
	s10 =	sld [smem:$0x3FB6];
	_ =	sdelay $0x3  }
0x34: {  	[smem:$0x3FB6] =	sst s10  }
0x35: {  	s10 =	sld [smem:$0x3FB5];
	_ =	sdelay $0x3  }
0x36: {  	p1 =	seq.s32 s10, $0x1;
	s10 =	sld [smem:$0x3FB6];
	_ =	sdelay $0x3  }
0x37: {  	[smem:$0x3FB6] =	sst s10  }
0x38: {  	s10 =	sld [smem:$0x3FB7]  }
0x39: {  	_ = 	snop;
	(pc) =	sbr.ind lr, $3  }
0x3a: {  	_ = 	snop  }
0x3b: {  	_ = 	snop  }
0x3c: {  	p2 =	seq.s32 s10, $0x1;
	s10 =	sld [smem:$0x3FB6]  }
0x3d: {  	_ =	shalt  }
0x3e: {  	_ =	shalt  }
0x3f: {  	_ =	shalt  }
0x40: {  	_ =	shalt  }
0x41: {  	_ =	shalt  }
0x42: {  	_ =	shalt  }
0x43: {  	_ =	shalt  }
0x44: {  	_ =	shalt  }
0x45: {  	_ =	shalt  }
0x46: {  	_ =	shalt  }
0x47: {  	_ =	shalt  }
0x48: {  	_ =	shalt  }
0x49: {  	_ =	shalt  }
0x4a: {  	_ =	shalt  }
0x4b: {  	_ =	shalt  }
0x4c: {  	_ =	shalt  }
0x4d: {  	_ =	shalt  }
0x4e: {  	_ =	shalt  }
0x4f: {  	_ =	shalt  }
0x50: {  	_ =	shalt  }
0x51: {  	_ =	shalt  }
0x52: {  	_ =	shalt  }
0x53: {  	_ =	shalt  }
0x54: {  	_ =	shalt  }
0x55: {  	_ =	shalt  }
0x56: {  	_ =	shalt  }
0x57: {  	_ =	shalt  }
0x58: {  	_ =	shalt  }
0x59: {  	_ =	shalt  }
0x5a: {  	_ =	shalt  }
0x5b: {  	_ =	shalt  }
0x5c: {  	_ =	shalt  }
0x5d: {  	_ =	shalt  }
0x5e: {  	_ =	shalt  }
0x5f: {  	_ =	shalt  }
0x60: {  	_ =	shalt  }
0x61: {  	_ =	shalt  }
0x62: {  	_ =	shalt  }
0x63: {  	_ =	shalt  }
0x64: {  	_ =	shalt  }
0x65: {  	_ =	shalt  }
0x66: {  	_ =	shalt  }
0x67: {  	_ =	shalt  }
0x68: {  	_ =	shalt  }
0x69: {  	_ =	shalt  }
0x6a: {  	_ =	shalt  }
0x6b: {  	_ =	shalt  }
0x6c: {  	_ =	shalt  }
0x6d: {  	_ =	shalt  }
0x6e: {  	_ =	shalt  }
0x6f: {  	_ =	shalt  }
0x70: {  	_ =	shalt  }
0x71: {  	_ =	shalt  }
0x72: {  	_ =	shalt  }
0x73: {  	_ =	shalt  }
0x74: {  	_ =	shalt  }
0x75: {  	_ =	shalt  }
0x76: {  	_ =	shalt  }
0x77: {  	_ =	shalt  }
0x78: {  	_ =	shalt  }
0x79: {  	_ =	shalt  }
0x7a: {  	_ =	shalt  }
0x7b: {  	_ =	shalt  }
0x7c: {  	_ =	shalt  }
0x7d: {  	_ =	shalt  }
0x7e: {  	_ =	shalt  }
0x7f: {  	_ =	shalt  }
0x80: {  	_ =	shalt  }
0x81: {  	_ =	shalt  }
0x82: {  	_ =	shalt  }
0x83: {  	_ =	shalt  }
0x84: {  	_ =	shalt  }
0x85: {  	_ =	shalt  }
0x86: {  	_ =	shalt  }
0x87: {  	_ =	shalt  }
.Lfunc_end0:
.L_simem_size_0:
called_computation.1_lowered:
.L_overlay_start_0:
0x88: {  	s2 =	sld [smem:$0x3FD9]  }
0x89: {  	s3 =	sld [smem:$0x3FFE];
	_ =	sdelay $0x1  }
0x8a: {  	s1 =	srdreg.scid  }
0x8b: {  	s0 =	sand.u32 $0x1, s1  }
0x8c: {  	s17 =	sshll.u32 s0, $0xA;
	s2 =	sadd.s32 s3, s2  }
0x8d: {  	s2 =	sadd.s32 s2, s17  }
0x8e: {  	[smem:$0x3FC2] =	sst s2  }
0x8f: {  	_ = 	snop  }
0x90: {  	s2 =	sld [smem:$0x3FD0];
	(tm) =	ssettm $0x1  }
0x91: {  	s18 =	sld [smem:$0x3FFB];
	_ =	sdelay $0x3  }
0x92: {  	_ =	strace s18  }
0x93: {  	s3 =	sld [smem:$0x3FFC];
	_ =	sdelay $0x3  }
0x94: {  	_ =	strace s3  }
0x95: {  	s3 =	sld [smem:$0x3FFD];
	_ =	sdelay $0x3  }
0x96: {  	_ =	strace s3  }
0x97: {  	_ =	strace $0x8FFFFFFF  }
0x98: {  	s19 =	sld [smem:$0x3FDB];
	_ =	sdelay $0x1  }
0x99: {  	s4 =	simm.s32 $_scs_section_size  }
0x9a: {  	s5 =	simm.s32 $_size__tile_overlayer_lowered;
	s6 =	simm.s32 $_tile_overlayer_lowered  }
0x9b: {  	s22 =	simm.s32 $0x1BFF;
	s21 =	sshll.u32 s6, $0x1;
	s3 =	sadd.s32 s4, s19  }
0x9c: {  	s7 =	simm.s32 $0x0;
	s20 =	sshll.u32 s5, $0x1;
	s5 =	sadd.s32 s21, s3  }
0x9d: {  	[timem:s7], [sflag:s22] =	dma.local [hbm:s5], s20  }
0x9e: {  	_ =	swait.ge [sflag:s22], s20  }
0x9f: {  	s4 =	ssub.s32 $0x0, s20;
	[sflag:s22] =	ssyncset.done $0x0  }
0xa0: {  	[sflag:s22] =	ssyncadd.s32 s4;
	_ =	sdelay $0x1  }
0xa1: {  	s23 =	simm.s32 $0x1B8B  }
0xa2: {  	_ =	swait.ge [sflag:s23], $0x1  }
0xa3: {  	[sflag:s23] =	ssyncset.done $0x0  }
0xa4: {  	s25 =	simm.s32 $0x1B8E;
	s24 =	sld [smem:$0x3FFE];
	[sflag:s23] =	ssyncadd.s32 $0xFFFFFFFF  }
0xa5: {  	s26 =	simm.s32 $execute0_lowered;
	[smem:$0x3FD2] =	sst s25  }
0xa6: {  	s5 =	sshll.u32 s26, $0x1;
	_ =	strace $0x80000049;
	[dreg:$0x1] =	wrdreg $0xFFFFFFFF  }
0xa7: {  	s28 =	simm.s32 $_size_execute0_lowered;
	s3 =	sadd.s32 s3, s5;
	[dreg:$0x0] =	wrdreg $0x0  }
0xa8: {  	s5 =	sshll.u32 s28, $0x1;
	[dreg:$0x2] =	wrdreg s3  }
0xa9: {  	[dreg:$0x3] =	wrdreg s5  }
0xaa: {  	[dreg:$0x4] =	wrdreg $0xC0  }
0xab: {  	_ =	task [dreg:s7], $0x5FFFF  }
0xac: {  	[dreg:$0x1] =	wrdreg $0xFFFFFFFF  }
0xad: {  	[dreg:$0x0] =	wrdreg $0x60  }
0xae: {  	[dreg:$0x2] =	wrdreg s24  }
0xaf: {  	[dreg:$0x3] =	wrdreg s2  }
0xb0: {  	[dreg:$0x4] =	wrdreg $0x100400  }
0xb1: {  	[dreg:$0x5] =	wrdreg $0x9  }
0xb2: {  	_ =	task.clear_ibuf [dreg:s7], $0x6FFFF;
	_ =	strace $0x90000049  }
0xb3: {  	s29 =	simm.s32 $0x9;
	_ =	strace $0x8000004B  }
0xb4: {  	_ =	swait.ge [sflag:s29], $0x1  }
0xb5: {  	[sflag:s29] =	ssyncadd.s32 $0xFFFFFFFF  }
0xb6: {  	_ =	strace $0x9000004B  }
0xb7: {  	_ =	sfence  }
0xb8: {  	s30 =	sld [smem:$0x0];
	_ =	sdelay $0x2  }
0xb9: {  	s31 =	sshll.u32 s1, $0xD;
	s1 =	sshrl.u32 s1, $0x2  }
0xba: {  	s3 =	sand.u32 $0x4000, s31;
	s1 =	sadd.s32 s1, s30  }
0xbb: {  	s0 =	sor.u32 s3, s0;
	s1 =	sshll.u32 s1, $0x11  }
0xbc: {  	s0 =	sor.u32 s1, s0  }
0xbd: {  	s0 =	sadd.s32 $0x8F2B, s0  }
0xbe: {  	[sflag:s0] =	ssyncadd.remote.s32 $0x1  }
0xbf: {  	_ =	sfence.sel $0xFFFF  }
0xc0: {  	[dreg:$0x0] =	wrdreg $0xFFFFFFFF;
	(pc) =	sbr.abs _section_cstart, $3  }
0xc1: {  	[dreg:$0x1] =	wrdreg $0xFFFFFFFF  }
0xc2: {  	_ =	task.clear_ibuf [dreg:s7], $0x2FFFF;
	_ =	strace $0x9FFFFFFF  }
0xc3: {  	(tm) =	ssettm $0x7FFFFFFF  }
tec
execute0_lowered:
.L_overlay_start_1:
0x0: {  	(tag) =	ssettag $0x1  }
0x1: {  	s0 =	rddreg [dreg:$0x0]  }
0x2: {  	s1 =	rddreg [dreg:$0x1]  }
0x3: {  	s2 =	rddreg [dreg:$0x2];
	s4 =	srdreg.scid  }
0x4: {  	s13 =	stileid.u32;
	s3 =	simm.s32 $0x0;
	s14 =	simm.s32 $0x50  }
0x5: {  	s15 =	simm.s32 $0x9C40;
	s16 =	simm.s32 $0xB040;
	s18 =	simm.s32 $0xC440  }
0x6: {  	s20 =	simm.s32 $0xD840;
	s22 =	simm.s32 $0xEC40;
	s23 =	simm.s32 $0x1  }
0x7: {  	s28 =	simm.s32 $0x5;
	s29 =	simm.s32 $0x9AB0;
	s30 =	simm.s32 $0x9B00  }
0x8: {  	s31 =	simm.s32 $0x9B50;
	s4 =	sand.u32 $0x1, s4;
	s5 =	smul.u32 $0xA000, s13  }
0x9: {  	[smem:$0x7FF] =	sst s3;
	s8 =	sadd.s32 $0x1C00, s0;
	s10 =	smul.u32 $0x4E20, s13  }
0xa: {  	s24 =	sshll.u32 s13, $0x6;
	s7 =	smul.u32 $0xA0000, s4;
	s4 =	ssub.s32 $0x2, s4  }
0xb: {  	s13 =	simm.s32 $0x0;
	_ =	strace $0x8000004A;
	s9 =	sshrl.u32 s4, $0x1  }
0xc: {  	s12 =	sadd.s32 s5, s2;
	s25 =	sshrl.u32 s10, $0x3;
	s6 =	sadd.s32 s5, s7  }
0xd: {  	s11 =	ssub.s32 s4, s9;
	s5 =	sor.u32 $0x1C06, s24;
	s26 =	sshrl.u32 s7, $0x3  }
0xe: {  	s24 =	simm.s32 $0x2;
	s6 =	sshrl.u32 s6, $0x3;
	s10 =	smax.u32 s11, $0x1  }
0xf: {  	s11 =	sshrl.u32 s12, $0x3;
	s12 =	simm.s32 $0x6;
	s0 =	sadd.s32 s6, s0  }
0x10: {  	s4 =	sadd.s32 s8, s6;
	s6 =	sadd.s32 s1, s25;
	s8 =	sadd.s32 s8, s26  }
0x11: {  	s25 =	simm.s32 $0x3;
	s26 =	simm.s32 $0x4;
	s1 =	simm.s32 $0x9BF0  }
0x12: {  	s7 =	sadd.s32 $0x9C40, s6;
	s9 =	sadd.s32 $0x29C00, s0;
	s0 =	simm.s32 $0x9BA0  }
.LBB2_1:
0x13: {  	[spmem:s11], [sflag:s5] =	dma.local [hbm:s4], $0x1400  }
0x14: {  	_ =	swait.ge [sflag:s12], $0x1400  }
0x15: {  	[sflag:s12] =	ssyncset.done $0x0  }
0x16: {  	[sflag:s12] =	ssyncadd.s32 $0xFFFFEC00  }
0x17: {  	[bflag:$0x0] =	sbarrier.arrive $0xFFFF  }
0x18: {  	[tilespmem:s3], [sflag:$0x6] =	stream.linear.gather [hbm4b:s6+s3], $0x4E20, $0x38;
	[tilespmem:$0x1A040] =	vst v63  }
0x19: {  	_ =	swait.ge [sflag:s12], $0x4E20  }
0x1a: {  	[sflag:s12] =	ssyncset.done $0x0  }
0x1b: {  	s17 =	simm.s32 $0x4E20;
	[sflag:s12] =	ssyncadd.s32 $0xFFFFB1E0  }
0x1c: {  	[tilespmem:s17], [sflag:$0x6] =	stream.linear.gather [hbm4b:s7+s3], $0x4E20, $0x38;
	[tilespmem:$0x1A040] =	vst v63  }
0x1d: {  	_ =	swait.ge [sflag:s12], $0x4E20  }
0x1e: {  	[sflag:s12] =	ssyncset.done $0x0  }
0x1f: {  	[sflag:s12] =	ssyncadd.s32 $0xFFFFB1E0  }
0x20: {  	[tilespmem:s15], [sflag:$0x1] =	stream.indirect.gather [hbm4b:s8+s14], $0x40, s3, s14, $0xb8;
	[tilespmem:$0x1A040] =	vst v63  }
0x21: {  	_ = 	snop  }
0x22: {  	[tilespmem:s16], [sflag:$0x2] =	stream.indirect.gather [hbm4b:s8+s14], $0x40, s14, s14, $0xb8;
	[tilespmem:$0x1A040] =	vst v63  }
0x23: {  	s19 =	simm.s32 $0xA0  }
0x24: {  	[tilespmem:s18], [sflag:$0x3] =	stream.indirect.gather [hbm4b:s8+s14], $0x40, s19, s14, $0xb8;
	[tilespmem:$0x1A040] =	vst v63  }
0x25: {  	s21 =	simm.s32 $0xF0  }
0x26: {  	[tilespmem:s20], [sflag:$0x4] =	stream.indirect.gather [hbm4b:s8+s14], $0x40, s21, s14, $0xb8;
	[tilespmem:$0x1A040] =	vst v63  }
0x27: {  	s19 =	simm.s32 $0x140  }
0x28: {  	[tilespmem:s22], [sflag:$0x5] =	stream.indirect.gather [hbm4b:s8+s14], $0x40, s19, s14, $0xb8;
	[tilespmem:$0x1A040] =	vst v63  }
0x29: {  	_ =	swait.ge [sflag:s23], $0x1400  }
0x2a: {  	[sflag:s23] =	ssyncset.done $0x0  }
0x2b: {  	s21 =	simm.s32 $0x4E20;
	[sflag:s23] =	ssyncadd.s32 $0xFFFFEC00  }
0x2c: {  	[spmem:s2] =	stream.indirect.scatter.add.f32 [tilespmem:s15], [sflag:$0x6], $0x40, s21, s14, $0xb8;
	[tilespmem:$0x1A040] =	vst v63  }
0x2d: {  	_ =	swait.ge [sflag:s12], $0x1400  }
0x2e: {  	[sflag:s12] =	ssyncset.done $0x0  }
0x2f: {  	s19 =	simm.s32 $0x190;
	[sflag:s12] =	ssyncadd.s32 $0xFFFFEC00  }
0x30: {  	[tilespmem:s15], [sflag:$0x1] =	stream.indirect.gather [hbm4b:s8+s14], $0x40, s19, s14, $0xb8;
	[tilespmem:$0x1A040] =	vst v63  }
0x31: {  	_ =	swait.ge [sflag:s24], $0x1400  }
0x32: {  	[sflag:s24] =	ssyncset.done $0x0  }
0x33: {  	s21 =	simm.s32 $0x4E70;
	[sflag:s24] =	ssyncadd.s32 $0xFFFFEC00  }
0x34: {  	[spmem:s2] =	stream.indirect.scatter.add.f32 [tilespmem:s16], [sflag:$0x6], $0x40, s21, s14, $0xb8;
	[tilespmem:$0x1A040] =	vst v63  }
0x35: {  	_ =	swait.ge [sflag:s12], $0x1400  }
0x36: {  	[sflag:s12] =	ssyncset.done $0x0  }
0x37: {  	s19 =	simm.s32 $0x1E0;
	[sflag:s12] =	ssyncadd.s32 $0xFFFFEC00  }
0x38: {  	[tilespmem:s16], [sflag:$0x2] =	stream.indirect.gather [hbm4b:s8+s14], $0x40, s19, s14, $0xb8;
	[tilespmem:$0x1A040] =	vst v63  }
0x39: {  	_ =	swait.ge [sflag:s25], $0x1400  }
0x3a: {  	[sflag:s25] =	ssyncset.done $0x0  }
0x3b: {  	s21 =	simm.s32 $0x4EC0;
	[sflag:s25] =	ssyncadd.s32 $0xFFFFEC00  }
0x3c: {  	[spmem:s2] =	stream.indirect.scatter.add.f32 [tilespmem:s18], [sflag:$0x6], $0x40, s21, s14, $0xb8;
	[tilespmem:$0x1A040] =	vst v63  }
0x3d: {  	_ =	swait.ge [sflag:s12], $0x1400  }
0x3e: {  	[sflag:s12] =	ssyncset.done $0x0  }
0x3f: {  	s19 =	simm.s32 $0x230;
	[sflag:s12] =	ssyncadd.s32 $0xFFFFEC00  }
0x40: {  	[tilespmem:s18], [sflag:$0x3] =	stream.indirect.gather [hbm4b:s8+s14], $0x40, s19, s14, $0xb8;
	[tilespmem:$0x1A040] =	vst v63  }
0x41: {  	_ =	swait.ge [sflag:s26], $0x1400  }
0x42: {  	[sflag:s26] =	ssyncset.done $0x0  }
0x43: {  	s21 =	simm.s32 $0x4F10;
	[sflag:s26] =	ssyncadd.s32 $0xFFFFEC00  }
0x44: {  	[spmem:s2] =	stream.indirect.scatter.add.f32 [tilespmem:s20], [sflag:$0x6], $0x40, s21, s14, $0xb8;
	[tilespmem:$0x1A040] =	vst v63  }
0x45: {  	_ =	swait.ge [sflag:s12], $0x1400  }
0x46: {  	[sflag:s12] =	ssyncset.done $0x0  }
0x47: {  	s19 =	simm.s32 $0x280;
	[sflag:s12] =	ssyncadd.s32 $0xFFFFEC00  }
0x48: {  	[tilespmem:s20], [sflag:$0x4] =	stream.indirect.gather [hbm4b:s8+s14], $0x40, s19, s14, $0xb8;
	[tilespmem:$0x1A040] =	vst v63  }
0x49: {  	_ =	swait.ge [sflag:s28], $0x1400  }
0x4a: {  	[sflag:s28] =	ssyncset.done $0x0  }
0x4b: {  	s21 =	simm.s32 $0x4F60;
	[sflag:s28] =	ssyncadd.s32 $0xFFFFEC00  }
0x4c: {  	[spmem:s2] =	stream.indirect.scatter.add.f32 [tilespmem:s22], [sflag:$0x6], $0x40, s21, s14, $0xb8;
	[tilespmem:$0x1A040] =	vst v63  }
0x4d: {  	_ =	swait.ge [sflag:s12], $0x1400  }
0x4e: {  	[sflag:s12] =	ssyncset.done $0x0  }
0x4f: {  	s17 =	simm.s32 $0x640;
	s19 =	simm.s32 $0x2D0;
	[sflag:s12] =	ssyncadd.s32 $0xFFFFEC00  }
.LBB2_2:
0x50: {  	[tilespmem:s22], [sflag:$0x5] =	stream.indirect.gather [hbm4b:s8+s14], $0x40, s19, s14, $0xb8;
	[tilespmem:$0x1A040] =	vst v63  }
0x51: {  	s19 =	smov.u32 s17  }
0x52: {  	p0 =	sne.s32 s17, $0x12C00;
	s17 =	sadd.s32 $0x640, s17;
	_ =	swait.ge [sflag:s23], $0x1400  }
0x53: {  	s19 =	sshra.s32 s19, $0x2;
	[sflag:s23] =	ssyncset.done $0x0  }
0x54: {  	s21 =	sadd.s32 $0x4E20, s19;
	[sflag:s23] =	ssyncadd.s32 $0xFFFFEC00  }
0x55: {  	[spmem:s2] =	stream.indirect.scatter.add.f32 [tilespmem:s15], [sflag:$0x6], $0x40, s21, s14, $0xb8;
	[tilespmem:$0x1A040] =	vst v63  }
0x56: {  	_ =	swait.ge [sflag:s12], $0x1400  }
0x57: {  	[sflag:s12] =	ssyncset.done $0x0  }
0x58: {  	s21 =	sadd.s32 $0x190, s19;
	[sflag:s12] =	ssyncadd.s32 $0xFFFFEC00  }
0x59: {  	[tilespmem:s15], [sflag:$0x1] =	stream.indirect.gather [hbm4b:s8+s14], $0x40, s21, s14, $0xb8;
	[tilespmem:$0x1A040] =	vst v63  }
0x5a: {  	_ =	swait.ge [sflag:s24], $0x1400  }
0x5b: {  	[sflag:s24] =	ssyncset.done $0x0  }
0x5c: {  	s21 =	sadd.s32 $0x4E70, s19;
	[sflag:s24] =	ssyncadd.s32 $0xFFFFEC00  }
0x5d: {  	[spmem:s2] =	stream.indirect.scatter.add.f32 [tilespmem:s16], [sflag:$0x6], $0x40, s21, s14, $0xb8;
	[tilespmem:$0x1A040] =	vst v63  }
0x5e: {  	_ =	swait.ge [sflag:s12], $0x1400  }
0x5f: {  	[sflag:s12] =	ssyncset.done $0x0  }
0x60: {  	s21 =	sadd.s32 $0x1E0, s19;
	[sflag:s12] =	ssyncadd.s32 $0xFFFFEC00  }
0x61: {  	[tilespmem:s16], [sflag:$0x2] =	stream.indirect.gather [hbm4b:s8+s14], $0x40, s21, s14, $0xb8;
	[tilespmem:$0x1A040] =	vst v63  }
0x62: {  	_ =	swait.ge [sflag:s25], $0x1400  }
0x63: {  	[sflag:s25] =	ssyncset.done $0x0  }
0x64: {  	s21 =	sadd.s32 $0x4EC0, s19;
	[sflag:s25] =	ssyncadd.s32 $0xFFFFEC00  }
0x65: {  	[spmem:s2] =	stream.indirect.scatter.add.f32 [tilespmem:s18], [sflag:$0x6], $0x40, s21, s14, $0xb8;
	[tilespmem:$0x1A040] =	vst v63  }
0x66: {  	_ =	swait.ge [sflag:s12], $0x1400  }
0x67: {  	[sflag:s12] =	ssyncset.done $0x0  }
0x68: {  	s21 =	sadd.s32 $0x230, s19;
	[sflag:s12] =	ssyncadd.s32 $0xFFFFEC00  }
0x69: {  	[tilespmem:s18], [sflag:$0x3] =	stream.indirect.gather [hbm4b:s8+s14], $0x40, s21, s14, $0xb8;
	[tilespmem:$0x1A040] =	vst v63  }
0x6a: {  	_ =	swait.ge [sflag:s26], $0x1400  }
0x6b: {  	[sflag:s26] =	ssyncset.done $0x0  }
0x6c: {  	s21 =	sadd.s32 $0x4F10, s19;
	[sflag:s26] =	ssyncadd.s32 $0xFFFFEC00  }
0x6d: {  	[spmem:s2] =	stream.indirect.scatter.add.f32 [tilespmem:s20], [sflag:$0x6], $0x40, s21, s14, $0xb8;
	[tilespmem:$0x1A040] =	vst v63  }
0x6e: {  	_ =	swait.ge [sflag:s12], $0x1400  }
0x6f: {  	[sflag:s12] =	ssyncset.done $0x0  }
0x70: {  	s21 =	sadd.s32 $0x280, s19;
	[sflag:s12] =	ssyncadd.s32 $0xFFFFEC00  }
0x71: {  	[tilespmem:s20], [sflag:$0x4] =	stream.indirect.gather [hbm4b:s8+s14], $0x40, s21, s14, $0xb8;
	[tilespmem:$0x1A040] =	vst v63  }
0x72: {  	_ =	swait.ge [sflag:s28], $0x1400  }
0x73: {  	[sflag:s28] =	ssyncset.done $0x0  }
.Ltmp0:
0x74: {  	s21 =	sadd.s32 $0x4F60, s19;
	[sflag:s28] =	ssyncadd.s32 $0xFFFFEC00;
	(pc) =	sbr.rel @p0 .LBB2_2-.Ltmp0, $4  }
0x75: {  	[spmem:s2] =	stream.indirect.scatter.add.f32 [tilespmem:s22], [sflag:$0x6], $0x40, s21, s14, $0xb8;
	[tilespmem:$0x1A040] =	vst v63  }
0x76: {  	_ =	swait.ge [sflag:s12], $0x1400  }
0x77: {  	[sflag:s12] =	ssyncset.done $0x0  }
0x78: {  	s19 =	sadd.s32 $0x2D0, s19;
	[sflag:s12] =	ssyncadd.s32 $0xFFFFEC00  }
0x79: {  	[tilespmem:s22], [sflag:$0x5] =	stream.indirect.gather [hbm4b:s8+s14], $0x40, s19, s14, $0xb8;
	[tilespmem:$0x1A040] =	vst v63  }
0x7a: {  	_ =	swait.ge [sflag:s23], $0x1400  }
0x7b: {  	[sflag:s23] =	ssyncset.done $0x0  }
0x7c: {  	[sflag:s23] =	ssyncadd.s32 $0xFFFFEC00  }
0x7d: {  	[spmem:s2] =	stream.indirect.scatter.add.f32 [tilespmem:s15], [sflag:$0x6], $0x40, s29, s14, $0xb8;
	[tilespmem:$0x1A040] =	vst v63  }
0x7e: {  	_ =	swait.ge [sflag:s12], $0x1400  }
0x7f: {  	[sflag:s12] =	ssyncset.done $0x0  }
0x80: {  	[sflag:s12] =	ssyncadd.s32 $0xFFFFEC00  }
0x81: {  	_ =	swait.ge [sflag:s24], $0x1400  }
0x82: {  	[sflag:s24] =	ssyncset.done $0x0  }
0x83: {  	[sflag:s24] =	ssyncadd.s32 $0xFFFFEC00  }
0x84: {  	[spmem:s2] =	stream.indirect.scatter.add.f32 [tilespmem:s16], [sflag:$0x6], $0x40, s30, s14, $0xb8;
	[tilespmem:$0x1A040] =	vst v63  }
0x85: {  	_ =	swait.ge [sflag:s12], $0x1400  }
0x86: {  	[sflag:s12] =	ssyncset.done $0x0  }
0x87: {  	[sflag:s12] =	ssyncadd.s32 $0xFFFFEC00  }
0x88: {  	_ =	swait.ge [sflag:s25], $0x1400  }
0x89: {  	[sflag:s25] =	ssyncset.done $0x0  }
0x8a: {  	[sflag:s25] =	ssyncadd.s32 $0xFFFFEC00  }
0x8b: {  	[spmem:s2] =	stream.indirect.scatter.add.f32 [tilespmem:s18], [sflag:$0x6], $0x40, s31, s14, $0xb8;
	[tilespmem:$0x1A040] =	vst v63  }
0x8c: {  	_ =	swait.ge [sflag:s12], $0x1400  }
0x8d: {  	[sflag:s12] =	ssyncset.done $0x0  }
0x8e: {  	[sflag:s12] =	ssyncadd.s32 $0xFFFFEC00  }
0x8f: {  	_ =	swait.ge [sflag:s26], $0x1400  }
0x90: {  	[sflag:s26] =	ssyncset.done $0x0  }
0x91: {  	[sflag:s26] =	ssyncadd.s32 $0xFFFFEC00  }
0x92: {  	[spmem:s2] =	stream.indirect.scatter.add.f32 [tilespmem:s20], [sflag:$0x6], $0x40, s0, s14, $0xb8;
	[tilespmem:$0x1A040] =	vst v63  }
0x93: {  	_ =	swait.ge [sflag:s12], $0x1400  }
0x94: {  	[sflag:s12] =	ssyncset.done $0x0  }
0x95: {  	[sflag:s12] =	ssyncadd.s32 $0xFFFFEC00  }
0x96: {  	_ =	swait.ge [sflag:s28], $0x1400  }
0x97: {  	[sflag:s28] =	ssyncset.done $0x0  }
0x98: {  	[sflag:s28] =	ssyncadd.s32 $0xFFFFEC00  }
0x99: {  	[spmem:s2] =	stream.indirect.scatter.add.f32 [tilespmem:s22], [sflag:$0x6], $0x40, s1, s14, $0xb8;
	[tilespmem:$0x1A040] =	vst v63  }
0x9a: {  	_ =	swait.ge [sflag:s12], $0x1400  }
0x9b: {  	s13 =	sadd.s32 $0x1, s13;
	[sflag:s12] =	ssyncset.done $0x0  }
0x9c: {  	p0 =	sne.s32 s13, s10;
	[sflag:s12] =	ssyncadd.s32 $0xFFFFEC00  }
.Ltmp1:
0x9d: {  	[bflag:$0x0] =	sbarrier.arrive $0xFFFF;
	(pc) =	sbr.rel @p0 .LBB2_1-.Ltmp1, $4  }
0x9e: {  	[hbm:s9], [sflag:s5] =	dma.local [spmem:s11], $0x1400  }
0x9f: {  	_ =	swait.ge [sflag:s12], $0x1400  }
0xa0: {  	[sflag:s12] =	ssyncset.done $0x0  }
0xa1: {  	[sflag:s12] =	ssyncadd.s32 $0xFFFFEC00  }
0xa2: {  	_ =	sfence.sel $0x180000  }
0xa3: {  	[bflag:$0x0] =	sbarrier.arrive $0xFFFF  }
0xa4: {  	_ =	strace $0x9000004A  }
0xa5: {  	s0 =	stileid.u32;
	[bflag:$0x2] =	sbarrier.arrive $0xFFFF  }
0xa6: {  	p0 =	sne.s32 s0, $0x0;
	s0 =	rddreg [dreg:$0x3]  }
0xa7: {  	s0 =	sadd.s32 @!p0 $0x100000, s0  }
0xa8: {  	[sflag:s0] =	ssyncadd.tile.s32 @!p0 $0x1;
	_ =	shalt  }
.Lfunc_end2:
_tile_overlayer_lowered:
.L_overlay_start_2:
0xa9: {  	(tag) =	ssettag $0x2  }
0xaa: {  	s0 =	rddreg [dreg:$0x0];
	s2 =	stileid.u32  }
0xab: {  	s1 =	rddreg [dreg:$0x1];
	p0 =	sne.s32 s2, $0x0  }
0xac: {  	s3 =	rddreg [dreg:$0x2];
	[bflag:$0x3] =	sbarrier.arrive $0xFFFF;
	s2 =	simm.s32 @!p0 $0x1C06  }
0xad: {  	[timem:s3], [sflag:s2] =	dma.local @!p0 [hbm:s0], s1  }
0xae: {  	s0 =	simm.s32 @!p0 $0x6  }
0xaf: {  	_ =	swait.ge @!p0 [sflag:s0], s1  }
0xb0: {  	s1 =	ssub.s32 @!p0 $0x0, s1;
	[sflag:s0] =	ssyncset.done @!p0 $0x0  }
0xb1: {  	[sflag:s0] =	ssyncadd.s32 @!p0 s1  }
0xb2: {  	[bflag:$0x3] =	sbarrier.arrive $0xFFFF  }
0xb3: {  	_ =	shalt  }

// kernel: kernel.14.cloned.1.call-start
scs
__scs_entry_jumppad:
0x0: {  	(pc) =	sbr.rel $0x88, $3  }
0x1: {  	(tag) =	ssettag $0x0;
	lr =	simm.s32 $0x1  }
0x2: {  	[smem:$0x3F9B] =	sst lr;
	_ =	strace $0xD0000000  }
0x3: {  	_ = 	snop  }
0x4: {  	_ = 	snop  }
0x5: {  	_ = 	snop  }
0x6: {  	_ = 	snop  }
0x7: {  	_ = 	snop  }
__scs_overlays_trampoline_lowered:
0x8: {  	[smem:$0x3FAA] =	sst s0  }
0x9: {  	[smem:$0x3FAB] =	sst s1  }
0xa: {  	[smem:$0x3FAC] =	sst s2  }
0xb: {  	[smem:$0x3FAD] =	sst s3  }
0xc: {  	[smem:$0x3FAE] =	sst s4  }
0xd: {  	[smem:$0x3FAF] =	sst s5  }
0xe: {  	[smem:$0x3FB0] =	sst s6  }
0xf: {  	[smem:$0x3FB1] =	sst s7  }
0x10: {  	[smem:$0x3FB2] =	sst s8  }
0x11: {  	[smem:$0x3FB3] =	sst s9;
	s0 =	simm.s32 @!p0 $0x0  }
0x12: {  	s1 =	sld [smem:$0x3F99];
	s0 =	simm.s32 @p0 $0x1  }
0x13: {  	[smem:$0x3FB4] =	sst s0;
	s0 =	simm.s32 @!p1 $0x0  }
0x14: {  	s2 =	sld [smem:$0x3F98];
	s0 =	simm.s32 @p1 $0x1  }
0x15: {  	[smem:$0x3FB5] =	sst s0;
	s0 =	simm.s32 @!p2 $0x0  }
0x16: {  	s3 =	sld [smem:$0x3FDB];
	s0 =	simm.s32 @p2 $0x1  }
0x17: {  	s4 =	simm.s32 $0x1BF5;
	[smem:$0x3FB7] =	sst s0  }
0x18: {  	s0 =	sld [smem:$0x3F9A];
	_ =	swait.ge [sflag:s4], $0x0  }
0x19: {  	s7 =	sld [smem:$0x3F9B]  }
0x1a: {  	s8 =	sadd.s32 $0xFFFFE003, lr  }
0x1b: {  	s9 =	sadd.s32 $0xFFFFFEF7, lr;
	s5 =	simm.s32 $0xFFFFFFFF;
	p2 =	slt.u32 s8, $0xFFFFF086  }
0x1c: {  	p1 =	slt.u32 s9, $0xF7A;
	s5 =	simm.s32 @!p2 $0x0  }
0x1d: {  	s5 =	simm.s32 @p1 $0x1;
	p0 =	seq.s32 s7, s2  }
0x1e: {  	s7 =	smul.u32 @!p0 $0xF7A, s2;
	p2 =	seq.s32 @!p0 s5, $0x0  }
0x1f: {  	s9 =	smul.u32 $0xF7A, s1;
	s8 =	simm.s32 @!p0 $0x1BF5;
	p2 =	por !p2, p0  }
0x20: {  	[sflag:s8] =	ssyncset.s32 @!p0 $0xFFFFF086;
	s6 =	sadd.s32 @!p0 s3, s7;
	s7 =	simm.s32 @!p0 $0x108  }
0x21: {  	s3 =	sadd.s32 s3, s9;
	s6 =	sadd.s32 @!p0 $0x88, s6;
	s7 =	simm.s32 @p2 $0x1082  }
0x22: {  	[simem:s7], [sflag:s8] =	dma.local @!p0 [hbm:s6], $0xF7A  }
0x23: {  	s9 =	sor.u32 $0xD0000000, s2;
	s6 =	simm.s32 $0x108;
	_ =	swait.ge @!p0 [sflag:s8], $0x0  }
0x24: {  	s3 =	sadd.s32 $0x88, s3;
	s6 =	simm.s32 @!p1 $0x1082;
	[sflag:s4] =	ssyncset.s32 $0xFFFFF086  }
0x25: {  	[simem:s6], [sflag:s4] =	dma.local [hbm:s3], $0xF7A  }
0x26: {  	[smem:$0x3F9B] =	sst s1;
	(tag) =	ssettag s2;
	_ =	strace s9  }
0x27: {  	s1 =	sld [smem:$0x3FAB]  }
0x28: {  	s2 =	sld [smem:$0x3FAC]  }
0x29: {  	s4 =	sld [smem:$0x3FAE]  }
0x2a: {  	p0 =	seq.s32 s5, $0x0;
	s5 =	sld [smem:$0x3FAF]  }
0x2b: {  	s6 =	sld [smem:$0x3FB0]  }
0x2c: {  	s7 =	sld [smem:$0x3FB1]  }
0x2d: {  	s3 =	simm.s32 $0x108;
	s8 =	sld [smem:$0x3FB2]  }
0x2e: {  	s3 =	simm.s32 @!p0 $0x1082;
	s9 =	sld [smem:$0x3FB3]  }
0x2f: {  	lr =	sadd.s32 s0, s3;
	s0 =	sld [smem:$0x3FAA]  }
0x30: {  	s3 =	sld [smem:$0x3FAD]  }
0x31: {  	[smem:$0x3FB6] =	sst s10  }
0x32: {  	s10 =	sld [smem:$0x3FB4];
	_ =	sdelay $0x3  }
0x33: {  	p0 =	seq.s32 s10, $0x1;
	s10 =	sld [smem:$0x3FB6];
	_ =	sdelay $0x3  }
0x34: {  	[smem:$0x3FB6] =	sst s10  }
0x35: {  	s10 =	sld [smem:$0x3FB5];
	_ =	sdelay $0x3  }
0x36: {  	p1 =	seq.s32 s10, $0x1;
	s10 =	sld [smem:$0x3FB6];
	_ =	sdelay $0x3  }
0x37: {  	[smem:$0x3FB6] =	sst s10  }
0x38: {  	s10 =	sld [smem:$0x3FB7]  }
0x39: {  	_ = 	snop;
	(pc) =	sbr.ind lr, $3  }
0x3a: {  	_ = 	snop  }
0x3b: {  	_ = 	snop  }
0x3c: {  	p2 =	seq.s32 s10, $0x1;
	s10 =	sld [smem:$0x3FB6]  }
0x3d: {  	_ =	shalt  }
0x3e: {  	_ =	shalt  }
0x3f: {  	_ =	shalt  }
0x40: {  	_ =	shalt  }
0x41: {  	_ =	shalt  }
0x42: {  	_ =	shalt  }
0x43: {  	_ =	shalt  }
0x44: {  	_ =	shalt  }
0x45: {  	_ =	shalt  }
0x46: {  	_ =	shalt  }
0x47: {  	_ =	shalt  }
0x48: {  	_ =	shalt  }
0x49: {  	_ =	shalt  }
0x4a: {  	_ =	shalt  }
0x4b: {  	_ =	shalt  }
0x4c: {  	_ =	shalt  }
0x4d: {  	_ =	shalt  }
0x4e: {  	_ =	shalt  }
0x4f: {  	_ =	shalt  }
0x50: {  	_ =	shalt  }
0x51: {  	_ =	shalt  }
0x52: {  	_ =	shalt  }
0x53: {  	_ =	shalt  }
0x54: {  	_ =	shalt  }
0x55: {  	_ =	shalt  }
0x56: {  	_ =	shalt  }
0x57: {  	_ =	shalt  }
0x58: {  	_ =	shalt  }
0x59: {  	_ =	shalt  }
0x5a: {  	_ =	shalt  }
0x5b: {  	_ =	shalt  }
0x5c: {  	_ =	shalt  }
0x5d: {  	_ =	shalt  }
0x5e: {  	_ =	shalt  }
0x5f: {  	_ =	shalt  }
0x60: {  	_ =	shalt  }
0x61: {  	_ =	shalt  }
0x62: {  	_ =	shalt  }
0x63: {  	_ =	shalt  }
0x64: {  	_ =	shalt  }
0x65: {  	_ =	shalt  }
0x66: {  	_ =	shalt  }
0x67: {  	_ =	shalt  }
0x68: {  	_ =	shalt  }
0x69: {  	_ =	shalt  }
0x6a: {  	_ =	shalt  }
0x6b: {  	_ =	shalt  }
0x6c: {  	_ =	shalt  }
0x6d: {  	_ =	shalt  }
0x6e: {  	_ =	shalt  }
0x6f: {  	_ =	shalt  }
0x70: {  	_ =	shalt  }
0x71: {  	_ =	shalt  }
0x72: {  	_ =	shalt  }
0x73: {  	_ =	shalt  }
0x74: {  	_ =	shalt  }
0x75: {  	_ =	shalt  }
0x76: {  	_ =	shalt  }
0x77: {  	_ =	shalt  }
0x78: {  	_ =	shalt  }
0x79: {  	_ =	shalt  }
0x7a: {  	_ =	shalt  }
0x7b: {  	_ =	shalt  }
0x7c: {  	_ =	shalt  }
0x7d: {  	_ =	shalt  }
0x7e: {  	_ =	shalt  }
0x7f: {  	_ =	shalt  }
0x80: {  	_ =	shalt  }
0x81: {  	_ =	shalt  }
0x82: {  	_ =	shalt  }
0x83: {  	_ =	shalt  }
0x84: {  	_ =	shalt  }
0x85: {  	_ =	shalt  }
0x86: {  	_ =	shalt  }
0x87: {  	_ =	shalt  }
.Lfunc_end0:
.L_simem_size_0:
called_computation.2_lowered:
.L_overlay_start_0:
0x88: {  	s2 =	sld [smem:$0x3FD9]  }
0x89: {  	s3 =	sld [smem:$0x3FFE];
	_ =	sdelay $0x1  }
0x8a: {  	s1 =	srdreg.scid  }
0x8b: {  	s0 =	sand.u32 $0x1, s1  }
0x8c: {  	s17 =	sshll.u32 s0, $0xA;
	s2 =	sadd.s32 s3, s2  }
0x8d: {  	s2 =	sadd.s32 s2, s17  }
0x8e: {  	[smem:$0x3FC2] =	sst s2  }
0x8f: {  	_ = 	snop  }
0x90: {  	s2 =	sld [smem:$0x3FD0];
	(tm) =	ssettm $0x1  }
0x91: {  	s18 =	sld [smem:$0x3FFB];
	_ =	sdelay $0x3  }
0x92: {  	_ =	strace s18  }
0x93: {  	s3 =	sld [smem:$0x3FFC];
	_ =	sdelay $0x3  }
0x94: {  	_ =	strace s3  }
0x95: {  	s3 =	sld [smem:$0x3FFD];
	_ =	sdelay $0x3  }
0x96: {  	_ =	strace s3  }
0x97: {  	_ =	strace $0x8FFFFFFF  }
0x98: {  	s19 =	sld [smem:$0x3FDB];
	_ =	sdelay $0x1  }
0x99: {  	s4 =	simm.s32 $_scs_section_size  }
0x9a: {  	s5 =	simm.s32 $_size__tile_overlayer_lowered;
	s6 =	simm.s32 $_tile_overlayer_lowered  }
0x9b: {  	s22 =	simm.s32 $0x1BFF;
	s21 =	sshll.u32 s6, $0x1;
	s3 =	sadd.s32 s4, s19  }
0x9c: {  	s7 =	simm.s32 $0x0;
	s20 =	sshll.u32 s5, $0x1;
	s5 =	sadd.s32 s21, s3  }
0x9d: {  	[timem:s7], [sflag:s22] =	dma.local [hbm:s5], s20  }
0x9e: {  	_ =	swait.ge [sflag:s22], s20  }
0x9f: {  	s4 =	ssub.s32 $0x0, s20;
	[sflag:s22] =	ssyncset.done $0x0  }
0xa0: {  	[sflag:s22] =	ssyncadd.s32 s4;
	_ =	sdelay $0x1  }
0xa1: {  	s23 =	simm.s32 $0x1B8B  }
0xa2: {  	_ =	swait.ge [sflag:s23], $0x1  }
0xa3: {  	[sflag:s23] =	ssyncset.done $0x0  }
0xa4: {  	s25 =	simm.s32 $0x1B8E;
	s24 =	sld [smem:$0x3FFE];
	[sflag:s23] =	ssyncadd.s32 $0xFFFFFFFF  }
0xa5: {  	s26 =	simm.s32 $execute0_lowered;
	[smem:$0x3FD2] =	sst s25  }
0xa6: {  	s5 =	sshll.u32 s26, $0x1;
	_ =	strace $0x8000004C;
	[dreg:$0x1] =	wrdreg $0xFFFFFFFF  }
0xa7: {  	s28 =	simm.s32 $_size_execute0_lowered;
	s3 =	sadd.s32 s3, s5;
	[dreg:$0x0] =	wrdreg $0x0  }
0xa8: {  	s5 =	sshll.u32 s28, $0x1;
	[dreg:$0x2] =	wrdreg s3  }
0xa9: {  	[dreg:$0x3] =	wrdreg s5  }
0xaa: {  	[dreg:$0x4] =	wrdreg $0xC0  }
0xab: {  	_ =	task [dreg:s7], $0x5FFFF  }
0xac: {  	[dreg:$0x1] =	wrdreg $0xFFFFFFFF  }
0xad: {  	[dreg:$0x0] =	wrdreg $0x60  }
0xae: {  	[dreg:$0x2] =	wrdreg s24  }
0xaf: {  	[dreg:$0x3] =	wrdreg s2  }
0xb0: {  	[dreg:$0x4] =	wrdreg $0xB2200  }
0xb1: {  	[dreg:$0x5] =	wrdreg $0x9  }
0xb2: {  	_ =	task.clear_ibuf [dreg:s7], $0x6FFFF;
	_ =	strace $0x9000004C  }
0xb3: {  	s29 =	simm.s32 $0x9;
	_ =	strace $0x8000004E  }
0xb4: {  	_ =	swait.ge [sflag:s29], $0x1  }
0xb5: {  	[sflag:s29] =	ssyncadd.s32 $0xFFFFFFFF  }
0xb6: {  	_ =	strace $0x9000004E  }
0xb7: {  	_ =	sfence  }
0xb8: {  	s30 =	sld [smem:$0x0];
	_ =	sdelay $0x2  }
0xb9: {  	s31 =	sshll.u32 s1, $0xD;
	s1 =	sshrl.u32 s1, $0x2  }
0xba: {  	s3 =	sand.u32 $0x4000, s31;
	s1 =	sadd.s32 s1, s30  }
0xbb: {  	s0 =	sor.u32 s3, s0;
	s1 =	sshll.u32 s1, $0x11  }
0xbc: {  	s0 =	sor.u32 s1, s0  }
0xbd: {  	s0 =	sadd.s32 $0x8F2B, s0  }
0xbe: {  	[sflag:s0] =	ssyncadd.remote.s32 $0x1  }
0xbf: {  	_ =	sfence.sel $0xFFFF  }
0xc0: {  	[dreg:$0x0] =	wrdreg $0xFFFFFFFF;
	(pc) =	sbr.abs _section_cstart, $3  }
0xc1: {  	[dreg:$0x1] =	wrdreg $0xFFFFFFFF  }
0xc2: {  	_ =	task.clear_ibuf [dreg:s7], $0x2FFFF;
	_ =	strace $0x9FFFFFFF  }
0xc3: {  	(tm) =	ssettm $0x7FFFFFFF  }
tec
execute0_lowered:
.L_overlay_start_1:
0x0: {  	(tag) =	ssettag $0x1  }
0x1: {  	s0 =	rddreg [dreg:$0x0]  }
0x2: {  	s1 =	rddreg [dreg:$0x1]  }
0x3: {  	s2 =	rddreg [dreg:$0x2]  }
0x4: {  	s3 =	srdreg.scid;
	s10 =	stileid.u32  }
0x5: {  	s14 =	simm.s32 $0x50;
	s15 =	simm.s32 $0x4E20;
	s16 =	simm.s32 $0x6220  }
0x6: {  	s18 =	simm.s32 $0x7620;
	s20 =	simm.s32 $0x8A20;
	s22 =	simm.s32 $0x9E20  }
0x7: {  	s23 =	simm.s32 $0x1;
	s28 =	simm.s32 $0x5;
	s29 =	simm.s32 $0x4C90  }
0x8: {  	s30 =	simm.s32 $0x4CE0;
	s31 =	simm.s32 $0x4D30;
	s5 =	sand.u32 $0x1, s3  }
0x9: {  	s7 =	smul.u32 $0xA000, s10;
	s3 =	simm.s32 $0x0;
	s26 =	sshll.u32 s10, $0x6  }
0xa: {  	s4 =	smul.u32 $0xA0000, s5;
	s6 =	sshll.u32 s5, $0x4;
	[smem:$0x7FF] =	sst s3  }
0xb: {  	s5 =	ssub.s32 $0x2, s5;
	s12 =	sor.u32 $0x1C06, s26;
	s26 =	simm.s32 $0x4  }
0xc: {  	s6 =	sor.u32 s10, s6;
	_ =	strace $0x8000004D;
	s24 =	sshrl.u32 s5, $0x1  }
0xd: {  	s25 =	sshrl.u32 s7, $0x3;
	s11 =	sadd.s32 s7, s2;
	s10 =	simm.s32 $0x6  }
0xe: {  	s8 =	sadd.s32 s7, s4;
	s6 =	smul.u32 $0x2710, s6;
	s4 =	sadd.s32 $0x1C00, s0  }
0xf: {  	s9 =	ssub.s32 s5, s24;
	s13 =	sshrl.u32 s11, $0x3;
	s24 =	simm.s32 $0x2  }
0x10: {  	s11 =	simm.s32 $0x0;
	s8 =	sshrl.u32 s8, $0x3;
	s7 =	sadd.s32 s4, s25  }
0x11: {  	s9 =	smax.u32 s9, $0x1;
	s0 =	sadd.s32 s8, s0;
	s6 =	sshrl.u32 s6, $0x3  }
0x12: {  	s25 =	simm.s32 $0x3;
	s5 =	sadd.s32 s1, s6;
	s8 =	sadd.s32 $0x15C00, s0  }
0x13: {  	s0 =	simm.s32 $0x4D80;
	s1 =	simm.s32 $0x4DD0;
	s6 =	sadd.s32 $0x9C40, s5  }
.LBB2_1:
0x14: {  	[tilespmem:s3], [sflag:$0x6] =	stream.linear.gather [hbm4b:s5+s3], $0x2710, $0x38;
	[tilespmem:$0x15220] =	vst v63  }
0x15: {  	_ =	swait.ge [sflag:s10], $0x2710  }
0x16: {  	[sflag:s10] =	ssyncset.done $0x0  }
0x17: {  	s17 =	simm.s32 $0x2710;
	[sflag:s10] =	ssyncadd.s32 $0xFFFFD8F0  }
0x18: {  	[tilespmem:s17], [sflag:$0x6] =	stream.linear.gather [hbm4b:s6+s3], $0x2710, $0x38;
	[tilespmem:$0x15220] =	vst v63  }
0x19: {  	_ =	swait.ge [sflag:s10], $0x2710  }
0x1a: {  	[sflag:s10] =	ssyncset.done $0x0  }
0x1b: {  	[sflag:s10] =	ssyncadd.s32 $0xFFFFD8F0  }
0x1c: {  	[spmem:s13], [sflag:s12] =	dma.local [hbm:s7], $0x1400  }
0x1d: {  	_ =	swait.ge [sflag:s10], $0x1400  }
0x1e: {  	[sflag:s10] =	ssyncset.done $0x0  }
0x1f: {  	[sflag:s10] =	ssyncadd.s32 $0xFFFFEC00  }
0x20: {  	[bflag:$0x0] =	sbarrier.arrive $0xFFFF  }
0x21: {  	[tilespmem:s15], [sflag:$0x1] =	stream.indirect.gather [hbm4b:s4+s14], $0x40, s3, s14, $0xb8;
	[tilespmem:$0x15220] =	vst v63  }
0x22: {  	_ = 	snop  }
0x23: {  	[tilespmem:s16], [sflag:$0x2] =	stream.indirect.gather [hbm4b:s4+s14], $0x40, s14, s14, $0xb8;
	[tilespmem:$0x15220] =	vst v63  }
0x24: {  	s19 =	simm.s32 $0xA0  }
0x25: {  	[tilespmem:s18], [sflag:$0x3] =	stream.indirect.gather [hbm4b:s4+s14], $0x40, s19, s14, $0xb8;
	[tilespmem:$0x15220] =	vst v63  }
0x26: {  	s21 =	simm.s32 $0xF0  }
0x27: {  	[tilespmem:s20], [sflag:$0x4] =	stream.indirect.gather [hbm4b:s4+s14], $0x40, s21, s14, $0xb8;
	[tilespmem:$0x15220] =	vst v63  }
0x28: {  	s19 =	simm.s32 $0x140  }
0x29: {  	[tilespmem:s22], [sflag:$0x5] =	stream.indirect.gather [hbm4b:s4+s14], $0x40, s19, s14, $0xb8;
	[tilespmem:$0x15220] =	vst v63  }
0x2a: {  	_ =	swait.ge [sflag:s23], $0x1400  }
0x2b: {  	[sflag:s23] =	ssyncset.done $0x0  }
0x2c: {  	s21 =	simm.s32 $0x2710;
	[sflag:s23] =	ssyncadd.s32 $0xFFFFEC00  }
0x2d: {  	[spmem:s2] =	stream.indirect.scatter.add.f32 [tilespmem:s15], [sflag:$0x6], $0x40, s21, s14, $0xb8;
	[tilespmem:$0x15220] =	vst v63  }
0x2e: {  	_ =	swait.ge [sflag:s10], $0x1400  }
0x2f: {  	[sflag:s10] =	ssyncset.done $0x0  }
0x30: {  	s19 =	simm.s32 $0x190;
	[sflag:s10] =	ssyncadd.s32 $0xFFFFEC00  }
0x31: {  	[tilespmem:s15], [sflag:$0x1] =	stream.indirect.gather [hbm4b:s4+s14], $0x40, s19, s14, $0xb8;
	[tilespmem:$0x15220] =	vst v63  }
0x32: {  	_ =	swait.ge [sflag:s24], $0x1400  }
0x33: {  	[sflag:s24] =	ssyncset.done $0x0  }
0x34: {  	s21 =	simm.s32 $0x2760;
	[sflag:s24] =	ssyncadd.s32 $0xFFFFEC00  }
0x35: {  	[spmem:s2] =	stream.indirect.scatter.add.f32 [tilespmem:s16], [sflag:$0x6], $0x40, s21, s14, $0xb8;
	[tilespmem:$0x15220] =	vst v63  }
0x36: {  	_ =	swait.ge [sflag:s10], $0x1400  }
0x37: {  	[sflag:s10] =	ssyncset.done $0x0  }
0x38: {  	s19 =	simm.s32 $0x1E0;
	[sflag:s10] =	ssyncadd.s32 $0xFFFFEC00  }
0x39: {  	[tilespmem:s16], [sflag:$0x2] =	stream.indirect.gather [hbm4b:s4+s14], $0x40, s19, s14, $0xb8;
	[tilespmem:$0x15220] =	vst v63  }
0x3a: {  	_ =	swait.ge [sflag:s25], $0x1400  }
0x3b: {  	[sflag:s25] =	ssyncset.done $0x0  }
0x3c: {  	s21 =	simm.s32 $0x27B0;
	[sflag:s25] =	ssyncadd.s32 $0xFFFFEC00  }
0x3d: {  	[spmem:s2] =	stream.indirect.scatter.add.f32 [tilespmem:s18], [sflag:$0x6], $0x40, s21, s14, $0xb8;
	[tilespmem:$0x15220] =	vst v63  }
0x3e: {  	_ =	swait.ge [sflag:s10], $0x1400  }
0x3f: {  	[sflag:s10] =	ssyncset.done $0x0  }
0x40: {  	s19 =	simm.s32 $0x230;
	[sflag:s10] =	ssyncadd.s32 $0xFFFFEC00  }
0x41: {  	[tilespmem:s18], [sflag:$0x3] =	stream.indirect.gather [hbm4b:s4+s14], $0x40, s19, s14, $0xb8;
	[tilespmem:$0x15220] =	vst v63  }
0x42: {  	_ =	swait.ge [sflag:s26], $0x1400  }
0x43: {  	[sflag:s26] =	ssyncset.done $0x0  }
0x44: {  	s21 =	simm.s32 $0x2800;
	[sflag:s26] =	ssyncadd.s32 $0xFFFFEC00  }
0x45: {  	[spmem:s2] =	stream.indirect.scatter.add.f32 [tilespmem:s20], [sflag:$0x6], $0x40, s21, s14, $0xb8;
	[tilespmem:$0x15220] =	vst v63  }
0x46: {  	_ =	swait.ge [sflag:s10], $0x1400  }
0x47: {  	[sflag:s10] =	ssyncset.done $0x0  }
0x48: {  	s19 =	simm.s32 $0x280;
	[sflag:s10] =	ssyncadd.s32 $0xFFFFEC00  }
0x49: {  	[tilespmem:s20], [sflag:$0x4] =	stream.indirect.gather [hbm4b:s4+s14], $0x40, s19, s14, $0xb8;
	[tilespmem:$0x15220] =	vst v63  }
0x4a: {  	_ =	swait.ge [sflag:s28], $0x1400  }
0x4b: {  	[sflag:s28] =	ssyncset.done $0x0  }
0x4c: {  	s21 =	simm.s32 $0x2850;
	[sflag:s28] =	ssyncadd.s32 $0xFFFFEC00  }
0x4d: {  	[spmem:s2] =	stream.indirect.scatter.add.f32 [tilespmem:s22], [sflag:$0x6], $0x40, s21, s14, $0xb8;
	[tilespmem:$0x15220] =	vst v63  }
0x4e: {  	_ =	swait.ge [sflag:s10], $0x1400  }
0x4f: {  	[sflag:s10] =	ssyncset.done $0x0  }
0x50: {  	s17 =	simm.s32 $0x640;
	s19 =	simm.s32 $0x2D0;
	[sflag:s10] =	ssyncadd.s32 $0xFFFFEC00  }
.LBB2_2:
0x51: {  	[tilespmem:s22], [sflag:$0x5] =	stream.indirect.gather [hbm4b:s4+s14], $0x40, s19, s14, $0xb8;
	[tilespmem:$0x15220] =	vst v63  }
0x52: {  	s19 =	smov.u32 s17  }
0x53: {  	p0 =	sne.s32 s17, $0x8FC0;
	s17 =	sadd.s32 $0x640, s17;
	_ =	swait.ge [sflag:s23], $0x1400  }
0x54: {  	s19 =	sshra.s32 s19, $0x2;
	[sflag:s23] =	ssyncset.done $0x0  }
0x55: {  	s21 =	sadd.s32 $0x2710, s19;
	[sflag:s23] =	ssyncadd.s32 $0xFFFFEC00  }
0x56: {  	[spmem:s2] =	stream.indirect.scatter.add.f32 [tilespmem:s15], [sflag:$0x6], $0x40, s21, s14, $0xb8;
	[tilespmem:$0x15220] =	vst v63  }
0x57: {  	_ =	swait.ge [sflag:s10], $0x1400  }
0x58: {  	[sflag:s10] =	ssyncset.done $0x0  }
0x59: {  	s21 =	sadd.s32 $0x190, s19;
	[sflag:s10] =	ssyncadd.s32 $0xFFFFEC00  }
0x5a: {  	[tilespmem:s15], [sflag:$0x1] =	stream.indirect.gather [hbm4b:s4+s14], $0x40, s21, s14, $0xb8;
	[tilespmem:$0x15220] =	vst v63  }
0x5b: {  	_ =	swait.ge [sflag:s24], $0x1400  }
0x5c: {  	[sflag:s24] =	ssyncset.done $0x0  }
0x5d: {  	s21 =	sadd.s32 $0x2760, s19;
	[sflag:s24] =	ssyncadd.s32 $0xFFFFEC00  }
0x5e: {  	[spmem:s2] =	stream.indirect.scatter.add.f32 [tilespmem:s16], [sflag:$0x6], $0x40, s21, s14, $0xb8;
	[tilespmem:$0x15220] =	vst v63  }
0x5f: {  	_ =	swait.ge [sflag:s10], $0x1400  }
0x60: {  	[sflag:s10] =	ssyncset.done $0x0  }
0x61: {  	s21 =	sadd.s32 $0x1E0, s19;
	[sflag:s10] =	ssyncadd.s32 $0xFFFFEC00  }
0x62: {  	[tilespmem:s16], [sflag:$0x2] =	stream.indirect.gather [hbm4b:s4+s14], $0x40, s21, s14, $0xb8;
	[tilespmem:$0x15220] =	vst v63  }
0x63: {  	_ =	swait.ge [sflag:s25], $0x1400  }
0x64: {  	[sflag:s25] =	ssyncset.done $0x0  }
0x65: {  	s21 =	sadd.s32 $0x27B0, s19;
	[sflag:s25] =	ssyncadd.s32 $0xFFFFEC00  }
0x66: {  	[spmem:s2] =	stream.indirect.scatter.add.f32 [tilespmem:s18], [sflag:$0x6], $0x40, s21, s14, $0xb8;
	[tilespmem:$0x15220] =	vst v63  }
0x67: {  	_ =	swait.ge [sflag:s10], $0x1400  }
0x68: {  	[sflag:s10] =	ssyncset.done $0x0  }
0x69: {  	s21 =	sadd.s32 $0x230, s19;
	[sflag:s10] =	ssyncadd.s32 $0xFFFFEC00  }
0x6a: {  	[tilespmem:s18], [sflag:$0x3] =	stream.indirect.gather [hbm4b:s4+s14], $0x40, s21, s14, $0xb8;
	[tilespmem:$0x15220] =	vst v63  }
0x6b: {  	_ =	swait.ge [sflag:s26], $0x1400  }
0x6c: {  	[sflag:s26] =	ssyncset.done $0x0  }
0x6d: {  	s21 =	sadd.s32 $0x2800, s19;
	[sflag:s26] =	ssyncadd.s32 $0xFFFFEC00  }
0x6e: {  	[spmem:s2] =	stream.indirect.scatter.add.f32 [tilespmem:s20], [sflag:$0x6], $0x40, s21, s14, $0xb8;
	[tilespmem:$0x15220] =	vst v63  }
0x6f: {  	_ =	swait.ge [sflag:s10], $0x1400  }
0x70: {  	[sflag:s10] =	ssyncset.done $0x0  }
0x71: {  	s21 =	sadd.s32 $0x280, s19;
	[sflag:s10] =	ssyncadd.s32 $0xFFFFEC00  }
0x72: {  	[tilespmem:s20], [sflag:$0x4] =	stream.indirect.gather [hbm4b:s4+s14], $0x40, s21, s14, $0xb8;
	[tilespmem:$0x15220] =	vst v63  }
0x73: {  	_ =	swait.ge [sflag:s28], $0x1400  }
0x74: {  	[sflag:s28] =	ssyncset.done $0x0  }
.Ltmp0:
0x75: {  	s21 =	sadd.s32 $0x2850, s19;
	[sflag:s28] =	ssyncadd.s32 $0xFFFFEC00;
	(pc) =	sbr.rel @p0 .LBB2_2-.Ltmp0, $4  }
0x76: {  	[spmem:s2] =	stream.indirect.scatter.add.f32 [tilespmem:s22], [sflag:$0x6], $0x40, s21, s14, $0xb8;
	[tilespmem:$0x15220] =	vst v63  }
0x77: {  	_ =	swait.ge [sflag:s10], $0x1400  }
0x78: {  	[sflag:s10] =	ssyncset.done $0x0  }
0x79: {  	s19 =	sadd.s32 $0x2D0, s19;
	[sflag:s10] =	ssyncadd.s32 $0xFFFFEC00  }
0x7a: {  	[tilespmem:s22], [sflag:$0x5] =	stream.indirect.gather [hbm4b:s4+s14], $0x40, s19, s14, $0xb8;
	[tilespmem:$0x15220] =	vst v63  }
0x7b: {  	_ =	swait.ge [sflag:s23], $0x1400  }
0x7c: {  	[sflag:s23] =	ssyncset.done $0x0  }
0x7d: {  	[sflag:s23] =	ssyncadd.s32 $0xFFFFEC00  }
0x7e: {  	[spmem:s2] =	stream.indirect.scatter.add.f32 [tilespmem:s15], [sflag:$0x6], $0x40, s29, s14, $0xb8;
	[tilespmem:$0x15220] =	vst v63  }
0x7f: {  	_ =	swait.ge [sflag:s10], $0x1400  }
0x80: {  	[sflag:s10] =	ssyncset.done $0x0  }
0x81: {  	[sflag:s10] =	ssyncadd.s32 $0xFFFFEC00  }
0x82: {  	_ =	swait.ge [sflag:s24], $0x1400  }
0x83: {  	[sflag:s24] =	ssyncset.done $0x0  }
0x84: {  	[sflag:s24] =	ssyncadd.s32 $0xFFFFEC00  }
0x85: {  	[spmem:s2] =	stream.indirect.scatter.add.f32 [tilespmem:s16], [sflag:$0x6], $0x40, s30, s14, $0xb8;
	[tilespmem:$0x15220] =	vst v63  }
0x86: {  	_ =	swait.ge [sflag:s10], $0x1400  }
0x87: {  	[sflag:s10] =	ssyncset.done $0x0  }
0x88: {  	[sflag:s10] =	ssyncadd.s32 $0xFFFFEC00  }
0x89: {  	_ =	swait.ge [sflag:s25], $0x1400  }
0x8a: {  	[sflag:s25] =	ssyncset.done $0x0  }
0x8b: {  	[sflag:s25] =	ssyncadd.s32 $0xFFFFEC00  }
0x8c: {  	[spmem:s2] =	stream.indirect.scatter.add.f32 [tilespmem:s18], [sflag:$0x6], $0x40, s31, s14, $0xb8;
	[tilespmem:$0x15220] =	vst v63  }
0x8d: {  	_ =	swait.ge [sflag:s10], $0x1400  }
0x8e: {  	[sflag:s10] =	ssyncset.done $0x0  }
0x8f: {  	[sflag:s10] =	ssyncadd.s32 $0xFFFFEC00  }
0x90: {  	_ =	swait.ge [sflag:s26], $0x1400  }
0x91: {  	[sflag:s26] =	ssyncset.done $0x0  }
0x92: {  	[sflag:s26] =	ssyncadd.s32 $0xFFFFEC00  }
0x93: {  	[spmem:s2] =	stream.indirect.scatter.add.f32 [tilespmem:s20], [sflag:$0x6], $0x40, s0, s14, $0xb8;
	[tilespmem:$0x15220] =	vst v63  }
0x94: {  	_ =	swait.ge [sflag:s10], $0x1400  }
0x95: {  	[sflag:s10] =	ssyncset.done $0x0  }
0x96: {  	[sflag:s10] =	ssyncadd.s32 $0xFFFFEC00  }
0x97: {  	_ =	swait.ge [sflag:s28], $0x1400  }
0x98: {  	[sflag:s28] =	ssyncset.done $0x0  }
0x99: {  	[sflag:s28] =	ssyncadd.s32 $0xFFFFEC00  }
0x9a: {  	[spmem:s2] =	stream.indirect.scatter.add.f32 [tilespmem:s22], [sflag:$0x6], $0x40, s1, s14, $0xb8;
	[tilespmem:$0x15220] =	vst v63  }
0x9b: {  	_ =	swait.ge [sflag:s10], $0x1400  }
0x9c: {  	s11 =	sadd.s32 $0x1, s11;
	[sflag:s10] =	ssyncset.done $0x0  }
0x9d: {  	p0 =	sne.s32 s11, s9;
	[sflag:s10] =	ssyncadd.s32 $0xFFFFEC00  }
.Ltmp1:
0x9e: {  	[bflag:$0x0] =	sbarrier.arrive $0xFFFF;
	(pc) =	sbr.rel @p0 .LBB2_1-.Ltmp1, $4  }
0x9f: {  	[hbm:s8], [sflag:s12] =	dma.local [spmem:s13], $0x1400  }
0xa0: {  	_ =	swait.ge [sflag:s10], $0x1400  }
0xa1: {  	[sflag:s10] =	ssyncset.done $0x0  }
0xa2: {  	[sflag:s10] =	ssyncadd.s32 $0xFFFFEC00  }
0xa3: {  	_ =	sfence.sel $0x180000  }
0xa4: {  	[bflag:$0x0] =	sbarrier.arrive $0xFFFF  }
0xa5: {  	_ =	strace $0x9000004D  }
0xa6: {  	s0 =	stileid.u32;
	[bflag:$0x2] =	sbarrier.arrive $0xFFFF  }
0xa7: {  	p0 =	sne.s32 s0, $0x0;
	s0 =	rddreg [dreg:$0x3]  }
0xa8: {  	s0 =	sadd.s32 @!p0 $0x100000, s0  }
0xa9: {  	[sflag:s0] =	ssyncadd.tile.s32 @!p0 $0x1;
	_ =	shalt  }
.Lfunc_end2:
_tile_overlayer_lowered:
.L_overlay_start_2:
0xaa: {  	(tag) =	ssettag $0x2  }
0xab: {  	s0 =	rddreg [dreg:$0x0];
	s2 =	stileid.u32  }
0xac: {  	s1 =	rddreg [dreg:$0x1];
	p0 =	sne.s32 s2, $0x0  }
0xad: {  	s3 =	rddreg [dreg:$0x2];
	[bflag:$0x3] =	sbarrier.arrive $0xFFFF;
	s2 =	simm.s32 @!p0 $0x1C06  }
0xae: {  	[timem:s3], [sflag:s2] =	dma.local @!p0 [hbm:s0], s1  }
0xaf: {  	s0 =	simm.s32 @!p0 $0x6  }
0xb0: {  	_ =	swait.ge @!p0 [sflag:s0], s1  }
0xb1: {  	s1 =	ssub.s32 @!p0 $0x0, s1;
	[sflag:s0] =	ssyncset.done @!p0 $0x0  }
0xb2: {  	[sflag:s0] =	ssyncadd.s32 @!p0 s1  }
0xb3: {  	[bflag:$0x3] =	sbarrier.arrive $0xFFFF  }
0xb4: {  	_ =	shalt  }

// kernel: kernel.8.cloned.1.call-start
scs
__scs_entry_jumppad:
0x0: {  	(pc) =	sbr.rel $0x88, $3  }
0x1: {  	(tag) =	ssettag $0x0;
	lr =	simm.s32 $0x1  }
0x2: {  	[smem:$0x3F9B] =	sst lr;
	_ =	strace $0xD0000000  }
0x3: {  	_ = 	snop  }
0x4: {  	_ = 	snop  }
0x5: {  	_ = 	snop  }
0x6: {  	_ = 	snop  }
0x7: {  	_ = 	snop  }
__scs_overlays_trampoline_lowered:
0x8: {  	[smem:$0x3FAA] =	sst s0  }
0x9: {  	[smem:$0x3FAB] =	sst s1  }
0xa: {  	[smem:$0x3FAC] =	sst s2  }
0xb: {  	[smem:$0x3FAD] =	sst s3  }
0xc: {  	[smem:$0x3FAE] =	sst s4  }
0xd: {  	[smem:$0x3FAF] =	sst s5  }
0xe: {  	[smem:$0x3FB0] =	sst s6  }
0xf: {  	[smem:$0x3FB1] =	sst s7  }
0x10: {  	[smem:$0x3FB2] =	sst s8  }
0x11: {  	[smem:$0x3FB3] =	sst s9;
	s0 =	simm.s32 @!p0 $0x0  }
0x12: {  	s1 =	sld [smem:$0x3F99];
	s0 =	simm.s32 @p0 $0x1  }
0x13: {  	[smem:$0x3FB4] =	sst s0;
	s0 =	simm.s32 @!p1 $0x0  }
0x14: {  	s2 =	sld [smem:$0x3F98];
	s0 =	simm.s32 @p1 $0x1  }
0x15: {  	[smem:$0x3FB5] =	sst s0;
	s0 =	simm.s32 @!p2 $0x0  }
0x16: {  	s3 =	sld [smem:$0x3FDB];
	s0 =	simm.s32 @p2 $0x1  }
0x17: {  	s4 =	simm.s32 $0x1BF5;
	[smem:$0x3FB7] =	sst s0  }
0x18: {  	s0 =	sld [smem:$0x3F9A];
	_ =	swait.ge [sflag:s4], $0x0  }
0x19: {  	s7 =	sld [smem:$0x3F9B]  }
0x1a: {  	s8 =	sadd.s32 $0xFFFFE003, lr  }
0x1b: {  	s9 =	sadd.s32 $0xFFFFFEF7, lr;
	s5 =	simm.s32 $0xFFFFFFFF;
	p2 =	slt.u32 s8, $0xFFFFF086  }
0x1c: {  	p1 =	slt.u32 s9, $0xF7A;
	s5 =	simm.s32 @!p2 $0x0  }
0x1d: {  	s5 =	simm.s32 @p1 $0x1;
	p0 =	seq.s32 s7, s2  }
0x1e: {  	s7 =	smul.u32 @!p0 $0xF7A, s2;
	p2 =	seq.s32 @!p0 s5, $0x0  }
0x1f: {  	s9 =	smul.u32 $0xF7A, s1;
	s8 =	simm.s32 @!p0 $0x1BF5;
	p2 =	por !p2, p0  }
0x20: {  	[sflag:s8] =	ssyncset.s32 @!p0 $0xFFFFF086;
	s6 =	sadd.s32 @!p0 s3, s7;
	s7 =	simm.s32 @!p0 $0x108  }
0x21: {  	s3 =	sadd.s32 s3, s9;
	s6 =	sadd.s32 @!p0 $0x88, s6;
	s7 =	simm.s32 @p2 $0x1082  }
0x22: {  	[simem:s7], [sflag:s8] =	dma.local @!p0 [hbm:s6], $0xF7A  }
0x23: {  	s9 =	sor.u32 $0xD0000000, s2;
	s6 =	simm.s32 $0x108;
	_ =	swait.ge @!p0 [sflag:s8], $0x0  }
0x24: {  	s3 =	sadd.s32 $0x88, s3;
	s6 =	simm.s32 @!p1 $0x1082;
	[sflag:s4] =	ssyncset.s32 $0xFFFFF086  }
0x25: {  	[simem:s6], [sflag:s4] =	dma.local [hbm:s3], $0xF7A  }
0x26: {  	[smem:$0x3F9B] =	sst s1;
	(tag) =	ssettag s2;
	_ =	strace s9  }
0x27: {  	s1 =	sld [smem:$0x3FAB]  }
0x28: {  	s2 =	sld [smem:$0x3FAC]  }
0x29: {  	s4 =	sld [smem:$0x3FAE]  }
0x2a: {  	p0 =	seq.s32 s5, $0x0;
	s5 =	sld [smem:$0x3FAF]  }
0x2b: {  	s6 =	sld [smem:$0x3FB0]  }
0x2c: {  	s7 =	sld [smem:$0x3FB1]  }
0x2d: {  	s3 =	simm.s32 $0x108;
	s8 =	sld [smem:$0x3FB2]  }
0x2e: {  	s3 =	simm.s32 @!p0 $0x1082;
	s9 =	sld [smem:$0x3FB3]  }
0x2f: {  	lr =	sadd.s32 s0, s3;
	s0 =	sld [smem:$0x3FAA]  }
0x30: {  	s3 =	sld [smem:$0x3FAD]  }
0x31: {  	[smem:$0x3FB6] =	sst s10  }
0x32: {  	s10 =	sld [smem:$0x3FB4];
	_ =	sdelay $0x3  }
0x33: {  	p0 =	seq.s32 s10, $0x1;
	s10 =	sld [smem:$0x3FB6];
	_ =	sdelay $0x3  }
0x34: {  	[smem:$0x3FB6] =	sst s10  }
0x35: {  	s10 =	sld [smem:$0x3FB5];
	_ =	sdelay $0x3  }
0x36: {  	p1 =	seq.s32 s10, $0x1;
	s10 =	sld [smem:$0x3FB6];
	_ =	sdelay $0x3  }
0x37: {  	[smem:$0x3FB6] =	sst s10  }
0x38: {  	s10 =	sld [smem:$0x3FB7]  }
0x39: {  	_ = 	snop;
	(pc) =	sbr.ind lr, $3  }
0x3a: {  	_ = 	snop  }
0x3b: {  	_ = 	snop  }
0x3c: {  	p2 =	seq.s32 s10, $0x1;
	s10 =	sld [smem:$0x3FB6]  }
0x3d: {  	_ =	shalt  }
0x3e: {  	_ =	shalt  }
0x3f: {  	_ =	shalt  }
0x40: {  	_ =	shalt  }
0x41: {  	_ =	shalt  }
0x42: {  	_ =	shalt  }
0x43: {  	_ =	shalt  }
0x44: {  	_ =	shalt  }
0x45: {  	_ =	shalt  }
0x46: {  	_ =	shalt  }
0x47: {  	_ =	shalt  }
0x48: {  	_ =	shalt  }
0x49: {  	_ =	shalt  }
0x4a: {  	_ =	shalt  }
0x4b: {  	_ =	shalt  }
0x4c: {  	_ =	shalt  }
0x4d: {  	_ =	shalt  }
0x4e: {  	_ =	shalt  }
0x4f: {  	_ =	shalt  }
0x50: {  	_ =	shalt  }
0x51: {  	_ =	shalt  }
0x52: {  	_ =	shalt  }
0x53: {  	_ =	shalt  }
0x54: {  	_ =	shalt  }
0x55: {  	_ =	shalt  }
0x56: {  	_ =	shalt  }
0x57: {  	_ =	shalt  }
0x58: {  	_ =	shalt  }
0x59: {  	_ =	shalt  }
0x5a: {  	_ =	shalt  }
0x5b: {  	_ =	shalt  }
0x5c: {  	_ =	shalt  }
0x5d: {  	_ =	shalt  }
0x5e: {  	_ =	shalt  }
0x5f: {  	_ =	shalt  }
0x60: {  	_ =	shalt  }
0x61: {  	_ =	shalt  }
0x62: {  	_ =	shalt  }
0x63: {  	_ =	shalt  }
0x64: {  	_ =	shalt  }
0x65: {  	_ =	shalt  }
0x66: {  	_ =	shalt  }
0x67: {  	_ =	shalt  }
0x68: {  	_ =	shalt  }
0x69: {  	_ =	shalt  }
0x6a: {  	_ =	shalt  }
0x6b: {  	_ =	shalt  }
0x6c: {  	_ =	shalt  }
0x6d: {  	_ =	shalt  }
0x6e: {  	_ =	shalt  }
0x6f: {  	_ =	shalt  }
0x70: {  	_ =	shalt  }
0x71: {  	_ =	shalt  }
0x72: {  	_ =	shalt  }
0x73: {  	_ =	shalt  }
0x74: {  	_ =	shalt  }
0x75: {  	_ =	shalt  }
0x76: {  	_ =	shalt  }
0x77: {  	_ =	shalt  }
0x78: {  	_ =	shalt  }
0x79: {  	_ =	shalt  }
0x7a: {  	_ =	shalt  }
0x7b: {  	_ =	shalt  }
0x7c: {  	_ =	shalt  }
0x7d: {  	_ =	shalt  }
0x7e: {  	_ =	shalt  }
0x7f: {  	_ =	shalt  }
0x80: {  	_ =	shalt  }
0x81: {  	_ =	shalt  }
0x82: {  	_ =	shalt  }
0x83: {  	_ =	shalt  }
0x84: {  	_ =	shalt  }
0x85: {  	_ =	shalt  }
0x86: {  	_ =	shalt  }
0x87: {  	_ =	shalt  }
.Lfunc_end0:
.L_simem_size_0:
called_computation_lowered:
.L_overlay_start_0:
0x88: {  	s2 =	sld [smem:$0x3FD9]  }
0x89: {  	s3 =	sld [smem:$0x3FFE];
	_ =	sdelay $0x1  }
0x8a: {  	s1 =	srdreg.scid  }
0x8b: {  	s0 =	sand.u32 $0x1, s1  }
0x8c: {  	s17 =	sshll.u32 s0, $0xA;
	s2 =	sadd.s32 s3, s2  }
0x8d: {  	s2 =	sadd.s32 s2, s17  }
0x8e: {  	[smem:$0x3FC2] =	sst s2  }
0x8f: {  	_ = 	snop  }
0x90: {  	s2 =	sld [smem:$0x3FD0];
	(tm) =	ssettm $0x1  }
0x91: {  	s18 =	sld [smem:$0x3FFB];
	_ =	sdelay $0x3  }
0x92: {  	_ =	strace s18  }
0x93: {  	s3 =	sld [smem:$0x3FFC];
	_ =	sdelay $0x3  }
0x94: {  	_ =	strace s3  }
0x95: {  	s3 =	sld [smem:$0x3FFD];
	_ =	sdelay $0x3  }
0x96: {  	_ =	strace s3  }
0x97: {  	_ =	strace $0x8FFFFFFF  }
0x98: {  	s19 =	sld [smem:$0x3FDB];
	_ =	sdelay $0x1  }
0x99: {  	s4 =	simm.s32 $_scs_section_size  }
0x9a: {  	s5 =	simm.s32 $_size__tile_overlayer_lowered;
	s6 =	simm.s32 $_tile_overlayer_lowered  }
0x9b: {  	s22 =	simm.s32 $0x1BFF;
	s21 =	sshll.u32 s6, $0x1;
	s3 =	sadd.s32 s4, s19  }
0x9c: {  	s7 =	simm.s32 $0x0;
	s20 =	sshll.u32 s5, $0x1;
	s5 =	sadd.s32 s21, s3  }
0x9d: {  	[timem:s7], [sflag:s22] =	dma.local [hbm:s5], s20  }
0x9e: {  	_ =	swait.ge [sflag:s22], s20  }
0x9f: {  	s4 =	ssub.s32 $0x0, s20;
	[sflag:s22] =	ssyncset.done $0x0  }
0xa0: {  	[sflag:s22] =	ssyncadd.s32 s4;
	_ =	sdelay $0x1  }
0xa1: {  	s23 =	simm.s32 $0x1B8B  }
0xa2: {  	_ =	swait.ge [sflag:s23], $0x1  }
0xa3: {  	[sflag:s23] =	ssyncset.done $0x0  }
0xa4: {  	s25 =	simm.s32 $0x1B8E;
	s24 =	sld [smem:$0x3FFE];
	[sflag:s23] =	ssyncadd.s32 $0xFFFFFFFF  }
0xa5: {  	s26 =	simm.s32 $execute0_lowered;
	[smem:$0x3FD2] =	sst s25  }
0xa6: {  	s5 =	sshll.u32 s26, $0x1;
	_ =	strace $0x80000046;
	[dreg:$0x1] =	wrdreg $0xFFFFFFFF  }
0xa7: {  	s28 =	simm.s32 $_size_execute0_lowered;
	s3 =	sadd.s32 s3, s5;
	[dreg:$0x0] =	wrdreg $0x0  }
0xa8: {  	s5 =	sshll.u32 s28, $0x1;
	[dreg:$0x2] =	wrdreg s3  }
0xa9: {  	[dreg:$0x3] =	wrdreg s5  }
0xaa: {  	[dreg:$0x4] =	wrdreg $0xC0  }
0xab: {  	_ =	task [dreg:s7], $0x5FFFF  }
0xac: {  	[dreg:$0x1] =	wrdreg $0xFFFFFFFF  }
0xad: {  	[dreg:$0x0] =	wrdreg $0x60  }
0xae: {  	[dreg:$0x2] =	wrdreg s2  }
0xaf: {  	[dreg:$0x3] =	wrdreg s24  }
0xb0: {  	[dreg:$0x4] =	wrdreg $0x29E00  }
0xb1: {  	[dreg:$0x5] =	wrdreg $0x9  }
0xb2: {  	_ =	task.clear_ibuf [dreg:s7], $0x6FFFF;
	_ =	strace $0x90000046  }
0xb3: {  	s29 =	simm.s32 $0x9;
	_ =	strace $0x80000048  }
0xb4: {  	_ =	swait.ge [sflag:s29], $0x1  }
0xb5: {  	[sflag:s29] =	ssyncadd.s32 $0xFFFFFFFF  }
0xb6: {  	_ =	strace $0x90000048  }
0xb7: {  	_ =	sfence  }
0xb8: {  	s30 =	sld [smem:$0x0];
	_ =	sdelay $0x2  }
0xb9: {  	s31 =	sshll.u32 s1, $0xD;
	s1 =	sshrl.u32 s1, $0x2  }
0xba: {  	s3 =	sand.u32 $0x4000, s31;
	s1 =	sadd.s32 s1, s30  }
0xbb: {  	s0 =	sor.u32 s3, s0;
	s1 =	sshll.u32 s1, $0x11  }
0xbc: {  	s0 =	sor.u32 s1, s0  }
0xbd: {  	s0 =	sadd.s32 $0x8F2B, s0  }
0xbe: {  	[sflag:s0] =	ssyncadd.remote.s32 $0x1  }
0xbf: {  	_ =	sfence.sel $0xFFFF  }
0xc0: {  	[dreg:$0x0] =	wrdreg $0xFFFFFFFF;
	(pc) =	sbr.abs _section_cstart, $3  }
0xc1: {  	[dreg:$0x1] =	wrdreg $0xFFFFFFFF  }
0xc2: {  	_ =	task.clear_ibuf [dreg:s7], $0x2FFFF;
	_ =	strace $0x9FFFFFFF  }
0xc3: {  	(tm) =	ssettm $0x7FFFFFFF  }
tec
execute0_lowered:
.L_overlay_start_1:
0x0: {  	(tag) =	ssettag $0x1  }
0x1: {  	s4 =	rddreg [dreg:$0x0]  }
0x2: {  	s5 =	rddreg [dreg:$0x1];
	s0 =	srdreg.scid  }
0x3: {  	s2 =	rddreg [dreg:$0x2];
	s1 =	stileid.u32;
	s3 =	simm.s32 $0x0  }
0x4: {  	s11 =	simm.s32 $0x2710;
	s12 =	simm.s32 $0x1;
	s15 =	simm.s32 $0x0  }
0x5: {  	s6 =	sand.u32 $0x1, s0;
	s0 =	rddreg [dreg:$0x3];
	s7 =	smul.u32 $0x280, s1  }
0x6: {  	[smem:$0x7FF] =	sst s3;
	s13 =	sshll.u32 s1, $0x6;
	s8 =	sshll.u32 s6, $0x4  }
0x7: {  	s9 =	smul.u32 $0x2800, s6;
	s6 =	ssub.s32 $0x2, s6;
	s8 =	sor.u32 s1, s8  }
0x8: {  	_ =	strace $0x80000047;
	s10 =	sshrl.u32 s6, $0x1;
	s8 =	smul.u32 $0x2710, s8  }
0x9: {  	s13 =	sor.u32 $0x1C02, s13;
	s9 =	sadd.s32 s7, s9;
	s31 =	ssub.s32 s6, s10  }
0xa: {  	s10 =	simm.s32 $0x50;
	s9 =	sshrl.u32 s9, $0x3;
	s8 =	sshrl.u32 s8, $0x3  }
0xb: {  	s30 =	sadd.s32 s9, s5;
	s5 =	sadd.s32 s7, s2;
	s7 =	smax.u32 s31, $0x1  }
0xc: {  	s9 =	simm.s32 $0x2760;
	s4 =	sadd.s32 s4, s8;
	s6 =	sadd.s32 $0x1C00, s30  }
0xd: {  	v0 =	vimm.f32 $1.000000000e+00;
	v1 =	vimm.f32 $0.0e+00;
	s8 =	simm.s32 $0x2;
	s14 =	sshrl.u32 s5, $0x3;
	s4 =	sadd.s32 $0x9C40, s4  }
.LBB2_1:
0xe: {  	[tilespmem:$0x2710] =	vst v0  }
0xf: {  	[tilespmem:$0x2720] =	vst v0  }
0x10: {  	[tilespmem:$0x2730] =	vst v0  }
0x11: {  	[tilespmem:$0x2740] =	vst v0  }
0x12: {  	[tilespmem:$0x2750] =	vst v0  }
0x13: {  	[tilespmem:$0x2760] =	vst v1  }
0x14: {  	[tilespmem:$0x2770] =	vst v1  }
0x15: {  	[tilespmem:$0x2780] =	vst v1  }
0x16: {  	[tilespmem:$0x2790] =	vst v1  }
0x17: {  	[tilespmem:$0x27A0] =	vst v1  }
0x18: {  	[tilespmem:$0x27B0] =	vst v1  }
0x19: {  	[tilespmem:$0x27C0] =	vst v1  }
0x1a: {  	[tilespmem:$0x27D0] =	vst v1  }
0x1b: {  	[tilespmem:$0x27E0] =	vst v1  }
0x1c: {  	[tilespmem:$0x27F0] =	vst v1  }
0x1d: {  	[tilespmem:$0x2800] =	vst v1  }
0x1e: {  	[tilespmem:$0x2810] =	vst v1  }
0x1f: {  	[tilespmem:$0x2820] =	vst v1  }
0x20: {  	[tilespmem:$0x2830] =	vst v1  }
0x21: {  	[tilespmem:$0x2840] =	vst v1  }
0x22: {  	[tilespmem:$0x2850] =	vst v1  }
0x23: {  	[tilespmem:$0x2860] =	vst v1  }
0x24: {  	[tilespmem:$0x2870] =	vst v1  }
0x25: {  	[tilespmem:$0x2880] =	vst v1  }
0x26: {  	[tilespmem:$0x2890] =	vst v1  }
0x27: {  	[tilespmem:$0x28A0] =	vst v1  }
0x28: {  	[tilespmem:$0x28B0] =	vst v1  }
0x29: {  	[tilespmem:$0x28C0] =	vst v1  }
0x2a: {  	[tilespmem:$0x28D0] =	vst v1  }
0x2b: {  	[tilespmem:$0x28E0] =	vst v1  }
0x2c: {  	[tilespmem:$0x28F0] =	vst v1  }
0x2d: {  	[tilespmem:$0x2900] =	vst v1  }
0x2e: {  	[tilespmem:$0x2910] =	vst v1  }
0x2f: {  	[tilespmem:$0x2920] =	vst v1  }
0x30: {  	[tilespmem:$0x2930] =	vst v1  }
0x31: {  	[tilespmem:$0x2940] =	vst v1  }
0x32: {  	[tilespmem:$0x2950] =	vst v1  }
0x33: {  	[tilespmem:$0x2960] =	vst v1  }
0x34: {  	[tilespmem:$0x2970] =	vst v1  }
0x35: {  	[tilespmem:$0x2980] =	vst v1  }
0x36: {  	[tilespmem:$0x2990] =	vst v1  }
0x37: {  	[tilespmem:$0x29A0] =	vst v1  }
0x38: {  	[tilespmem:$0x29B0] =	vst v1  }
0x39: {  	[tilespmem:$0x29C0] =	vst v1  }
0x3a: {  	[tilespmem:$0x29D0] =	vst v1  }
0x3b: {  	[tilespmem:s3], [sflag:$0x2] =	stream.linear.gather [hbm4b:s4+s3], $0x2710, $0x38;
	[tilespmem:$0x2C60] =	vst v63  }
0x3c: {  	_ =	swait.ge [sflag:s8], $0x2710  }
0x3d: {  	[sflag:s8] =	ssyncset.done $0x0  }
0x3e: {  	[sflag:s8] =	ssyncadd.s32 $0xFFFFD8F0  }
0x3f: {  	[spmem:s5] =	stream.linear.scatter [tilespmem:s9], [sflag:$0x2], $0x280, $0x38;
	[tilespmem:$0x2C60] =	vst v63  }
0x40: {  	_ =	swait.ge [sflag:s8], $0x280  }
0x41: {  	[sflag:s8] =	ssyncset.done $0x0  }
0x42: {  	[sflag:s8] =	ssyncadd.s32 $0xFFFFFD80  }
0x43: {  	s16 =	simm.s32 $0x0;
	[bflag:$0x0] =	sbarrier.arrive $0xFFFF  }
0x44: {  	[spmem:s2] =	stream.indirect.scatter.add.f32 [tilespmem:s11], [sflag:$0x1], $0x1, s16, s10, $0xb8;
	[tilespmem:$0x2C60] =	vst v63  }
0x45: {  	s21 =	simm.s32 $0x50  }
0x46: {  	[spmem:s2] =	stream.indirect.scatter.add.f32 [tilespmem:s11], [sflag:$0x1], $0x1, s21, s10, $0xb8;
	[tilespmem:$0x2C60] =	vst v63  }
0x47: {  	s22 =	simm.s32 $0xA0  }
0x48: {  	[spmem:s2] =	stream.indirect.scatter.add.f32 [tilespmem:s11], [sflag:$0x1], $0x1, s22, s10, $0xb8;
	[tilespmem:$0x2C60] =	vst v63  }
0x49: {  	s23 =	simm.s32 $0xF0  }
0x4a: {  	[spmem:s2] =	stream.indirect.scatter.add.f32 [tilespmem:s11], [sflag:$0x1], $0x1, s23, s10, $0xb8;
	[tilespmem:$0x2C60] =	vst v63  }
0x4b: {  	s24 =	simm.s32 $0x140  }
0x4c: {  	[spmem:s2] =	stream.indirect.scatter.add.f32 [tilespmem:s11], [sflag:$0x1], $0x1, s24, s10, $0xb8;
	[tilespmem:$0x2C60] =	vst v63  }
0x4d: {  	s25 =	simm.s32 $0x190  }
0x4e: {  	[spmem:s2] =	stream.indirect.scatter.add.f32 [tilespmem:s11], [sflag:$0x1], $0x1, s25, s10, $0xb8;
	[tilespmem:$0x2C60] =	vst v63  }
0x4f: {  	s26 =	simm.s32 $0x1E0  }
0x50: {  	[spmem:s2] =	stream.indirect.scatter.add.f32 [tilespmem:s11], [sflag:$0x1], $0x1, s26, s10, $0xb8;
	[tilespmem:$0x2C60] =	vst v63  }
0x51: {  	s28 =	simm.s32 $0x230  }
0x52: {  	[spmem:s2] =	stream.indirect.scatter.add.f32 [tilespmem:s11], [sflag:$0x1], $0x1, s28, s10, $0xb8;
	[tilespmem:$0x2C60] =	vst v63  }
0x53: {  	s29 =	simm.s32 $0x280  }
0x54: {  	[spmem:s2] =	stream.indirect.scatter.add.f32 [tilespmem:s11], [sflag:$0x1], $0x1, s29, s10, $0xb8;
	[tilespmem:$0x2C60] =	vst v63  }
0x55: {  	s30 =	simm.s32 $0x2D0  }
0x56: {  	[spmem:s2] =	stream.indirect.scatter.add.f32 [tilespmem:s11], [sflag:$0x1], $0x1, s30, s10, $0xb8;
	[tilespmem:$0x2C60] =	vst v63  }
0x57: {  	s31 =	simm.s32 $0x320  }
0x58: {  	[spmem:s2] =	stream.indirect.scatter.add.f32 [tilespmem:s11], [sflag:$0x1], $0x1, s31, s10, $0xb8;
	[tilespmem:$0x2C60] =	vst v63  }
0x59: {  	s17 =	simm.s32 $0x370  }
0x5a: {  	[spmem:s2] =	stream.indirect.scatter.add.f32 [tilespmem:s11], [sflag:$0x1], $0x1, s17, s10, $0xb8;
	[tilespmem:$0x2C60] =	vst v63  }
0x5b: {  	s18 =	simm.s32 $0x3C0  }
0x5c: {  	[spmem:s2] =	stream.indirect.scatter.add.f32 [tilespmem:s11], [sflag:$0x1], $0x1, s18, s10, $0xb8;
	[tilespmem:$0x2C60] =	vst v63  }
0x5d: {  	s19 =	simm.s32 $0x410  }
0x5e: {  	[spmem:s2] =	stream.indirect.scatter.add.f32 [tilespmem:s11], [sflag:$0x1], $0x1, s19, s10, $0xb8;
	[tilespmem:$0x2C60] =	vst v63  }
0x5f: {  	s20 =	simm.s32 $0x460  }
0x60: {  	[spmem:s2] =	stream.indirect.scatter.add.f32 [tilespmem:s11], [sflag:$0x1], $0x1, s20, s10, $0xb8;
	[tilespmem:$0x2C60] =	vst v63  }
0x61: {  	s21 =	simm.s32 $0x4B0  }
0x62: {  	[spmem:s2] =	stream.indirect.scatter.add.f32 [tilespmem:s11], [sflag:$0x1], $0x1, s21, s10, $0xb8;
	[tilespmem:$0x2C60] =	vst v63  }
0x63: {  	s22 =	simm.s32 $0x500  }
0x64: {  	[spmem:s2] =	stream.indirect.scatter.add.f32 [tilespmem:s11], [sflag:$0x1], $0x1, s22, s10, $0xb8;
	[tilespmem:$0x2C60] =	vst v63  }
0x65: {  	s23 =	simm.s32 $0x550  }
0x66: {  	[spmem:s2] =	stream.indirect.scatter.add.f32 [tilespmem:s11], [sflag:$0x1], $0x1, s23, s10, $0xb8;
	[tilespmem:$0x2C60] =	vst v63  }
0x67: {  	s24 =	simm.s32 $0x5A0  }
0x68: {  	[spmem:s2] =	stream.indirect.scatter.add.f32 [tilespmem:s11], [sflag:$0x1], $0x1, s24, s10, $0xb8;
	[tilespmem:$0x2C60] =	vst v63  }
0x69: {  	s25 =	simm.s32 $0x5F0  }
0x6a: {  	[spmem:s2] =	stream.indirect.scatter.add.f32 [tilespmem:s11], [sflag:$0x1], $0x1, s25, s10, $0xb8;
	[tilespmem:$0x2C60] =	vst v63  }
0x6b: {  	s26 =	simm.s32 $0x640  }
0x6c: {  	[spmem:s2] =	stream.indirect.scatter.add.f32 [tilespmem:s11], [sflag:$0x1], $0x1, s26, s10, $0xb8;
	[tilespmem:$0x2C60] =	vst v63  }
0x6d: {  	s28 =	simm.s32 $0x690  }
0x6e: {  	[spmem:s2] =	stream.indirect.scatter.add.f32 [tilespmem:s11], [sflag:$0x1], $0x1, s28, s10, $0xb8;
	[tilespmem:$0x2C60] =	vst v63  }
0x6f: {  	s29 =	simm.s32 $0x6E0  }
0x70: {  	[spmem:s2] =	stream.indirect.scatter.add.f32 [tilespmem:s11], [sflag:$0x1], $0x1, s29, s10, $0xb8;
	[tilespmem:$0x2C60] =	vst v63  }
0x71: {  	s30 =	simm.s32 $0x730  }
0x72: {  	[spmem:s2] =	stream.indirect.scatter.add.f32 [tilespmem:s11], [sflag:$0x1], $0x1, s30, s10, $0xb8;
	[tilespmem:$0x2C60] =	vst v63  }
0x73: {  	s31 =	simm.s32 $0x780  }
0x74: {  	[spmem:s2] =	stream.indirect.scatter.add.f32 [tilespmem:s11], [sflag:$0x1], $0x1, s31, s10, $0xb8;
	[tilespmem:$0x2C60] =	vst v63  }
0x75: {  	_ =	swait.ge [sflag:s12], $0x50  }
0x76: {  	[sflag:s12] =	ssyncset.done $0x0  }
0x77: {  	[sflag:s12] =	ssyncadd.s32 $0xFFFFFFB0  }
0x78: {  	_ =	swait.ge [sflag:s12], $0x50  }
0x79: {  	[sflag:s12] =	ssyncset.done $0x0  }
0x7a: {  	[sflag:s12] =	ssyncadd.s32 $0xFFFFFFB0  }
0x7b: {  	_ =	swait.ge [sflag:s12], $0x50  }
0x7c: {  	[sflag:s12] =	ssyncset.done $0x0  }
0x7d: {  	[sflag:s12] =	ssyncadd.s32 $0xFFFFFFB0  }
0x7e: {  	_ =	swait.ge [sflag:s12], $0x50  }
0x7f: {  	[sflag:s12] =	ssyncset.done $0x0  }
0x80: {  	[sflag:s12] =	ssyncadd.s32 $0xFFFFFFB0  }
0x81: {  	_ =	swait.ge [sflag:s12], $0x50  }
0x82: {  	[sflag:s12] =	ssyncset.done $0x0  }
0x83: {  	[sflag:s12] =	ssyncadd.s32 $0xFFFFFFB0  }
0x84: {  	_ =	swait.ge [sflag:s12], $0x50  }
0x85: {  	[sflag:s12] =	ssyncset.done $0x0  }
0x86: {  	[sflag:s12] =	ssyncadd.s32 $0xFFFFFFB0  }
0x87: {  	_ =	swait.ge [sflag:s12], $0x50  }
0x88: {  	[sflag:s12] =	ssyncset.done $0x0  }
0x89: {  	[sflag:s12] =	ssyncadd.s32 $0xFFFFFFB0  }
0x8a: {  	_ =	swait.ge [sflag:s12], $0x50  }
0x8b: {  	[sflag:s12] =	ssyncset.done $0x0  }
0x8c: {  	[sflag:s12] =	ssyncadd.s32 $0xFFFFFFB0  }
0x8d: {  	_ =	swait.ge [sflag:s12], $0x50  }
0x8e: {  	[sflag:s12] =	ssyncset.done $0x0  }
0x8f: {  	[sflag:s12] =	ssyncadd.s32 $0xFFFFFFB0  }
0x90: {  	_ =	swait.ge [sflag:s12], $0x50  }
0x91: {  	[sflag:s12] =	ssyncset.done $0x0  }
0x92: {  	[sflag:s12] =	ssyncadd.s32 $0xFFFFFFB0  }
0x93: {  	_ =	swait.ge [sflag:s12], $0x50  }
0x94: {  	[sflag:s12] =	ssyncset.done $0x0  }
0x95: {  	[sflag:s12] =	ssyncadd.s32 $0xFFFFFFB0  }
0x96: {  	_ =	swait.ge [sflag:s12], $0x50  }
0x97: {  	[sflag:s12] =	ssyncset.done $0x0  }
0x98: {  	[sflag:s12] =	ssyncadd.s32 $0xFFFFFFB0  }
0x99: {  	_ =	swait.ge [sflag:s12], $0x50  }
0x9a: {  	[sflag:s12] =	ssyncset.done $0x0  }
0x9b: {  	[sflag:s12] =	ssyncadd.s32 $0xFFFFFFB0  }
0x9c: {  	_ =	swait.ge [sflag:s12], $0x50  }
0x9d: {  	[sflag:s12] =	ssyncset.done $0x0  }
0x9e: {  	[sflag:s12] =	ssyncadd.s32 $0xFFFFFFB0  }
0x9f: {  	_ =	swait.ge [sflag:s12], $0x50  }
0xa0: {  	[sflag:s12] =	ssyncset.done $0x0  }
0xa1: {  	[sflag:s12] =	ssyncadd.s32 $0xFFFFFFB0  }
0xa2: {  	_ =	swait.ge [sflag:s12], $0x50  }
0xa3: {  	[sflag:s12] =	ssyncset.done $0x0  }
0xa4: {  	[sflag:s12] =	ssyncadd.s32 $0xFFFFFFB0  }
0xa5: {  	_ =	swait.ge [sflag:s12], $0x50  }
0xa6: {  	[sflag:s12] =	ssyncset.done $0x0  }
0xa7: {  	[sflag:s12] =	ssyncadd.s32 $0xFFFFFFB0  }
0xa8: {  	_ =	swait.ge [sflag:s12], $0x50  }
0xa9: {  	[sflag:s12] =	ssyncset.done $0x0  }
0xaa: {  	[sflag:s12] =	ssyncadd.s32 $0xFFFFFFB0  }
0xab: {  	_ =	swait.ge [sflag:s12], $0x50  }
0xac: {  	[sflag:s12] =	ssyncset.done $0x0  }
0xad: {  	[sflag:s12] =	ssyncadd.s32 $0xFFFFFFB0  }
0xae: {  	_ =	swait.ge [sflag:s12], $0x50  }
0xaf: {  	[sflag:s12] =	ssyncset.done $0x0  }
0xb0: {  	[sflag:s12] =	ssyncadd.s32 $0xFFFFFFB0  }
0xb1: {  	_ =	swait.ge [sflag:s12], $0x50  }
0xb2: {  	[sflag:s12] =	ssyncset.done $0x0  }
0xb3: {  	[sflag:s12] =	ssyncadd.s32 $0xFFFFFFB0  }
0xb4: {  	_ =	swait.ge [sflag:s12], $0x50  }
0xb5: {  	[sflag:s12] =	ssyncset.done $0x0  }
0xb6: {  	[sflag:s12] =	ssyncadd.s32 $0xFFFFFFB0  }
0xb7: {  	_ =	swait.ge [sflag:s12], $0x50  }
0xb8: {  	[sflag:s12] =	ssyncset.done $0x0  }
0xb9: {  	[sflag:s12] =	ssyncadd.s32 $0xFFFFFFB0  }
0xba: {  	_ =	swait.ge [sflag:s12], $0x50  }
0xbb: {  	[sflag:s12] =	ssyncset.done $0x0  }
0xbc: {  	[sflag:s12] =	ssyncadd.s32 $0xFFFFFFB0  }
0xbd: {  	_ =	swait.ge [sflag:s12], $0x50  }
0xbe: {  	s16 =	simm.s32 $0x1F40;
	s19 =	simm.s32 $0x3E80;
	[sflag:s12] =	ssyncset.done $0x0  }
.LBB2_2:
0xbf: {  	s18 =	sshra.s32 s16, $0x2  }
0xc0: {  	[sflag:s12] =	ssyncadd.s32 $0xFFFFFFB0;
	s16 =	smov.u32 s19;
	s17 =	sadd.s32 $0x1F40, s19  }
0xc1: {  	[spmem:s2] =	stream.indirect.scatter.add.f32 [tilespmem:s11], [sflag:$0x1], $0x1, s18, s10, $0xb8;
	[tilespmem:$0x2C60] =	vst v63  }
0xc2: {  	p0 =	sne.s32 s19, $0x7D00;
	s19 =	sadd.s32 $0x50, s18  }
0xc3: {  	[spmem:s2] =	stream.indirect.scatter.add.f32 [tilespmem:s11], [sflag:$0x1], $0x1, s19, s10, $0xb8;
	[tilespmem:$0x2C60] =	vst v63  }
0xc4: {  	s19 =	sadd.s32 $0xA0, s18  }
0xc5: {  	[spmem:s2] =	stream.indirect.scatter.add.f32 [tilespmem:s11], [sflag:$0x1], $0x1, s19, s10, $0xb8;
	[tilespmem:$0x2C60] =	vst v63  }
0xc6: {  	s19 =	sadd.s32 $0xF0, s18  }
0xc7: {  	[spmem:s2] =	stream.indirect.scatter.add.f32 [tilespmem:s11], [sflag:$0x1], $0x1, s19, s10, $0xb8;
	[tilespmem:$0x2C60] =	vst v63  }
0xc8: {  	s19 =	sadd.s32 $0x140, s18  }
0xc9: {  	[spmem:s2] =	stream.indirect.scatter.add.f32 [tilespmem:s11], [sflag:$0x1], $0x1, s19, s10, $0xb8;
	[tilespmem:$0x2C60] =	vst v63  }
0xca: {  	s19 =	sadd.s32 $0x190, s18  }
0xcb: {  	[spmem:s2] =	stream.indirect.scatter.add.f32 [tilespmem:s11], [sflag:$0x1], $0x1, s19, s10, $0xb8;
	[tilespmem:$0x2C60] =	vst v63  }
0xcc: {  	s19 =	sadd.s32 $0x1E0, s18  }
0xcd: {  	[spmem:s2] =	stream.indirect.scatter.add.f32 [tilespmem:s11], [sflag:$0x1], $0x1, s19, s10, $0xb8;
	[tilespmem:$0x2C60] =	vst v63  }
0xce: {  	s19 =	sadd.s32 $0x230, s18  }
0xcf: {  	[spmem:s2] =	stream.indirect.scatter.add.f32 [tilespmem:s11], [sflag:$0x1], $0x1, s19, s10, $0xb8;
	[tilespmem:$0x2C60] =	vst v63  }
0xd0: {  	s19 =	sadd.s32 $0x280, s18  }
0xd1: {  	[spmem:s2] =	stream.indirect.scatter.add.f32 [tilespmem:s11], [sflag:$0x1], $0x1, s19, s10, $0xb8;
	[tilespmem:$0x2C60] =	vst v63  }
0xd2: {  	s19 =	sadd.s32 $0x2D0, s18  }
0xd3: {  	[spmem:s2] =	stream.indirect.scatter.add.f32 [tilespmem:s11], [sflag:$0x1], $0x1, s19, s10, $0xb8;
	[tilespmem:$0x2C60] =	vst v63  }
0xd4: {  	s19 =	sadd.s32 $0x320, s18  }
0xd5: {  	[spmem:s2] =	stream.indirect.scatter.add.f32 [tilespmem:s11], [sflag:$0x1], $0x1, s19, s10, $0xb8;
	[tilespmem:$0x2C60] =	vst v63  }
0xd6: {  	s19 =	sadd.s32 $0x370, s18  }
0xd7: {  	[spmem:s2] =	stream.indirect.scatter.add.f32 [tilespmem:s11], [sflag:$0x1], $0x1, s19, s10, $0xb8;
	[tilespmem:$0x2C60] =	vst v63  }
0xd8: {  	s19 =	sadd.s32 $0x3C0, s18  }
0xd9: {  	[spmem:s2] =	stream.indirect.scatter.add.f32 [tilespmem:s11], [sflag:$0x1], $0x1, s19, s10, $0xb8;
	[tilespmem:$0x2C60] =	vst v63  }
0xda: {  	s19 =	sadd.s32 $0x410, s18  }
0xdb: {  	[spmem:s2] =	stream.indirect.scatter.add.f32 [tilespmem:s11], [sflag:$0x1], $0x1, s19, s10, $0xb8;
	[tilespmem:$0x2C60] =	vst v63  }
0xdc: {  	s19 =	sadd.s32 $0x460, s18  }
0xdd: {  	[spmem:s2] =	stream.indirect.scatter.add.f32 [tilespmem:s11], [sflag:$0x1], $0x1, s19, s10, $0xb8;
	[tilespmem:$0x2C60] =	vst v63  }
0xde: {  	s19 =	sadd.s32 $0x4B0, s18  }
0xdf: {  	[spmem:s2] =	stream.indirect.scatter.add.f32 [tilespmem:s11], [sflag:$0x1], $0x1, s19, s10, $0xb8;
	[tilespmem:$0x2C60] =	vst v63  }
0xe0: {  	s19 =	sadd.s32 $0x500, s18  }
0xe1: {  	[spmem:s2] =	stream.indirect.scatter.add.f32 [tilespmem:s11], [sflag:$0x1], $0x1, s19, s10, $0xb8;
	[tilespmem:$0x2C60] =	vst v63  }
0xe2: {  	s19 =	sadd.s32 $0x550, s18  }
0xe3: {  	[spmem:s2] =	stream.indirect.scatter.add.f32 [tilespmem:s11], [sflag:$0x1], $0x1, s19, s10, $0xb8;
	[tilespmem:$0x2C60] =	vst v63  }
0xe4: {  	s19 =	sadd.s32 $0x5A0, s18  }
0xe5: {  	[spmem:s2] =	stream.indirect.scatter.add.f32 [tilespmem:s11], [sflag:$0x1], $0x1, s19, s10, $0xb8;
	[tilespmem:$0x2C60] =	vst v63  }
0xe6: {  	s19 =	sadd.s32 $0x5F0, s18  }
0xe7: {  	[spmem:s2] =	stream.indirect.scatter.add.f32 [tilespmem:s11], [sflag:$0x1], $0x1, s19, s10, $0xb8;
	[tilespmem:$0x2C60] =	vst v63  }
0xe8: {  	s19 =	sadd.s32 $0x640, s18  }
0xe9: {  	[spmem:s2] =	stream.indirect.scatter.add.f32 [tilespmem:s11], [sflag:$0x1], $0x1, s19, s10, $0xb8;
	[tilespmem:$0x2C60] =	vst v63  }
0xea: {  	s19 =	sadd.s32 $0x690, s18  }
0xeb: {  	[spmem:s2] =	stream.indirect.scatter.add.f32 [tilespmem:s11], [sflag:$0x1], $0x1, s19, s10, $0xb8;
	[tilespmem:$0x2C60] =	vst v63  }
0xec: {  	s19 =	sadd.s32 $0x6E0, s18  }
0xed: {  	[spmem:s2] =	stream.indirect.scatter.add.f32 [tilespmem:s11], [sflag:$0x1], $0x1, s19, s10, $0xb8;
	[tilespmem:$0x2C60] =	vst v63  }
0xee: {  	s19 =	sadd.s32 $0x730, s18  }
0xef: {  	[spmem:s2] =	stream.indirect.scatter.add.f32 [tilespmem:s11], [sflag:$0x1], $0x1, s19, s10, $0xb8;
	[tilespmem:$0x2C60] =	vst v63  }
0xf0: {  	s18 =	sadd.s32 $0x780, s18  }
0xf1: {  	[spmem:s2] =	stream.indirect.scatter.add.f32 [tilespmem:s11], [sflag:$0x1], $0x1, s18, s10, $0xb8;
	[tilespmem:$0x2C60] =	vst v63  }
0xf2: {  	_ =	swait.ge [sflag:s12], $0x50  }
0xf3: {  	[sflag:s12] =	ssyncset.done $0x0  }
0xf4: {  	[sflag:s12] =	ssyncadd.s32 $0xFFFFFFB0  }
0xf5: {  	_ =	swait.ge [sflag:s12], $0x50  }
0xf6: {  	[sflag:s12] =	ssyncset.done $0x0  }
0xf7: {  	[sflag:s12] =	ssyncadd.s32 $0xFFFFFFB0  }
0xf8: {  	_ =	swait.ge [sflag:s12], $0x50  }
0xf9: {  	[sflag:s12] =	ssyncset.done $0x0  }
0xfa: {  	[sflag:s12] =	ssyncadd.s32 $0xFFFFFFB0  }
0xfb: {  	_ =	swait.ge [sflag:s12], $0x50  }
0xfc: {  	[sflag:s12] =	ssyncset.done $0x0  }
0xfd: {  	[sflag:s12] =	ssyncadd.s32 $0xFFFFFFB0  }
0xfe: {  	_ =	swait.ge [sflag:s12], $0x50  }
0xff: {  	[sflag:s12] =	ssyncset.done $0x0  }
0x100: {  	[sflag:s12] =	ssyncadd.s32 $0xFFFFFFB0  }
0x101: {  	_ =	swait.ge [sflag:s12], $0x50  }
0x102: {  	[sflag:s12] =	ssyncset.done $0x0  }
0x103: {  	[sflag:s12] =	ssyncadd.s32 $0xFFFFFFB0  }
0x104: {  	_ =	swait.ge [sflag:s12], $0x50  }
0x105: {  	[sflag:s12] =	ssyncset.done $0x0  }
0x106: {  	[sflag:s12] =	ssyncadd.s32 $0xFFFFFFB0  }
0x107: {  	_ =	swait.ge [sflag:s12], $0x50  }
0x108: {  	[sflag:s12] =	ssyncset.done $0x0  }
0x109: {  	[sflag:s12] =	ssyncadd.s32 $0xFFFFFFB0  }
0x10a: {  	_ =	swait.ge [sflag:s12], $0x50  }
0x10b: {  	[sflag:s12] =	ssyncset.done $0x0  }
0x10c: {  	[sflag:s12] =	ssyncadd.s32 $0xFFFFFFB0  }
0x10d: {  	_ =	swait.ge [sflag:s12], $0x50  }
0x10e: {  	[sflag:s12] =	ssyncset.done $0x0  }
0x10f: {  	[sflag:s12] =	ssyncadd.s32 $0xFFFFFFB0  }
0x110: {  	_ =	swait.ge [sflag:s12], $0x50  }
0x111: {  	[sflag:s12] =	ssyncset.done $0x0  }
0x112: {  	[sflag:s12] =	ssyncadd.s32 $0xFFFFFFB0  }
0x113: {  	_ =	swait.ge [sflag:s12], $0x50  }
0x114: {  	[sflag:s12] =	ssyncset.done $0x0  }
0x115: {  	[sflag:s12] =	ssyncadd.s32 $0xFFFFFFB0  }
0x116: {  	_ =	swait.ge [sflag:s12], $0x50  }
0x117: {  	[sflag:s12] =	ssyncset.done $0x0  }
0x118: {  	[sflag:s12] =	ssyncadd.s32 $0xFFFFFFB0  }
0x119: {  	_ =	swait.ge [sflag:s12], $0x50  }
0x11a: {  	[sflag:s12] =	ssyncset.done $0x0  }
0x11b: {  	[sflag:s12] =	ssyncadd.s32 $0xFFFFFFB0  }
0x11c: {  	_ =	swait.ge [sflag:s12], $0x50  }
0x11d: {  	[sflag:s12] =	ssyncset.done $0x0  }
0x11e: {  	[sflag:s12] =	ssyncadd.s32 $0xFFFFFFB0  }
0x11f: {  	_ =	swait.ge [sflag:s12], $0x50  }
0x120: {  	[sflag:s12] =	ssyncset.done $0x0  }
0x121: {  	[sflag:s12] =	ssyncadd.s32 $0xFFFFFFB0  }
0x122: {  	_ =	swait.ge [sflag:s12], $0x50  }
0x123: {  	[sflag:s12] =	ssyncset.done $0x0  }
0x124: {  	[sflag:s12] =	ssyncadd.s32 $0xFFFFFFB0  }
0x125: {  	_ =	swait.ge [sflag:s12], $0x50  }
0x126: {  	[sflag:s12] =	ssyncset.done $0x0  }
0x127: {  	[sflag:s12] =	ssyncadd.s32 $0xFFFFFFB0  }
0x128: {  	_ =	swait.ge [sflag:s12], $0x50  }
0x129: {  	[sflag:s12] =	ssyncset.done $0x0  }
0x12a: {  	[sflag:s12] =	ssyncadd.s32 $0xFFFFFFB0  }
0x12b: {  	_ =	swait.ge [sflag:s12], $0x50  }
0x12c: {  	[sflag:s12] =	ssyncset.done $0x0  }
0x12d: {  	[sflag:s12] =	ssyncadd.s32 $0xFFFFFFB0  }
0x12e: {  	_ =	swait.ge [sflag:s12], $0x50  }
0x12f: {  	[sflag:s12] =	ssyncset.done $0x0  }
0x130: {  	[sflag:s12] =	ssyncadd.s32 $0xFFFFFFB0  }
0x131: {  	_ =	swait.ge [sflag:s12], $0x50  }
0x132: {  	[sflag:s12] =	ssyncset.done $0x0  }
0x133: {  	[sflag:s12] =	ssyncadd.s32 $0xFFFFFFB0  }
0x134: {  	_ =	swait.ge [sflag:s12], $0x50  }
0x135: {  	[sflag:s12] =	ssyncset.done $0x0  }
0x136: {  	[sflag:s12] =	ssyncadd.s32 $0xFFFFFFB0  }
.Ltmp0:
0x137: {  	_ =	swait.ge [sflag:s12], $0x50;
	(pc) =	sbr.rel @p0 .LBB2_2-.Ltmp0, $4  }
0x138: {  	[sflag:s12] =	ssyncset.done $0x0  }
0x139: {  	[sflag:s12] =	ssyncadd.s32 $0xFFFFFFB0  }
0x13a: {  	_ =	swait.ge [sflag:s12], $0x50  }
0x13b: {  	s19 =	smov.u32 s17;
	[sflag:s12] =	ssyncset.done $0x0  }
0x13c: {  	s16 =	sshra.s32 s16, $0x2;
	[sflag:s12] =	ssyncadd.s32 $0xFFFFFFB0  }
0x13d: {  	[spmem:s2] =	stream.indirect.scatter.add.f32 [tilespmem:s11], [sflag:$0x1], $0x1, s16, s10, $0xb8;
	[tilespmem:$0x2C60] =	vst v63  }
0x13e: {  	s17 =	sadd.s32 $0x50, s16  }
0x13f: {  	[spmem:s2] =	stream.indirect.scatter.add.f32 [tilespmem:s11], [sflag:$0x1], $0x1, s17, s10, $0xb8;
	[tilespmem:$0x2C60] =	vst v63  }
0x140: {  	s22 =	sadd.s32 $0xA0, s16  }
0x141: {  	[spmem:s2] =	stream.indirect.scatter.add.f32 [tilespmem:s11], [sflag:$0x1], $0x1, s22, s10, $0xb8;
	[tilespmem:$0x2C60] =	vst v63  }
0x142: {  	s23 =	sadd.s32 $0xF0, s16  }
0x143: {  	[spmem:s2] =	stream.indirect.scatter.add.f32 [tilespmem:s11], [sflag:$0x1], $0x1, s23, s10, $0xb8;
	[tilespmem:$0x2C60] =	vst v63  }
0x144: {  	s24 =	sadd.s32 $0x140, s16  }
0x145: {  	[spmem:s2] =	stream.indirect.scatter.add.f32 [tilespmem:s11], [sflag:$0x1], $0x1, s24, s10, $0xb8;
	[tilespmem:$0x2C60] =	vst v63  }
0x146: {  	s25 =	sadd.s32 $0x190, s16  }
0x147: {  	[spmem:s2] =	stream.indirect.scatter.add.f32 [tilespmem:s11], [sflag:$0x1], $0x1, s25, s10, $0xb8;
	[tilespmem:$0x2C60] =	vst v63  }
0x148: {  	s26 =	sadd.s32 $0x1E0, s16  }
0x149: {  	[spmem:s2] =	stream.indirect.scatter.add.f32 [tilespmem:s11], [sflag:$0x1], $0x1, s26, s10, $0xb8;
	[tilespmem:$0x2C60] =	vst v63  }
0x14a: {  	s28 =	sadd.s32 $0x230, s16  }
0x14b: {  	[spmem:s2] =	stream.indirect.scatter.add.f32 [tilespmem:s11], [sflag:$0x1], $0x1, s28, s10, $0xb8;
	[tilespmem:$0x2C60] =	vst v63  }
0x14c: {  	s29 =	sadd.s32 $0x280, s16  }
0x14d: {  	[spmem:s2] =	stream.indirect.scatter.add.f32 [tilespmem:s11], [sflag:$0x1], $0x1, s29, s10, $0xb8;
	[tilespmem:$0x2C60] =	vst v63  }
0x14e: {  	s30 =	sadd.s32 $0x2D0, s16  }
0x14f: {  	[spmem:s2] =	stream.indirect.scatter.add.f32 [tilespmem:s11], [sflag:$0x1], $0x1, s30, s10, $0xb8;
	[tilespmem:$0x2C60] =	vst v63  }
0x150: {  	s31 =	sadd.s32 $0x320, s16  }
0x151: {  	[spmem:s2] =	stream.indirect.scatter.add.f32 [tilespmem:s11], [sflag:$0x1], $0x1, s31, s10, $0xb8;
	[tilespmem:$0x2C60] =	vst v63  }
0x152: {  	s18 =	sadd.s32 $0x370, s16  }
0x153: {  	[spmem:s2] =	stream.indirect.scatter.add.f32 [tilespmem:s11], [sflag:$0x1], $0x1, s18, s10, $0xb8;
	[tilespmem:$0x2C60] =	vst v63  }
0x154: {  	s19 =	sadd.s32 $0x3C0, s16  }
0x155: {  	[spmem:s2] =	stream.indirect.scatter.add.f32 [tilespmem:s11], [sflag:$0x1], $0x1, s19, s10, $0xb8;
	[tilespmem:$0x2C60] =	vst v63  }
0x156: {  	s20 =	sadd.s32 $0x410, s16  }
0x157: {  	[spmem:s2] =	stream.indirect.scatter.add.f32 [tilespmem:s11], [sflag:$0x1], $0x1, s20, s10, $0xb8;
	[tilespmem:$0x2C60] =	vst v63  }
0x158: {  	s21 =	sadd.s32 $0x460, s16  }
0x159: {  	[spmem:s2] =	stream.indirect.scatter.add.f32 [tilespmem:s11], [sflag:$0x1], $0x1, s21, s10, $0xb8;
	[tilespmem:$0x2C60] =	vst v63  }
0x15a: {  	s22 =	sadd.s32 $0x4B0, s16  }
0x15b: {  	[spmem:s2] =	stream.indirect.scatter.add.f32 [tilespmem:s11], [sflag:$0x1], $0x1, s22, s10, $0xb8;
	[tilespmem:$0x2C60] =	vst v63  }
0x15c: {  	s23 =	sadd.s32 $0x500, s16  }
0x15d: {  	[spmem:s2] =	stream.indirect.scatter.add.f32 [tilespmem:s11], [sflag:$0x1], $0x1, s23, s10, $0xb8;
	[tilespmem:$0x2C60] =	vst v63  }
0x15e: {  	s24 =	sadd.s32 $0x550, s16  }
0x15f: {  	[spmem:s2] =	stream.indirect.scatter.add.f32 [tilespmem:s11], [sflag:$0x1], $0x1, s24, s10, $0xb8;
	[tilespmem:$0x2C60] =	vst v63  }
0x160: {  	s25 =	sadd.s32 $0x5A0, s16  }
0x161: {  	[spmem:s2] =	stream.indirect.scatter.add.f32 [tilespmem:s11], [sflag:$0x1], $0x1, s25, s10, $0xb8;
	[tilespmem:$0x2C60] =	vst v63  }
0x162: {  	s26 =	sadd.s32 $0x5F0, s16  }
0x163: {  	[spmem:s2] =	stream.indirect.scatter.add.f32 [tilespmem:s11], [sflag:$0x1], $0x1, s26, s10, $0xb8;
	[tilespmem:$0x2C60] =	vst v63  }
0x164: {  	s28 =	sadd.s32 $0x640, s16  }
0x165: {  	[spmem:s2] =	stream.indirect.scatter.add.f32 [tilespmem:s11], [sflag:$0x1], $0x1, s28, s10, $0xb8;
	[tilespmem:$0x2C60] =	vst v63  }
0x166: {  	s29 =	sadd.s32 $0x690, s16  }
0x167: {  	[spmem:s2] =	stream.indirect.scatter.add.f32 [tilespmem:s11], [sflag:$0x1], $0x1, s29, s10, $0xb8;
	[tilespmem:$0x2C60] =	vst v63  }
0x168: {  	s30 =	sadd.s32 $0x6E0, s16  }
0x169: {  	[spmem:s2] =	stream.indirect.scatter.add.f32 [tilespmem:s11], [sflag:$0x1], $0x1, s30, s10, $0xb8;
	[tilespmem:$0x2C60] =	vst v63  }
0x16a: {  	s31 =	sadd.s32 $0x730, s16  }
0x16b: {  	[spmem:s2] =	stream.indirect.scatter.add.f32 [tilespmem:s11], [sflag:$0x1], $0x1, s31, s10, $0xb8;
	[tilespmem:$0x2C60] =	vst v63  }
0x16c: {  	s16 =	sadd.s32 $0x780, s16  }
0x16d: {  	[spmem:s2] =	stream.indirect.scatter.add.f32 [tilespmem:s11], [sflag:$0x1], $0x1, s16, s10, $0xb8;
	[tilespmem:$0x2C60] =	vst v63  }
0x16e: {  	_ =	swait.ge [sflag:s12], $0x50  }
0x16f: {  	[sflag:s12] =	ssyncset.done $0x0  }
0x170: {  	[sflag:s12] =	ssyncadd.s32 $0xFFFFFFB0  }
0x171: {  	_ =	swait.ge [sflag:s12], $0x50  }
0x172: {  	[sflag:s12] =	ssyncset.done $0x0  }
0x173: {  	[sflag:s12] =	ssyncadd.s32 $0xFFFFFFB0  }
0x174: {  	_ =	swait.ge [sflag:s12], $0x50  }
0x175: {  	[sflag:s12] =	ssyncset.done $0x0  }
0x176: {  	[sflag:s12] =	ssyncadd.s32 $0xFFFFFFB0  }
0x177: {  	_ =	swait.ge [sflag:s12], $0x50  }
0x178: {  	[sflag:s12] =	ssyncset.done $0x0  }
0x179: {  	[sflag:s12] =	ssyncadd.s32 $0xFFFFFFB0  }
0x17a: {  	_ =	swait.ge [sflag:s12], $0x50  }
0x17b: {  	[sflag:s12] =	ssyncset.done $0x0  }
0x17c: {  	[sflag:s12] =	ssyncadd.s32 $0xFFFFFFB0  }
0x17d: {  	_ =	swait.ge [sflag:s12], $0x50  }
0x17e: {  	[sflag:s12] =	ssyncset.done $0x0  }
0x17f: {  	[sflag:s12] =	ssyncadd.s32 $0xFFFFFFB0  }
0x180: {  	_ =	swait.ge [sflag:s12], $0x50  }
0x181: {  	[sflag:s12] =	ssyncset.done $0x0  }
0x182: {  	[sflag:s12] =	ssyncadd.s32 $0xFFFFFFB0  }
0x183: {  	_ =	swait.ge [sflag:s12], $0x50  }
0x184: {  	[sflag:s12] =	ssyncset.done $0x0  }
0x185: {  	[sflag:s12] =	ssyncadd.s32 $0xFFFFFFB0  }
0x186: {  	_ =	swait.ge [sflag:s12], $0x50  }
0x187: {  	[sflag:s12] =	ssyncset.done $0x0  }
0x188: {  	[sflag:s12] =	ssyncadd.s32 $0xFFFFFFB0  }
0x189: {  	_ =	swait.ge [sflag:s12], $0x50  }
0x18a: {  	[sflag:s12] =	ssyncset.done $0x0  }
0x18b: {  	[sflag:s12] =	ssyncadd.s32 $0xFFFFFFB0  }
0x18c: {  	_ =	swait.ge [sflag:s12], $0x50  }
0x18d: {  	[sflag:s12] =	ssyncset.done $0x0  }
0x18e: {  	[sflag:s12] =	ssyncadd.s32 $0xFFFFFFB0  }
0x18f: {  	_ =	swait.ge [sflag:s12], $0x50  }
0x190: {  	[sflag:s12] =	ssyncset.done $0x0  }
0x191: {  	[sflag:s12] =	ssyncadd.s32 $0xFFFFFFB0  }
0x192: {  	_ =	swait.ge [sflag:s12], $0x50  }
0x193: {  	[sflag:s12] =	ssyncset.done $0x0  }
0x194: {  	[sflag:s12] =	ssyncadd.s32 $0xFFFFFFB0  }
0x195: {  	_ =	swait.ge [sflag:s12], $0x50  }
0x196: {  	[sflag:s12] =	ssyncset.done $0x0  }
0x197: {  	[sflag:s12] =	ssyncadd.s32 $0xFFFFFFB0  }
0x198: {  	_ =	swait.ge [sflag:s12], $0x50  }
0x199: {  	[sflag:s12] =	ssyncset.done $0x0  }
0x19a: {  	[sflag:s12] =	ssyncadd.s32 $0xFFFFFFB0  }
0x19b: {  	_ =	swait.ge [sflag:s12], $0x50  }
0x19c: {  	[sflag:s12] =	ssyncset.done $0x0  }
0x19d: {  	[sflag:s12] =	ssyncadd.s32 $0xFFFFFFB0  }
0x19e: {  	_ =	swait.ge [sflag:s12], $0x50  }
0x19f: {  	[sflag:s12] =	ssyncset.done $0x0  }
0x1a0: {  	[sflag:s12] =	ssyncadd.s32 $0xFFFFFFB0  }
0x1a1: {  	_ =	swait.ge [sflag:s12], $0x50  }
0x1a2: {  	[sflag:s12] =	ssyncset.done $0x0  }
0x1a3: {  	[sflag:s12] =	ssyncadd.s32 $0xFFFFFFB0  }
0x1a4: {  	_ =	swait.ge [sflag:s12], $0x50  }
0x1a5: {  	[sflag:s12] =	ssyncset.done $0x0  }
0x1a6: {  	[sflag:s12] =	ssyncadd.s32 $0xFFFFFFB0  }
0x1a7: {  	_ =	swait.ge [sflag:s12], $0x50  }
0x1a8: {  	[sflag:s12] =	ssyncset.done $0x0  }
0x1a9: {  	[sflag:s12] =	ssyncadd.s32 $0xFFFFFFB0  }
0x1aa: {  	_ =	swait.ge [sflag:s12], $0x50  }
0x1ab: {  	[sflag:s12] =	ssyncset.done $0x0  }
0x1ac: {  	[sflag:s12] =	ssyncadd.s32 $0xFFFFFFB0  }
0x1ad: {  	_ =	swait.ge [sflag:s12], $0x50  }
0x1ae: {  	[sflag:s12] =	ssyncset.done $0x0  }
0x1af: {  	[sflag:s12] =	ssyncadd.s32 $0xFFFFFFB0  }
0x1b0: {  	_ =	swait.ge [sflag:s12], $0x50  }
0x1b1: {  	[sflag:s12] =	ssyncset.done $0x0  }
0x1b2: {  	[sflag:s12] =	ssyncadd.s32 $0xFFFFFFB0  }
0x1b3: {  	_ =	swait.ge [sflag:s12], $0x50  }
0x1b4: {  	[sflag:s12] =	ssyncset.done $0x0  }
0x1b5: {  	[sflag:s12] =	ssyncadd.s32 $0xFFFFFFB0  }
0x1b6: {  	_ =	swait.ge [sflag:s12], $0x50  }
0x1b7: {  	s15 =	sadd.s32 $0x1, s15;
	[sflag:s12] =	ssyncset.done $0x0  }
0x1b8: {  	p0 =	sne.s32 s15, s7;
	[sflag:s12] =	ssyncadd.s32 $0xFFFFFFB0  }
.Ltmp1:
0x1b9: {  	[bflag:$0x0] =	sbarrier.arrive $0xFFFF;
	(pc) =	sbr.rel @p0 .LBB2_1-.Ltmp1, $4  }
0x1ba: {  	[hbm:s6], [sflag:s13] =	dma.local [spmem:s14], $0x50  }
0x1bb: {  	_ =	swait.ge [sflag:s8], $0x50  }
0x1bc: {  	[sflag:s8] =	ssyncset.done $0x0  }
0x1bd: {  	[sflag:s8] =	ssyncadd.s32 $0xFFFFFFB0  }
0x1be: {  	_ =	sfence.sel $0x180000  }
0x1bf: {  	[bflag:$0x0] =	sbarrier.arrive $0xFFFF  }
0x1c0: {  	p0 =	sne.s32 s1, $0x0;
	_ =	strace $0x90000047  }
0x1c1: {  	s0 =	sadd.s32 @!p0 $0x100000, s0;
	[bflag:$0x2] =	sbarrier.arrive $0xFFFF  }
0x1c2: {  	[sflag:s0] =	ssyncadd.tile.s32 @!p0 $0x1;
	_ =	shalt  }
.Lfunc_end2:
_tile_overlayer_lowered:
.L_overlay_start_2:
0x1c3: {  	(tag) =	ssettag $0x2  }
0x1c4: {  	s0 =	rddreg [dreg:$0x0];
	s2 =	stileid.u32  }
0x1c5: {  	s1 =	rddreg [dreg:$0x1];
	p0 =	sne.s32 s2, $0x0  }
0x1c6: {  	s3 =	rddreg [dreg:$0x2];
	[bflag:$0x3] =	sbarrier.arrive $0xFFFF;
	s2 =	simm.s32 @!p0 $0x1C02  }
0x1c7: {  	[timem:s3], [sflag:s2] =	dma.local @!p0 [hbm:s0], s1  }
0x1c8: {  	s0 =	simm.s32 @!p0 $0x2  }
0x1c9: {  	_ =	swait.ge @!p0 [sflag:s0], s1  }
0x1ca: {  	s1 =	ssub.s32 @!p0 $0x0, s1;
	[sflag:s0] =	ssyncset.done @!p0 $0x0  }
0x1cb: {  	[sflag:s0] =	ssyncadd.s32 @!p0 s1  }
0x1cc: {  	[bflag:$0x3] =	sbarrier.arrive $0xFFFF  }
0x1cd: {  	_ =	shalt  }

</sc_bundles>
